<compile_context>
chip_gen: v7x
topology: tpu7x:2x2x1
jax: 0.10.2.dev20260603
libtpu: 0.0.44.dev20260713+nightly
codegen_flags: <defaults>
</compile_context>

<pallas_src>
import functools

import jax
import jax.numpy as jnp
from jax import lax
from jax.experimental import pallas as pl
from jax.experimental.pallas import tpu as pltpu
from jax.experimental.pallas import tpu_sc as plsc

_FEAT = 128
_BATCH = 16384
_NUM_WORKERS = 32
_ROWS_PER_WORKER = _BATCH // _NUM_WORKERS
_CHUNK = 64
_NCHUNK = _ROWS_PER_WORKER // _CHUNK
_NBUF = 4
_LANES = 16
_VECS_PER_ROW = _FEAT // _LANES
_LOSS_WEIGHT = 1.0

_mesh = plsc.VectorSubcoreMesh(core_axis_name="c", subcore_axis_name="s")


@functools.partial(
    pl.kernel,
    mesh=_mesh,
    out_type=jax.ShapeDtypeStruct((_NUM_WORKERS, _LANES), jnp.float32),
    compiler_params=pltpu.CompilerParams(needs_layout_passes=False),
    scratch_types=[
        pltpu.VMEM((_NCHUNK, _CHUNK), jnp.int32),
        pltpu.VMEM((_NBUF, _CHUNK, _FEAT), jnp.float32),
        pltpu.VMEM((_NBUF, _CHUNK, _FEAT), jnp.float32),
        pltpu.VMEM((_LANES,), jnp.float32),
        pltpu.SemaphoreType.DMA,
        pltpu.SemaphoreType.DMA,
        pltpu.SemaphoreType.DMA,
        pltpu.SemaphoreType.DMA,
        pltpu.SemaphoreType.DMA,
        pltpu.SemaphoreType.DMA,
        pltpu.SemaphoreType.DMA,
        pltpu.SemaphoreType.DMA,
    ],
)
def _center_loss_sc(x_hbm, idx_hbm, tab_hbm, out_hbm,
                    idx_v, xring, cring, obuf,
                    sem_x0, sem_x1, sem_x2, sem_x3,
                    sem_c0, sem_c1, sem_c2, sem_c3):
    wid = lax.axis_index("s") * 2 + lax.axis_index("c")
    base = wid * _ROWS_PER_WORKER
    xsems = (sem_x0, sem_x1, sem_x2, sem_x3)
    csems = (sem_c0, sem_c1, sem_c2, sem_c3)

    xps = [None] * _NCHUNK
    cps = [None] * _NCHUNK
    for k in range(_NBUF):
        xps[k] = pltpu.async_copy(
            x_hbm.at[pl.ds(base + k * _CHUNK, _CHUNK)], xring.at[k],
            xsems[k])
    pltpu.sync_copy(idx_hbm.at[wid], idx_v)
    for k in range(_NBUF):
        cps[k] = pltpu.async_copy(tab_hbm.at[idx_v.at[k]], cring.at[k],
                                  csems[k])

    zero = jnp.zeros((_LANES,), jnp.float32)
    accs = (zero, zero, zero, zero)

    for k in range(_NCHUNK):
        xps[k].wait()
        cps[k].wait()
        xbuf = xring.at[k % _NBUF]
        cbuf = cring.at[k % _NBUF]

        @plsc.parallel_loop(0, _CHUNK, unroll=2, carry=accs)
        def row_body(r, acc, _xbuf=xbuf, _cbuf=cbuf):
            a0, a1, a2, a3 = acc
            for j in range(_VECS_PER_ROW):
                xv = _xbuf[r, pl.ds(j * _LANES, _LANES)]
                cv = _cbuf[r, pl.ds(j * _LANES, _LANES)]
                d = xv - cv
                if j % 4 == 0:
                    a0 = a0 + d * d
                elif j % 4 == 1:
                    a1 = a1 + d * d
                elif j % 4 == 2:
                    a2 = a2 + d * d
                else:
                    a3 = a3 + d * d
            return (a0, a1, a2, a3)

        accs = row_body
        if k + _NBUF < _NCHUNK:
            xps[k + _NBUF] = pltpu.async_copy(
                x_hbm.at[pl.ds(base + (k + _NBUF) * _CHUNK, _CHUNK)],
                xring.at[k % _NBUF], xsems[k % _NBUF])
            cps[k + _NBUF] = pltpu.async_copy(
                tab_hbm.at[idx_v.at[k + _NBUF]], cring.at[k % _NBUF],
                csems[k % _NBUF])

    obuf[...] = (accs[0] + accs[1]) + (accs[2] + accs[3])
    pltpu.sync_copy(obuf, out_hbm.at[wid])


def kernel(inputs, targets, centers):
    idx = targets.astype(jnp.int32).reshape(_NUM_WORKERS, _NCHUNK, _CHUNK)
    partials = _center_loss_sc(inputs, idx, centers)
    return jnp.sum(partials) * (_LOSS_WEIGHT / _BATCH)

# --- scband reference (transcript-rebuilt; emitter-appended) ---
"""Pipeline reference for scband-center-loss-89988154785793 (READ-ONLY COPY).

The authoritative reference and input builder live on the scoring server;
editing this copy changes nothing except your own understanding.
"""

import jax, jax.numpy as jnp
import numpy as np

NUM_CLASSES = 100000
FEAT_DIM = 128
BATCH = 16384
LOSS_WEIGHT = 1.0


def setup_inputs(seed: int = 0) -> dict:
    key = jax.random.key(seed)
    k1, k2, k3 = jax.random.split(key, 3)
    inputs = jax.random.normal(k1, (BATCH, FEAT_DIM), dtype=jnp.float32)
    targets = jax.random.randint(k2, (BATCH,), 0, NUM_CLASSES, dtype=jnp.int64)
    centers = jax.random.normal(k3, (NUM_CLASSES, FEAT_DIM), dtype=jnp.float32)
    return {"inputs": inputs, "targets": targets, "centers": centers}


def reference(inputs, targets, centers):
    # center = self.centers[targets]  -> gather rows from class-center table
    center = jnp.take(centers, targets, axis=0)
    # dist = (inputs - center).pow(2).sum(dim=-1)
    dist = jnp.sum((inputs - center) ** 2, axis=-1)
    # loss = clamp(dist, 1e-12, 1e12).mean(dim=-1)
    loss = jnp.mean(jnp.clip(dist, 1e-12, 1000000000000.0), axis=-1)
    return LOSS_WEIGHT * loss

if __name__ == "__main__":
    import jax
    _d = setup_inputs()
    print(jax.jit(kernel)(*tuple(_d.values())))

</pallas_src>

<mosaic_0001>
#map = affine_map<(d0, d1) -> (0, 0)>
#map1 = affine_map<(d0, d1) -> (0, 0, 0)>
module attributes {stable_mosaic.version = 14 : i64} {
  func.func @_center_loss_sc(%arg0: i32, %arg1: i32, %arg2: memref<16384x128xf32, #tpu.memory_space<hbm>>, %arg3: memref<32x8x64xi32, #tpu.memory_space<hbm>>, %arg4: memref<100000x128xf32, #tpu.memory_space<hbm>>, %arg5: memref<32x16xf32, #tpu.memory_space<hbm>>, %arg6: memref<8x64xi32, #tpu.memory_space<vmem>>, %arg7: memref<4x64x128xf32, #tpu.memory_space<vmem>>, %arg8: memref<4x64x128xf32, #tpu.memory_space<vmem>>, %arg9: memref<16xf32, #tpu.memory_space<vmem>>, %arg10: memref<!tpu.dma_semaphore, #tpu.memory_space<semaphore_mem>>, %arg11: memref<!tpu.dma_semaphore, #tpu.memory_space<semaphore_mem>>, %arg12: memref<!tpu.dma_semaphore, #tpu.memory_space<semaphore_mem>>, %arg13: memref<!tpu.dma_semaphore, #tpu.memory_space<semaphore_mem>>, %arg14: memref<!tpu.dma_semaphore, #tpu.memory_space<semaphore_mem>>, %arg15: memref<!tpu.dma_semaphore, #tpu.memory_space<semaphore_mem>>, %arg16: memref<!tpu.dma_semaphore, #tpu.memory_space<semaphore_mem>>, %arg17: memref<!tpu.dma_semaphore, #tpu.memory_space<semaphore_mem>>) attributes {dimension_semantics = [#tpu.dimension_semantics<core_parallel>, #tpu.dimension_semantics<subcore_parallel>], iteration_bounds = array<i64: 2, 16>, scalar_prefetch = 0 : i64, scratch_operands = 12 : i64, tpu.core_type = #tpu.core_type<sc_vector_subcore>, window_params = [{transform_indices = #map}, {transform_indices = #map1}, {transform_indices = #map}, {transform_indices = #map}]} {
    %mul3A = arith.constant 2 : i32
    %mul3A_0 = arith.muli %arg1, %mul3A : i32
    %add3A = arith.addi %mul3A_0, %arg0 : i32
    %mul3A_1 = arith.constant 512 : i32
    %mul3A_2 = arith.muli %add3A, %mul3A_1 : i32
    %add3A_3 = arith.constant 0 : i32
    %add3A_4 = arith.addi %mul3A_2, %add3A_3 : i32
    %dma_start3A = arith.constant 0 : i32
    %dma_start3A_5 = arith.constant 0 : i32
    %dma_start3A_6 = arith.constant 0 : i32
    %dma_start3A_7 = tpu.memref_slice %arg7[%dma_start3A, %dma_start3A_5, %dma_start3A_6] : memref<4x64x128xf32, #tpu.memory_space<vmem>> -> memref<1x64x128xf32, #tpu.memory_space<vmem>>
    %dma_start3A_8 = tpu.memref_squeeze %dma_start3A_7 : memref<1x64x128xf32, #tpu.memory_space<vmem>> -> memref<64x128xf32, #tpu.memory_space<vmem>>
    %dma_start3A_9 = arith.constant 0 : i32
    %dma_start3A_10 = tpu.memref_slice %arg2[%add3A_4, %dma_start3A_9] : memref<16384x128xf32, #tpu.memory_space<hbm>> -> memref<64x128xf32, #tpu.memory_space<hbm>>
    %dma_start3A_11 = arith.constant 0 : i32
    %dma_start3A_12 = arith.constant 0 : i32
    %dma_start3A_13 = tpu.memref_slice %arg7[%dma_start3A, %dma_start3A_11, %dma_start3A_12] : memref<4x64x128xf32, #tpu.memory_space<vmem>> -> memref<1x64x128xf32, #tpu.memory_space<vmem>>
    %dma_start3A_14 = tpu.memref_squeeze %dma_start3A_13 : memref<1x64x128xf32, #tpu.memory_space<vmem>> -> memref<64x128xf32, #tpu.memory_space<vmem>>
    %dma_start3A_15 = arith.constant 0 : i32
    %dma_start3A_16 = tpu.memref_slice %arg2[%add3A_4, %dma_start3A_15] : memref<16384x128xf32, #tpu.memory_space<hbm>> -> memref<64x128xf32, #tpu.memory_space<hbm>>
    tpu.enqueue_dma source(%dma_start3A_16 : memref<64x128xf32, #tpu.memory_space<hbm>>) target(%dma_start3A_14 : memref<64x128xf32, #tpu.memory_space<vmem>>) target_semaphore(%arg10 : memref<!tpu.dma_semaphore, #tpu.memory_space<semaphore_mem>>)
    %add3A_17 = arith.constant 64 : i32
    %add3A_18 = arith.addi %mul3A_2, %add3A_17 : i32
    %dma_start3A_19 = arith.constant 1 : i32
    %dma_start3A_20 = arith.constant 0 : i32
    %dma_start3A_21 = arith.constant 0 : i32
    %dma_start3A_22 = tpu.memref_slice %arg7[%dma_start3A_19, %dma_start3A_20, %dma_start3A_21] : memref<4x64x128xf32, #tpu.memory_space<vmem>> -> memref<1x64x128xf32, #tpu.memory_space<vmem>>
    %dma_start3A_23 = tpu.memref_squeeze %dma_start3A_22 : memref<1x64x128xf32, #tpu.memory_space<vmem>> -> memref<64x128xf32, #tpu.memory_space<vmem>>
    %dma_start3A_24 = arith.constant 0 : i32
    %dma_start3A_25 = tpu.memref_slice %arg2[%add3A_18, %dma_start3A_24] : memref<16384x128xf32, #tpu.memory_space<hbm>> -> memref<64x128xf32, #tpu.memory_space<hbm>>
    %dma_start3A_26 = arith.constant 0 : i32
    %dma_start3A_27 = arith.constant 0 : i32
    %dma_start3A_28 = tpu.memref_slice %arg7[%dma_start3A_19, %dma_start3A_26, %dma_start3A_27] : memref<4x64x128xf32, #tpu.memory_space<vmem>> -> memref<1x64x128xf32, #tpu.memory_space<vmem>>
    %dma_start3A_29 = tpu.memref_squeeze %dma_start3A_28 : memref<1x64x128xf32, #tpu.memory_space<vmem>> -> memref<64x128xf32, #tpu.memory_space<vmem>>
    %dma_start3A_30 = arith.constant 0 : i32
    %dma_start3A_31 = tpu.memref_slice %arg2[%add3A_18, %dma_start3A_30] : memref<16384x128xf32, #tpu.memory_space<hbm>> -> memref<64x128xf32, #tpu.memory_space<hbm>>
    tpu.enqueue_dma source(%dma_start3A_31 : memref<64x128xf32, #tpu.memory_space<hbm>>) target(%dma_start3A_29 : memref<64x128xf32, #tpu.memory_space<vmem>>) target_semaphore(%arg11 : memref<!tpu.dma_semaphore, #tpu.memory_space<semaphore_mem>>)
    %add3A_32 = arith.constant 128 : i32
    %add3A_33 = arith.addi %mul3A_2, %add3A_32 : i32
    %dma_start3A_34 = arith.constant 2 : i32
    %dma_start3A_35 = arith.constant 0 : i32
    %dma_start3A_36 = arith.constant 0 : i32
    %dma_start3A_37 = tpu.memref_slice %arg7[%dma_start3A_34, %dma_start3A_35, %dma_start3A_36] : memref<4x64x128xf32, #tpu.memory_space<vmem>> -> memref<1x64x128xf32, #tpu.memory_space<vmem>>
    %dma_start3A_38 = tpu.memref_squeeze %dma_start3A_37 : memref<1x64x128xf32, #tpu.memory_space<vmem>> -> memref<64x128xf32, #tpu.memory_space<vmem>>
    %dma_start3A_39 = arith.constant 0 : i32
    %dma_start3A_40 = tpu.memref_slice %arg2[%add3A_33, %dma_start3A_39] : memref<16384x128xf32, #tpu.memory_space<hbm>> -> memref<64x128xf32, #tpu.memory_space<hbm>>
    %dma_start3A_41 = arith.constant 0 : i32
    %dma_start3A_42 = arith.constant 0 : i32
    %dma_start3A_43 = tpu.memref_slice %arg7[%dma_start3A_34, %dma_start3A_41, %dma_start3A_42] : memref<4x64x128xf32, #tpu.memory_space<vmem>> -> memref<1x64x128xf32, #tpu.memory_space<vmem>>
    %dma_start3A_44 = tpu.memref_squeeze %dma_start3A_43 : memref<1x64x128xf32, #tpu.memory_space<vmem>> -> memref<64x128xf32, #tpu.memory_space<vmem>>
    %dma_start3A_45 = arith.constant 0 : i32
    %dma_start3A_46 = tpu.memref_slice %arg2[%add3A_33, %dma_start3A_45] : memref<16384x128xf32, #tpu.memory_space<hbm>> -> memref<64x128xf32, #tpu.memory_space<hbm>>
    tpu.enqueue_dma source(%dma_start3A_46 : memref<64x128xf32, #tpu.memory_space<hbm>>) target(%dma_start3A_44 : memref<64x128xf32, #tpu.memory_space<vmem>>) target_semaphore(%arg12 : memref<!tpu.dma_semaphore, #tpu.memory_space<semaphore_mem>>)
    %add3A_47 = arith.constant 192 : i32
    %add3A_48 = arith.addi %mul3A_2, %add3A_47 : i32
    %dma_start3A_49 = arith.constant 3 : i32
    %dma_start3A_50 = arith.constant 0 : i32
    %dma_start3A_51 = arith.constant 0 : i32
    %dma_start3A_52 = tpu.memref_slice %arg7[%dma_start3A_49, %dma_start3A_50, %dma_start3A_51] : memref<4x64x128xf32, #tpu.memory_space<vmem>> -> memref<1x64x128xf32, #tpu.memory_space<vmem>>
    %dma_start3A_53 = tpu.memref_squeeze %dma_start3A_52 : memref<1x64x128xf32, #tpu.memory_space<vmem>> -> memref<64x128xf32, #tpu.memory_space<vmem>>
    %dma_start3A_54 = arith.constant 0 : i32
    %dma_start3A_55 = tpu.memref_slice %arg2[%add3A_48, %dma_start3A_54] : memref<16384x128xf32, #tpu.memory_space<hbm>> -> memref<64x128xf32, #tpu.memory_space<hbm>>
    %dma_start3A_56 = arith.constant 0 : i32
    %dma_start3A_57 = arith.constant 0 : i32
    %dma_start3A_58 = tpu.memref_slice %arg7[%dma_start3A_49, %dma_start3A_56, %dma_start3A_57] : memref<4x64x128xf32, #tpu.memory_space<vmem>> -> memref<1x64x128xf32, #tpu.memory_space<vmem>>
    %dma_start3A_59 = tpu.memref_squeeze %dma_start3A_58 : memref<1x64x128xf32, #tpu.memory_space<vmem>> -> memref<64x128xf32, #tpu.memory_space<vmem>>
    %dma_start3A_60 = arith.constant 0 : i32
    %dma_start3A_61 = tpu.memref_slice %arg2[%add3A_48, %dma_start3A_60] : memref<16384x128xf32, #tpu.memory_space<hbm>> -> memref<64x128xf32, #tpu.memory_space<hbm>>
    tpu.enqueue_dma source(%dma_start3A_61 : memref<64x128xf32, #tpu.memory_space<hbm>>) target(%dma_start3A_59 : memref<64x128xf32, #tpu.memory_space<vmem>>) target_semaphore(%arg13 : memref<!tpu.dma_semaphore, #tpu.memory_space<semaphore_mem>>)
    "tpu.region"() ({
      %run_scoped3A = tpu.sem_alloc : memref<!tpu.dma_semaphore, #tpu.memory_space<semaphore_mem>>
      %dma_start3A_469 = arith.constant 0 : i32
      %dma_start3A_470 = arith.constant 0 : i32
      %dma_start3A_471 = tpu.memref_slice %arg3[%add3A, %dma_start3A_469, %dma_start3A_470] : memref<32x8x64xi32, #tpu.memory_space<hbm>> -> memref<1x8x64xi32, #tpu.memory_space<hbm>>
      %dma_start3A_472 = tpu.memref_squeeze %dma_start3A_471 : memref<1x8x64xi32, #tpu.memory_space<hbm>> -> memref<8x64xi32, #tpu.memory_space<hbm>>
      %dma_start3A_473 = arith.constant 0 : i32
      %dma_start3A_474 = arith.constant 0 : i32
      %dma_start3A_475 = tpu.memref_slice %arg3[%add3A, %dma_start3A_473, %dma_start3A_474] : memref<32x8x64xi32, #tpu.memory_space<hbm>> -> memref<1x8x64xi32, #tpu.memory_space<hbm>>
      %dma_start3A_476 = tpu.memref_squeeze %dma_start3A_475 : memref<1x8x64xi32, #tpu.memory_space<hbm>> -> memref<8x64xi32, #tpu.memory_space<hbm>>
      tpu.enqueue_dma source(%dma_start3A_476 : memref<8x64xi32, #tpu.memory_space<hbm>>) target(%arg6 : memref<8x64xi32, #tpu.memory_space<vmem>>) target_semaphore(%run_scoped3A : memref<!tpu.dma_semaphore, #tpu.memory_space<semaphore_mem>>)
      %dma_wait3A_477 = arith.constant 0 : i32
      %dma_wait3A_478 = arith.constant 0 : i32
      %dma_wait3A_479 = tpu.memref_slice %arg3[%add3A, %dma_wait3A_477, %dma_wait3A_478] : memref<32x8x64xi32, #tpu.memory_space<hbm>> -> memref<1x8x64xi32, #tpu.memory_space<hbm>>
      %dma_wait3A_480 = tpu.memref_squeeze %dma_wait3A_479 : memref<1x8x64xi32, #tpu.memory_space<hbm>> -> memref<8x64xi32, #tpu.memory_space<hbm>>
      %dma_wait3A_481 = arith.constant 0 : i32
      %dma_wait3A_482 = arith.constant 0 : i32
      %dma_wait3A_483 = tpu.memref_slice %arg3[%add3A, %dma_wait3A_481, %dma_wait3A_482] : memref<32x8x64xi32, #tpu.memory_space<hbm>> -> memref<1x8x64xi32, #tpu.memory_space<hbm>>
      %dma_wait3A_484 = tpu.memref_squeeze %dma_wait3A_483 : memref<1x8x64xi32, #tpu.memory_space<hbm>> -> memref<8x64xi32, #tpu.memory_space<hbm>>
      tpu.wait_dma2 semaphore(%run_scoped3A : memref<!tpu.dma_semaphore, #tpu.memory_space<semaphore_mem>>) src(%dma_wait3A_484 : memref<8x64xi32, #tpu.memory_space<hbm>>) dst(%arg6 : memref<8x64xi32, #tpu.memory_space<vmem>>)
      tpu.yield
    }) : () -> ()
    %dma_start3A_62 = arith.constant 0 : i32
    %dma_start3A_63 = arith.constant 0 : i32
    %dma_start3A_64 = arith.constant 0 : i32
    %dma_start3A_65 = arith.constant 0 : i32
    %dma_start3A_66 = tpu.memref_slice %arg8[%dma_start3A_63, %dma_start3A_64, %dma_start3A_65] : memref<4x64x128xf32, #tpu.memory_space<vmem>> -> memref<1x64x128xf32, #tpu.memory_space<vmem>>
    %dma_start3A_67 = tpu.memref_squeeze %dma_start3A_66 : memref<1x64x128xf32, #tpu.memory_space<vmem>> -> memref<64x128xf32, #tpu.memory_space<vmem>>
    %dma_start3A_68 = arith.constant 0 : i32
    %dma_start3A_69 = tpu.memref_slice %arg6[%dma_start3A_62, %dma_start3A_68] : memref<8x64xi32, #tpu.memory_space<vmem>> -> memref<1x64xi32, #tpu.memory_space<vmem>>
    %dma_start3A_70 = tpu.memref_squeeze %dma_start3A_69 : memref<1x64xi32, #tpu.memory_space<vmem>> -> memref<64xi32, #tpu.memory_space<vmem>>
    %dma_start3A_71 = arith.constant 0 : i32
    %dma_start3A_72 = arith.constant 0 : i32
    %dma_start3A_73 = tpu.memref_slice %arg4[%dma_start3A_71, %dma_start3A_72] : memref<100000x128xf32, #tpu.memory_space<hbm>> -> memref<100000x128xf32, #tpu.memory_space<hbm>>
    tpu.enqueue_indirect_dma source(%dma_start3A_73 : memref<100000x128xf32, #tpu.memory_space<hbm>>) target(%dma_start3A_67 : memref<64x128xf32, #tpu.memory_space<vmem>>) offsets(%dma_start3A_70 : memref<64xi32, #tpu.memory_space<vmem>>) semaphore(%arg14 : memref<!tpu.dma_semaphore, #tpu.memory_space<semaphore_mem>>)
    %dma_start3A_74 = arith.constant 1 : i32
    %dma_start3A_75 = arith.constant 1 : i32
    %dma_start3A_76 = arith.constant 0 : i32
    %dma_start3A_77 = arith.constant 0 : i32
    %dma_start3A_78 = tpu.memref_slice %arg8[%dma_start3A_75, %dma_start3A_76, %dma_start3A_77] : memref<4x64x128xf32, #tpu.memory_space<vmem>> -> memref<1x64x128xf32, #tpu.memory_space<vmem>>
    %dma_start3A_79 = tpu.memref_squeeze %dma_start3A_78 : memref<1x64x128xf32, #tpu.memory_space<vmem>> -> memref<64x128xf32, #tpu.memory_space<vmem>>
    %dma_start3A_80 = arith.constant 0 : i32
    %dma_start3A_81 = tpu.memref_slice %arg6[%dma_start3A_74, %dma_start3A_80] : memref<8x64xi32, #tpu.memory_space<vmem>> -> memref<1x64xi32, #tpu.memory_space<vmem>>
    %dma_start3A_82 = tpu.memref_squeeze %dma_start3A_81 : memref<1x64xi32, #tpu.memory_space<vmem>> -> memref<64xi32, #tpu.memory_space<vmem>>
    %dma_start3A_83 = arith.constant 0 : i32
    %dma_start3A_84 = arith.constant 0 : i32
    %dma_start3A_85 = tpu.memref_slice %arg4[%dma_start3A_83, %dma_start3A_84] : memref<100000x128xf32, #tpu.memory_space<hbm>> -> memref<100000x128xf32, #tpu.memory_space<hbm>>
    tpu.enqueue_indirect_dma source(%dma_start3A_85 : memref<100000x128xf32, #tpu.memory_space<hbm>>) target(%dma_start3A_79 : memref<64x128xf32, #tpu.memory_space<vmem>>) offsets(%dma_start3A_82 : memref<64xi32, #tpu.memory_space<vmem>>) semaphore(%arg15 : memref<!tpu.dma_semaphore, #tpu.memory_space<semaphore_mem>>)
    %dma_start3A_86 = arith.constant 2 : i32
    %dma_start3A_87 = arith.constant 2 : i32
    %dma_start3A_88 = arith.constant 0 : i32
    %dma_start3A_89 = arith.constant 0 : i32
    %dma_start3A_90 = tpu.memref_slice %arg8[%dma_start3A_87, %dma_start3A_88, %dma_start3A_89] : memref<4x64x128xf32, #tpu.memory_space<vmem>> -> memref<1x64x128xf32, #tpu.memory_space<vmem>>
    %dma_start3A_91 = tpu.memref_squeeze %dma_start3A_90 : memref<1x64x128xf32, #tpu.memory_space<vmem>> -> memref<64x128xf32, #tpu.memory_space<vmem>>
    %dma_start3A_92 = arith.constant 0 : i32
    %dma_start3A_93 = tpu.memref_slice %arg6[%dma_start3A_86, %dma_start3A_92] : memref<8x64xi32, #tpu.memory_space<vmem>> -> memref<1x64xi32, #tpu.memory_space<vmem>>
    %dma_start3A_94 = tpu.memref_squeeze %dma_start3A_93 : memref<1x64xi32, #tpu.memory_space<vmem>> -> memref<64xi32, #tpu.memory_space<vmem>>
    %dma_start3A_95 = arith.constant 0 : i32
    %dma_start3A_96 = arith.constant 0 : i32
    %dma_start3A_97 = tpu.memref_slice %arg4[%dma_start3A_95, %dma_start3A_96] : memref<100000x128xf32, #tpu.memory_space<hbm>> -> memref<100000x128xf32, #tpu.memory_space<hbm>>
    tpu.enqueue_indirect_dma source(%dma_start3A_97 : memref<100000x128xf32, #tpu.memory_space<hbm>>) target(%dma_start3A_91 : memref<64x128xf32, #tpu.memory_space<vmem>>) offsets(%dma_start3A_94 : memref<64xi32, #tpu.memory_space<vmem>>) semaphore(%arg16 : memref<!tpu.dma_semaphore, #tpu.memory_space<semaphore_mem>>)
    %dma_start3A_98 = arith.constant 3 : i32
    %dma_start3A_99 = arith.constant 3 : i32
    %dma_start3A_100 = arith.constant 0 : i32
    %dma_start3A_101 = arith.constant 0 : i32
    %dma_start3A_102 = tpu.memref_slice %arg8[%dma_start3A_99, %dma_start3A_100, %dma_start3A_101] : memref<4x64x128xf32, #tpu.memory_space<vmem>> -> memref<1x64x128xf32, #tpu.memory_space<vmem>>
    %dma_start3A_103 = tpu.memref_squeeze %dma_start3A_102 : memref<1x64x128xf32, #tpu.memory_space<vmem>> -> memref<64x128xf32, #tpu.memory_space<vmem>>
    %dma_start3A_104 = arith.constant 0 : i32
    %dma_start3A_105 = tpu.memref_slice %arg6[%dma_start3A_98, %dma_start3A_104] : memref<8x64xi32, #tpu.memory_space<vmem>> -> memref<1x64xi32, #tpu.memory_space<vmem>>
    %dma_start3A_106 = tpu.memref_squeeze %dma_start3A_105 : memref<1x64xi32, #tpu.memory_space<vmem>> -> memref<64xi32, #tpu.memory_space<vmem>>
    %dma_start3A_107 = arith.constant 0 : i32
    %dma_start3A_108 = arith.constant 0 : i32
    %dma_start3A_109 = tpu.memref_slice %arg4[%dma_start3A_107, %dma_start3A_108] : memref<100000x128xf32, #tpu.memory_space<hbm>> -> memref<100000x128xf32, #tpu.memory_space<hbm>>
    tpu.enqueue_indirect_dma source(%dma_start3A_109 : memref<100000x128xf32, #tpu.memory_space<hbm>>) target(%dma_start3A_103 : memref<64x128xf32, #tpu.memory_space<vmem>>) offsets(%dma_start3A_106 : memref<64xi32, #tpu.memory_space<vmem>>) semaphore(%arg17 : memref<!tpu.dma_semaphore, #tpu.memory_space<semaphore_mem>>)
    %broadcast_in_dim3A = arith.constant 0.000000e+00 : f32
    %broadcast_in_dim3A_110 = vector.broadcast %broadcast_in_dim3A : f32 to vector<16xf32>
    %dma_wait3A = arith.constant 0 : i32
    %dma_wait3A_111 = arith.constant 0 : i32
    %dma_wait3A_112 = arith.constant 0 : i32
    %dma_wait3A_113 = tpu.memref_slice %arg7[%dma_wait3A, %dma_wait3A_111, %dma_wait3A_112] : memref<4x64x128xf32, #tpu.memory_space<vmem>> -> memref<1x64x128xf32, #tpu.memory_space<vmem>>
    %dma_wait3A_114 = tpu.memref_squeeze %dma_wait3A_113 : memref<1x64x128xf32, #tpu.memory_space<vmem>> -> memref<64x128xf32, #tpu.memory_space<vmem>>
    %dma_wait3A_115 = arith.constant 0 : i32
    %dma_wait3A_116 = tpu.memref_slice %arg2[%add3A_4, %dma_wait3A_115] : memref<16384x128xf32, #tpu.memory_space<hbm>> -> memref<64x128xf32, #tpu.memory_space<hbm>>
    %dma_wait3A_117 = arith.constant 0 : i32
    %dma_wait3A_118 = arith.constant 0 : i32
    %dma_wait3A_119 = tpu.memref_slice %arg7[%dma_wait3A, %dma_wait3A_117, %dma_wait3A_118] : memref<4x64x128xf32, #tpu.memory_space<vmem>> -> memref<1x64x128xf32, #tpu.memory_space<vmem>>
    %dma_wait3A_120 = tpu.memref_squeeze %dma_wait3A_119 : memref<1x64x128xf32, #tpu.memory_space<vmem>> -> memref<64x128xf32, #tpu.memory_space<vmem>>
    %dma_wait3A_121 = arith.constant 0 : i32
    %dma_wait3A_122 = tpu.memref_slice %arg2[%add3A_4, %dma_wait3A_121] : memref<16384x128xf32, #tpu.memory_space<hbm>> -> memref<64x128xf32, #tpu.memory_space<hbm>>
    tpu.wait_dma2 semaphore(%arg10 : memref<!tpu.dma_semaphore, #tpu.memory_space<semaphore_mem>>) src(%dma_wait3A_122 : memref<64x128xf32, #tpu.memory_space<hbm>>) dst(%dma_wait3A_120 : memref<64x128xf32, #tpu.memory_space<vmem>>)
    %dma_wait3A_123 = arith.constant 0 : i32
    %dma_wait3A_124 = arith.constant 0 : i32
    %dma_wait3A_125 = arith.constant 0 : i32
    %dma_wait3A_126 = arith.constant 0 : i32
    %dma_wait3A_127 = tpu.memref_slice %arg8[%dma_wait3A_124, %dma_wait3A_125, %dma_wait3A_126] : memref<4x64x128xf32, #tpu.memory_space<vmem>> -> memref<1x64x128xf32, #tpu.memory_space<vmem>>
    %dma_wait3A_128 = tpu.memref_squeeze %dma_wait3A_127 : memref<1x64x128xf32, #tpu.memory_space<vmem>> -> memref<64x128xf32, #tpu.memory_space<vmem>>
    %dma_wait3A_129 = arith.constant 0 : i32
    %dma_wait3A_130 = tpu.memref_slice %arg6[%dma_wait3A_123, %dma_wait3A_129] : memref<8x64xi32, #tpu.memory_space<vmem>> -> memref<1x64xi32, #tpu.memory_space<vmem>>
    %dma_wait3A_131 = tpu.memref_squeeze %dma_wait3A_130 : memref<1x64xi32, #tpu.memory_space<vmem>> -> memref<64xi32, #tpu.memory_space<vmem>>
    %dma_wait3A_132 = arith.constant 0 : i32
    %dma_wait3A_133 = arith.constant 0 : i32
    %dma_wait3A_134 = tpu.memref_slice %arg4[%dma_wait3A_132, %dma_wait3A_133] : memref<100000x128xf32, #tpu.memory_space<hbm>> -> memref<100000x128xf32, #tpu.memory_space<hbm>>
    tpu.wait_indirect_dma semaphore(%arg14 : memref<!tpu.dma_semaphore, #tpu.memory_space<semaphore_mem>>) src(%dma_wait3A_134 : memref<100000x128xf32, #tpu.memory_space<hbm>>) dst(%dma_wait3A_128 : memref<64x128xf32, #tpu.memory_space<vmem>>)
    %parallel_loop3A = arith.constant 0 : i32
    %parallel_loop3A_135 = arith.constant 64 : i32
    %parallel_loop3A_136 = arith.constant 1 : i32
    %parallel_loop3A_137 = arith.constant 0 : i32
    %parallel_loop3A_138 = arith.constant 0 : i32
    %parallel_loop3A_139:4 = scf.for %parallel_loop3A_469 = %parallel_loop3A to %parallel_loop3A_135 step %parallel_loop3A_136 iter_args(%parallel_loop3A_470 = %broadcast_in_dim3A_110, %parallel_loop3A_471 = %broadcast_in_dim3A_110, %parallel_loop3A_472 = %broadcast_in_dim3A_110, %parallel_loop3A_473 = %broadcast_in_dim3A_110) -> (vector<16xf32>, vector<16xf32>, vector<16xf32>, vector<16xf32>)  : i32 {
      %parallel_loop3A_474 = arith.constant 0 : i32
      %parallel_loop3A_475 = arith.constant 0 : i32
      %parallel_loop3A_476 = tpu.memref_slice %arg7[%parallel_loop3A_137, %parallel_loop3A_474, %parallel_loop3A_475] : memref<4x64x128xf32, #tpu.memory_space<vmem>> -> memref<1x64x128xf32, #tpu.memory_space<vmem>>
      %parallel_loop3A_477 = tpu.memref_squeeze %parallel_loop3A_476 : memref<1x64x128xf32, #tpu.memory_space<vmem>> -> memref<64x128xf32, #tpu.memory_space<vmem>>
      %parallel_loop3A_478 = arith.index_cast %parallel_loop3A_469 : i32 to index
      %parallel_loop3A_479 = arith.constant 0 : index
      %parallel_loop3A_480 = tpu.vector_load %parallel_loop3A_477[%parallel_loop3A_478, %parallel_loop3A_479] {strides = array<i32>} : memref<64x128xf32, #tpu.memory_space<vmem>>, vector<16xf32>,
      %parallel_loop3A_481 = arith.constant 0 : i32
      %parallel_loop3A_482 = arith.constant 0 : i32
      %parallel_loop3A_483 = tpu.memref_slice %arg8[%parallel_loop3A_138, %parallel_loop3A_481, %parallel_loop3A_482] : memref<4x64x128xf32, #tpu.memory_space<vmem>> -> memref<1x64x128xf32, #tpu.memory_space<vmem>>
      %parallel_loop3A_484 = tpu.memref_squeeze %parallel_loop3A_483 : memref<1x64x128xf32, #tpu.memory_space<vmem>> -> memref<64x128xf32, #tpu.memory_space<vmem>>
      %parallel_loop3A_485 = arith.index_cast %parallel_loop3A_469 : i32 to index
      %parallel_loop3A_486 = arith.constant 0 : index
      %parallel_loop3A_487 = tpu.vector_load %parallel_loop3A_484[%parallel_loop3A_485, %parallel_loop3A_486] {strides = array<i32>} : memref<64x128xf32, #tpu.memory_space<vmem>>, vector<16xf32>,
      %parallel_loop3A_488 = arith.subf %parallel_loop3A_480, %parallel_loop3A_487 : vector<16xf32>
      %parallel_loop3A_489 = arith.mulf %parallel_loop3A_488, %parallel_loop3A_488 : vector<16xf32>
      %parallel_loop3A_490 = arith.addf %parallel_loop3A_470, %parallel_loop3A_489 : vector<16xf32>
      %parallel_loop3A_491 = arith.constant 0 : i32
      %parallel_loop3A_492 = arith.constant 0 : i32
      %parallel_loop3A_493 = tpu.memref_slice %arg7[%parallel_loop3A_137, %parallel_loop3A_491, %parallel_loop3A_492] : memref<4x64x128xf32, #tpu.memory_space<vmem>> -> memref<1x64x128xf32, #tpu.memory_space<vmem>>
      %parallel_loop3A_494 = tpu.memref_squeeze %parallel_loop3A_493 : memref<1x64x128xf32, #tpu.memory_space<vmem>> -> memref<64x128xf32, #tpu.memory_space<vmem>>
      %parallel_loop3A_495 = arith.index_cast %parallel_loop3A_469 : i32 to index
      %parallel_loop3A_496 = arith.constant 16 : index
      %parallel_loop3A_497 = tpu.vector_load %parallel_loop3A_494[%parallel_loop3A_495, %parallel_loop3A_496] {strides = array<i32>} : memref<64x128xf32, #tpu.memory_space<vmem>>, vector<16xf32>,
      %parallel_loop3A_498 = arith.constant 0 : i32
      %parallel_loop3A_499 = arith.constant 0 : i32
      %parallel_loop3A_500 = tpu.memref_slice %arg8[%parallel_loop3A_138, %parallel_loop3A_498, %parallel_loop3A_499] : memref<4x64x128xf32, #tpu.memory_space<vmem>> -> memref<1x64x128xf32, #tpu.memory_space<vmem>>
      %parallel_loop3A_501 = tpu.memref_squeeze %parallel_loop3A_500 : memref<1x64x128xf32, #tpu.memory_space<vmem>> -> memref<64x128xf32, #tpu.memory_space<vmem>>
      %parallel_loop3A_502 = arith.index_cast %parallel_loop3A_469 : i32 to index
      %parallel_loop3A_503 = arith.constant 16 : index
      %parallel_loop3A_504 = tpu.vector_load %parallel_loop3A_501[%parallel_loop3A_502, %parallel_loop3A_503] {strides = array<i32>} : memref<64x128xf32, #tpu.memory_space<vmem>>, vector<16xf32>,
      %parallel_loop3A_505 = arith.subf %parallel_loop3A_497, %parallel_loop3A_504 : vector<16xf32>
      %parallel_loop3A_506 = arith.mulf %parallel_loop3A_505, %parallel_loop3A_505 : vector<16xf32>
      %parallel_loop3A_507 = arith.addf %parallel_loop3A_471, %parallel_loop3A_506 : vector<16xf32>
      %parallel_loop3A_508 = arith.constant 0 : i32
      %parallel_loop3A_509 = arith.constant 0 : i32
      %parallel_loop3A_510 = tpu.memref_slice %arg7[%parallel_loop3A_137, %parallel_loop3A_508, %parallel_loop3A_509] : memref<4x64x128xf32, #tpu.memory_space<vmem>> -> memref<1x64x128xf32, #tpu.memory_space<vmem>>
      %parallel_loop3A_511 = tpu.memref_squeeze %parallel_loop3A_510 : memref<1x64x128xf32, #tpu.memory_space<vmem>> -> memref<64x128xf32, #tpu.memory_space<vmem>>
      %parallel_loop3A_512 = arith.index_cast %parallel_loop3A_469 : i32 to index
      %parallel_loop3A_513 = arith.constant 32 : index
      %parallel_loop3A_514 = tpu.vector_load %parallel_loop3A_511[%parallel_loop3A_512, %parallel_loop3A_513] {strides = array<i32>} : memref<64x128xf32, #tpu.memory_space<vmem>>, vector<16xf32>,
      %parallel_loop3A_515 = arith.constant 0 : i32
      %parallel_loop3A_516 = arith.constant 0 : i32
      %parallel_loop3A_517 = tpu.memref_slice %arg8[%parallel_loop3A_138, %parallel_loop3A_515, %parallel_loop3A_516] : memref<4x64x128xf32, #tpu.memory_space<vmem>> -> memref<1x64x128xf32, #tpu.memory_space<vmem>>
      %parallel_loop3A_518 = tpu.memref_squeeze %parallel_loop3A_517 : memref<1x64x128xf32, #tpu.memory_space<vmem>> -> memref<64x128xf32, #tpu.memory_space<vmem>>
      %parallel_loop3A_519 = arith.index_cast %parallel_loop3A_469 : i32 to index
      %parallel_loop3A_520 = arith.constant 32 : index
      %parallel_loop3A_521 = tpu.vector_load %parallel_loop3A_518[%parallel_loop3A_519, %parallel_loop3A_520] {strides = array<i32>} : memref<64x128xf32, #tpu.memory_space<vmem>>, vector<16xf32>,
      %parallel_loop3A_522 = arith.subf %parallel_loop3A_514, %parallel_loop3A_521 : vector<16xf32>
      %parallel_loop3A_523 = arith.mulf %parallel_loop3A_522, %parallel_loop3A_522 : vector<16xf32>
      %parallel_loop3A_524 = arith.addf %parallel_loop3A_472, %parallel_loop3A_523 : vector<16xf32>
      %parallel_loop3A_525 = arith.constant 0 : i32
      %parallel_loop3A_526 = arith.constant 0 : i32
      %parallel_loop3A_527 = tpu.memref_slice %arg7[%parallel_loop3A_137, %parallel_loop3A_525, %parallel_loop3A_526] : memref<4x64x128xf32, #tpu.memory_space<vmem>> -> memref<1x64x128xf32, #tpu.memory_space<vmem>>
      %parallel_loop3A_528 = tpu.memref_squeeze %parallel_loop3A_527 : memref<1x64x128xf32, #tpu.memory_space<vmem>> -> memref<64x128xf32, #tpu.memory_space<vmem>>
      %parallel_loop3A_529 = arith.index_cast %parallel_loop3A_469 : i32 to index
      %parallel_loop3A_530 = arith.constant 48 : index
      %parallel_loop3A_531 = tpu.vector_load %parallel_loop3A_528[%parallel_loop3A_529, %parallel_loop3A_530] {strides = array<i32>} : memref<64x128xf32, #tpu.memory_space<vmem>>, vector<16xf32>,
      %parallel_loop3A_532 = arith.constant 0 : i32
      %parallel_loop3A_533 = arith.constant 0 : i32
      %parallel_loop3A_534 = tpu.memref_slice %arg8[%parallel_loop3A_138, %parallel_loop3A_532, %parallel_loop3A_533] : memref<4x64x128xf32, #tpu.memory_space<vmem>> -> memref<1x64x128xf32, #tpu.memory_space<vmem>>
      %parallel_loop3A_535 = tpu.memref_squeeze %parallel_loop3A_534 : memref<1x64x128xf32, #tpu.memory_space<vmem>> -> memref<64x128xf32, #tpu.memory_space<vmem>>
      %parallel_loop3A_536 = arith.index_cast %parallel_loop3A_469 : i32 to index
      %parallel_loop3A_537 = arith.constant 48 : index
      %parallel_loop3A_538 = tpu.vector_load %parallel_loop3A_535[%parallel_loop3A_536, %parallel_loop3A_537] {strides = array<i32>} : memref<64x128xf32, #tpu.memory_space<vmem>>, vector<16xf32>,
      %parallel_loop3A_539 = arith.subf %parallel_loop3A_531, %parallel_loop3A_538 : vector<16xf32>
      %parallel_loop3A_540 = arith.mulf %parallel_loop3A_539, %parallel_loop3A_539 : vector<16xf32>
      %parallel_loop3A_541 = arith.addf %parallel_loop3A_473, %parallel_loop3A_540 : vector<16xf32>
      %parallel_loop3A_542 = arith.constant 0 : i32
      %parallel_loop3A_543 = arith.constant 0 : i32
      %parallel_loop3A_544 = tpu.memref_slice %arg7[%parallel_loop3A_137, %parallel_loop3A_542, %parallel_loop3A_543] : memref<4x64x128xf32, #tpu.memory_space<vmem>> -> memref<1x64x128xf32, #tpu.memory_space<vmem>>
      %parallel_loop3A_545 = tpu.memref_squeeze %parallel_loop3A_544 : memref<1x64x128xf32, #tpu.memory_space<vmem>> -> memref<64x128xf32, #tpu.memory_space<vmem>>
      %parallel_loop3A_546 = arith.index_cast %parallel_loop3A_469 : i32 to index
      %parallel_loop3A_547 = arith.constant 64 : index
      %parallel_loop3A_548 = tpu.vector_load %parallel_loop3A_545[%parallel_loop3A_546, %parallel_loop3A_547] {strides = array<i32>} : memref<64x128xf32, #tpu.memory_space<vmem>>, vector<16xf32>,
      %parallel_loop3A_549 = arith.constant 0 : i32
      %parallel_loop3A_550 = arith.constant 0 : i32
      %parallel_loop3A_551 = tpu.memref_slice %arg8[%parallel_loop3A_138, %parallel_loop3A_549, %parallel_loop3A_550] : memref<4x64x128xf32, #tpu.memory_space<vmem>> -> memref<1x64x128xf32, #tpu.memory_space<vmem>>
      %parallel_loop3A_552 = tpu.memref_squeeze %parallel_loop3A_551 : memref<1x64x128xf32, #tpu.memory_space<vmem>> -> memref<64x128xf32, #tpu.memory_space<vmem>>
      %parallel_loop3A_553 = arith.index_cast %parallel_loop3A_469 : i32 to index
      %parallel_loop3A_554 = arith.constant 64 : index
      %parallel_loop3A_555 = tpu.vector_load %parallel_loop3A_552[%parallel_loop3A_553, %parallel_loop3A_554] {strides = array<i32>} : memref<64x128xf32, #tpu.memory_space<vmem>>, vector<16xf32>,
      %parallel_loop3A_556 = arith.subf %parallel_loop3A_548, %parallel_loop3A_555 : vector<16xf32>
      %parallel_loop3A_557 = arith.mulf %parallel_loop3A_556, %parallel_loop3A_556 : vector<16xf32>
      %parallel_loop3A_558 = arith.addf %parallel_loop3A_490, %parallel_loop3A_557 : vector<16xf32>
      %parallel_loop3A_559 = arith.constant 0 : i32
      %parallel_loop3A_560 = arith.constant 0 : i32
      %parallel_loop3A_561 = tpu.memref_slice %arg7[%parallel_loop3A_137, %parallel_loop3A_559, %parallel_loop3A_560] : memref<4x64x128xf32, #tpu.memory_space<vmem>> -> memref<1x64x128xf32, #tpu.memory_space<vmem>>
      %parallel_loop3A_562 = tpu.memref_squeeze %parallel_loop3A_561 : memref<1x64x128xf32, #tpu.memory_space<vmem>> -> memref<64x128xf32, #tpu.memory_space<vmem>>
      %parallel_loop3A_563 = arith.index_cast %parallel_loop3A_469 : i32 to index
      %parallel_loop3A_564 = arith.constant 80 : index
      %parallel_loop3A_565 = tpu.vector_load %parallel_loop3A_562[%parallel_loop3A_563, %parallel_loop3A_564] {strides = array<i32>} : memref<64x128xf32, #tpu.memory_space<vmem>>, vector<16xf32>,
      %parallel_loop3A_566 = arith.constant 0 : i32
      %parallel_loop3A_567 = arith.constant 0 : i32
      %parallel_loop3A_568 = tpu.memref_slice %arg8[%parallel_loop3A_138, %parallel_loop3A_566, %parallel_loop3A_567] : memref<4x64x128xf32, #tpu.memory_space<vmem>> -> memref<1x64x128xf32, #tpu.memory_space<vmem>>
      %parallel_loop3A_569 = tpu.memref_squeeze %parallel_loop3A_568 : memref<1x64x128xf32, #tpu.memory_space<vmem>> -> memref<64x128xf32, #tpu.memory_space<vmem>>
      %parallel_loop3A_570 = arith.index_cast %parallel_loop3A_469 : i32 to index
      %parallel_loop3A_571 = arith.constant 80 : index
      %parallel_loop3A_572 = tpu.vector_load %parallel_loop3A_569[%parallel_loop3A_570, %parallel_loop3A_571] {strides = array<i32>} : memref<64x128xf32, #tpu.memory_space<vmem>>, vector<16xf32>,
      %parallel_loop3A_573 = arith.subf %parallel_loop3A_565, %parallel_loop3A_572 : vector<16xf32>
      %parallel_loop3A_574 = arith.mulf %parallel_loop3A_573, %parallel_loop3A_573 : vector<16xf32>
      %parallel_loop3A_575 = arith.addf %parallel_loop3A_507, %parallel_loop3A_574 : vector<16xf32>
      %parallel_loop3A_576 = arith.constant 0 : i32
      %parallel_loop3A_577 = arith.constant 0 : i32
      %parallel_loop3A_578 = tpu.memref_slice %arg7[%parallel_loop3A_137, %parallel_loop3A_576, %parallel_loop3A_577] : memref<4x64x128xf32, #tpu.memory_space<vmem>> -> memref<1x64x128xf32, #tpu.memory_space<vmem>>
      %parallel_loop3A_579 = tpu.memref_squeeze %parallel_loop3A_578 : memref<1x64x128xf32, #tpu.memory_space<vmem>> -> memref<64x128xf32, #tpu.memory_space<vmem>>
      %parallel_loop3A_580 = arith.index_cast %parallel_loop3A_469 : i32 to index
      %parallel_loop3A_581 = arith.constant 96 : index
      %parallel_loop3A_582 = tpu.vector_load %parallel_loop3A_579[%parallel_loop3A_580, %parallel_loop3A_581] {strides = array<i32>} : memref<64x128xf32, #tpu.memory_space<vmem>>, vector<16xf32>,
      %parallel_loop3A_583 = arith.constant 0 : i32
      %parallel_loop3A_584 = arith.constant 0 : i32
      %parallel_loop3A_585 = tpu.memref_slice %arg8[%parallel_loop3A_138, %parallel_loop3A_583, %parallel_loop3A_584] : memref<4x64x128xf32, #tpu.memory_space<vmem>> -> memref<1x64x128xf32, #tpu.memory_space<vmem>>
      %parallel_loop3A_586 = tpu.memref_squeeze %parallel_loop3A_585 : memref<1x64x128xf32, #tpu.memory_space<vmem>> -> memref<64x128xf32, #tpu.memory_space<vmem>>
      %parallel_loop3A_587 = arith.index_cast %parallel_loop3A_469 : i32 to index
      %parallel_loop3A_588 = arith.constant 96 : index
      %parallel_loop3A_589 = tpu.vector_load %parallel_loop3A_586[%parallel_loop3A_587, %parallel_loop3A_588] {strides = array<i32>} : memref<64x128xf32, #tpu.memory_space<vmem>>, vector<16xf32>,
      %parallel_loop3A_590 = arith.subf %parallel_loop3A_582, %parallel_loop3A_589 : vector<16xf32>
      %parallel_loop3A_591 = arith.mulf %parallel_loop3A_590, %parallel_loop3A_590 : vector<16xf32>
      %parallel_loop3A_592 = arith.addf %parallel_loop3A_524, %parallel_loop3A_591 : vector<16xf32>
      %parallel_loop3A_593 = arith.constant 0 : i32
      %parallel_loop3A_594 = arith.constant 0 : i32
      %parallel_loop3A_595 = tpu.memref_slice %arg7[%parallel_loop3A_137, %parallel_loop3A_593, %parallel_loop3A_594] : memref<4x64x128xf32, #tpu.memory_space<vmem>> -> memref<1x64x128xf32, #tpu.memory_space<vmem>>
      %parallel_loop3A_596 = tpu.memref_squeeze %parallel_loop3A_595 : memref<1x64x128xf32, #tpu.memory_space<vmem>> -> memref<64x128xf32, #tpu.memory_space<vmem>>
      %parallel_loop3A_597 = arith.index_cast %parallel_loop3A_469 : i32 to index
      %parallel_loop3A_598 = arith.constant 112 : index
      %parallel_loop3A_599 = tpu.vector_load %parallel_loop3A_596[%parallel_loop3A_597, %parallel_loop3A_598] {strides = array<i32>} : memref<64x128xf32, #tpu.memory_space<vmem>>, vector<16xf32>,
      %parallel_loop3A_600 = arith.constant 0 : i32
      %parallel_loop3A_601 = arith.constant 0 : i32
      %parallel_loop3A_602 = tpu.memref_slice %arg8[%parallel_loop3A_138, %parallel_loop3A_600, %parallel_loop3A_601] : memref<4x64x128xf32, #tpu.memory_space<vmem>> -> memref<1x64x128xf32, #tpu.memory_space<vmem>>
      %parallel_loop3A_603 = tpu.memref_squeeze %parallel_loop3A_602 : memref<1x64x128xf32, #tpu.memory_space<vmem>> -> memref<64x128xf32, #tpu.memory_space<vmem>>
      %parallel_loop3A_604 = arith.index_cast %parallel_loop3A_469 : i32 to index
      %parallel_loop3A_605 = arith.constant 112 : index
      %parallel_loop3A_606 = tpu.vector_load %parallel_loop3A_603[%parallel_loop3A_604, %parallel_loop3A_605] {strides = array<i32>} : memref<64x128xf32, #tpu.memory_space<vmem>>, vector<16xf32>,
      %parallel_loop3A_607 = arith.subf %parallel_loop3A_599, %parallel_loop3A_606 : vector<16xf32>
      %parallel_loop3A_608 = arith.mulf %parallel_loop3A_607, %parallel_loop3A_607 : vector<16xf32>
      %parallel_loop3A_609 = arith.addf %parallel_loop3A_541, %parallel_loop3A_608 : vector<16xf32>
      scf.yield %parallel_loop3A_558, %parallel_loop3A_575, %parallel_loop3A_592, %parallel_loop3A_609 : vector<16xf32>, vector<16xf32>, vector<16xf32>, vector<16xf32>
    } {sc.loop_unroll_factor = 2 : i64, sc.parallel_access}
    %add3A_140 = arith.constant 256 : i32
    %add3A_141 = arith.addi %mul3A_2, %add3A_140 : i32
    %dma_start3A_142 = arith.constant 0 : i32
    %dma_start3A_143 = arith.constant 0 : i32
    %dma_start3A_144 = arith.constant 0 : i32
    %dma_start3A_145 = tpu.memref_slice %arg7[%dma_start3A_142, %dma_start3A_143, %dma_start3A_144] : memref<4x64x128xf32, #tpu.memory_space<vmem>> -> memref<1x64x128xf32, #tpu.memory_space<vmem>>
    %dma_start3A_146 = tpu.memref_squeeze %dma_start3A_145 : memref<1x64x128xf32, #tpu.memory_space<vmem>> -> memref<64x128xf32, #tpu.memory_space<vmem>>
    %dma_start3A_147 = arith.constant 0 : i32
    %dma_start3A_148 = tpu.memref_slice %arg2[%add3A_141, %dma_start3A_147] : memref<16384x128xf32, #tpu.memory_space<hbm>> -> memref<64x128xf32, #tpu.memory_space<hbm>>
    %dma_start3A_149 = arith.constant 0 : i32
    %dma_start3A_150 = arith.constant 0 : i32
    %dma_start3A_151 = tpu.memref_slice %arg7[%dma_start3A_142, %dma_start3A_149, %dma_start3A_150] : memref<4x64x128xf32, #tpu.memory_space<vmem>> -> memref<1x64x128xf32, #tpu.memory_space<vmem>>
    %dma_start3A_152 = tpu.memref_squeeze %dma_start3A_151 : memref<1x64x128xf32, #tpu.memory_space<vmem>> -> memref<64x128xf32, #tpu.memory_space<vmem>>
    %dma_start3A_153 = arith.constant 0 : i32
    %dma_start3A_154 = tpu.memref_slice %arg2[%add3A_141, %dma_start3A_153] : memref<16384x128xf32, #tpu.memory_space<hbm>> -> memref<64x128xf32, #tpu.memory_space<hbm>>
    tpu.enqueue_dma source(%dma_start3A_154 : memref<64x128xf32, #tpu.memory_space<hbm>>) target(%dma_start3A_152 : memref<64x128xf32, #tpu.memory_space<vmem>>) target_semaphore(%arg10 : memref<!tpu.dma_semaphore, #tpu.memory_space<semaphore_mem>>)
    %dma_start3A_155 = arith.constant 4 : i32
    %dma_start3A_156 = arith.constant 0 : i32
    %dma_start3A_157 = arith.constant 0 : i32
    %dma_start3A_158 = arith.constant 0 : i32
    %dma_start3A_159 = tpu.memref_slice %arg8[%dma_start3A_156, %dma_start3A_157, %dma_start3A_158] : memref<4x64x128xf32, #tpu.memory_space<vmem>> -> memref<1x64x128xf32, #tpu.memory_space<vmem>>
    %dma_start3A_160 = tpu.memref_squeeze %dma_start3A_159 : memref<1x64x128xf32, #tpu.memory_space<vmem>> -> memref<64x128xf32, #tpu.memory_space<vmem>>
    %dma_start3A_161 = arith.constant 0 : i32
    %dma_start3A_162 = tpu.memref_slice %arg6[%dma_start3A_155, %dma_start3A_161] : memref<8x64xi32, #tpu.memory_space<vmem>> -> memref<1x64xi32, #tpu.memory_space<vmem>>
    %dma_start3A_163 = tpu.memref_squeeze %dma_start3A_162 : memref<1x64xi32, #tpu.memory_space<vmem>> -> memref<64xi32, #tpu.memory_space<vmem>>
    %dma_start3A_164 = arith.constant 0 : i32
    %dma_start3A_165 = arith.constant 0 : i32
    %dma_start3A_166 = tpu.memref_slice %arg4[%dma_start3A_164, %dma_start3A_165] : memref<100000x128xf32, #tpu.memory_space<hbm>> -> memref<100000x128xf32, #tpu.memory_space<hbm>>
    tpu.enqueue_indirect_dma source(%dma_start3A_166 : memref<100000x128xf32, #tpu.memory_space<hbm>>) target(%dma_start3A_160 : memref<64x128xf32, #tpu.memory_space<vmem>>) offsets(%dma_start3A_163 : memref<64xi32, #tpu.memory_space<vmem>>) semaphore(%arg14 : memref<!tpu.dma_semaphore, #tpu.memory_space<semaphore_mem>>)
    %dma_wait3A_167 = arith.constant 1 : i32
    %dma_wait3A_168 = arith.constant 0 : i32
    %dma_wait3A_169 = arith.constant 0 : i32
    %dma_wait3A_170 = tpu.memref_slice %arg7[%dma_wait3A_167, %dma_wait3A_168, %dma_wait3A_169] : memref<4x64x128xf32, #tpu.memory_space<vmem>> -> memref<1x64x128xf32, #tpu.memory_space<vmem>>
    %dma_wait3A_171 = tpu.memref_squeeze %dma_wait3A_170 : memref<1x64x128xf32, #tpu.memory_space<vmem>> -> memref<64x128xf32, #tpu.memory_space<vmem>>
    %dma_wait3A_172 = arith.constant 0 : i32
    %dma_wait3A_173 = tpu.memref_slice %arg2[%add3A_18, %dma_wait3A_172] : memref<16384x128xf32, #tpu.memory_space<hbm>> -> memref<64x128xf32, #tpu.memory_space<hbm>>
    %dma_wait3A_174 = arith.constant 0 : i32
    %dma_wait3A_175 = arith.constant 0 : i32
    %dma_wait3A_176 = tpu.memref_slice %arg7[%dma_wait3A_167, %dma_wait3A_174, %dma_wait3A_175] : memref<4x64x128xf32, #tpu.memory_space<vmem>> -> memref<1x64x128xf32, #tpu.memory_space<vmem>>
    %dma_wait3A_177 = tpu.memref_squeeze %dma_wait3A_176 : memref<1x64x128xf32, #tpu.memory_space<vmem>> -> memref<64x128xf32, #tpu.memory_space<vmem>>
    %dma_wait3A_178 = arith.constant 0 : i32
    %dma_wait3A_179 = tpu.memref_slice %arg2[%add3A_18, %dma_wait3A_178] : memref<16384x128xf32, #tpu.memory_space<hbm>> -> memref<64x128xf32, #tpu.memory_space<hbm>>
    tpu.wait_dma2 semaphore(%arg11 : memref<!tpu.dma_semaphore, #tpu.memory_space<semaphore_mem>>) src(%dma_wait3A_179 : memref<64x128xf32, #tpu.memory_space<hbm>>) dst(%dma_wait3A_177 : memref<64x128xf32, #tpu.memory_space<vmem>>)
    %dma_wait3A_180 = arith.constant 1 : i32
    %dma_wait3A_181 = arith.constant 1 : i32
    %dma_wait3A_182 = arith.constant 0 : i32
    %dma_wait3A_183 = arith.constant 0 : i32
    %dma_wait3A_184 = tpu.memref_slice %arg8[%dma_wait3A_181, %dma_wait3A_182, %dma_wait3A_183] : memref<4x64x128xf32, #tpu.memory_space<vmem>> -> memref<1x64x128xf32, #tpu.memory_space<vmem>>
    %dma_wait3A_185 = tpu.memref_squeeze %dma_wait3A_184 : memref<1x64x128xf32, #tpu.memory_space<vmem>> -> memref<64x128xf32, #tpu.memory_space<vmem>>
    %dma_wait3A_186 = arith.constant 0 : i32
    %dma_wait3A_187 = tpu.memref_slice %arg6[%dma_wait3A_180, %dma_wait3A_186] : memref<8x64xi32, #tpu.memory_space<vmem>> -> memref<1x64xi32, #tpu.memory_space<vmem>>
    %dma_wait3A_188 = tpu.memref_squeeze %dma_wait3A_187 : memref<1x64xi32, #tpu.memory_space<vmem>> -> memref<64xi32, #tpu.memory_space<vmem>>
    %dma_wait3A_189 = arith.constant 0 : i32
    %dma_wait3A_190 = arith.constant 0 : i32
    %dma_wait3A_191 = tpu.memref_slice %arg4[%dma_wait3A_189, %dma_wait3A_190] : memref<100000x128xf32, #tpu.memory_space<hbm>> -> memref<100000x128xf32, #tpu.memory_space<hbm>>
    tpu.wait_indirect_dma semaphore(%arg15 : memref<!tpu.dma_semaphore, #tpu.memory_space<semaphore_mem>>) src(%dma_wait3A_191 : memref<100000x128xf32, #tpu.memory_space<hbm>>) dst(%dma_wait3A_185 : memref<64x128xf32, #tpu.memory_space<vmem>>)
    %parallel_loop3A_192 = arith.constant 0 : i32
    %parallel_loop3A_193 = arith.constant 64 : i32
    %parallel_loop3A_194 = arith.constant 1 : i32
    %parallel_loop3A_195 = arith.constant 1 : i32
    %parallel_loop3A_196 = arith.constant 1 : i32
    %parallel_loop3A_197:4 = scf.for %parallel_loop3A_469 = %parallel_loop3A_192 to %parallel_loop3A_193 step %parallel_loop3A_194 iter_args(%parallel_loop3A_470 = %parallel_loop3A_139#0, %parallel_loop3A_471 = %parallel_loop3A_139#1, %parallel_loop3A_472 = %parallel_loop3A_139#2, %parallel_loop3A_473 = %parallel_loop3A_139#3) -> (vector<16xf32>, vector<16xf32>, vector<16xf32>, vector<16xf32>)  : i32 {
      %parallel_loop3A_474 = arith.constant 0 : i32
      %parallel_loop3A_475 = arith.constant 0 : i32
      %parallel_loop3A_476 = tpu.memref_slice %arg7[%parallel_loop3A_195, %parallel_loop3A_474, %parallel_loop3A_475] : memref<4x64x128xf32, #tpu.memory_space<vmem>> -> memref<1x64x128xf32, #tpu.memory_space<vmem>>
      %parallel_loop3A_477 = tpu.memref_squeeze %parallel_loop3A_476 : memref<1x64x128xf32, #tpu.memory_space<vmem>> -> memref<64x128xf32, #tpu.memory_space<vmem>>
      %parallel_loop3A_478 = arith.index_cast %parallel_loop3A_469 : i32 to index
      %parallel_loop3A_479 = arith.constant 0 : index
      %parallel_loop3A_480 = tpu.vector_load %parallel_loop3A_477[%parallel_loop3A_478, %parallel_loop3A_479] {strides = array<i32>} : memref<64x128xf32, #tpu.memory_space<vmem>>, vector<16xf32>,
      %parallel_loop3A_481 = arith.constant 0 : i32
      %parallel_loop3A_482 = arith.constant 0 : i32
      %parallel_loop3A_483 = tpu.memref_slice %arg8[%parallel_loop3A_196, %parallel_loop3A_481, %parallel_loop3A_482] : memref<4x64x128xf32, #tpu.memory_space<vmem>> -> memref<1x64x128xf32, #tpu.memory_space<vmem>>
      %parallel_loop3A_484 = tpu.memref_squeeze %parallel_loop3A_483 : memref<1x64x128xf32, #tpu.memory_space<vmem>> -> memref<64x128xf32, #tpu.memory_space<vmem>>
      %parallel_loop3A_485 = arith.index_cast %parallel_loop3A_469 : i32 to index
      %parallel_loop3A_486 = arith.constant 0 : index
      %parallel_loop3A_487 = tpu.vector_load %parallel_loop3A_484[%parallel_loop3A_485, %parallel_loop3A_486] {strides = array<i32>} : memref<64x128xf32, #tpu.memory_space<vmem>>, vector<16xf32>,
      %parallel_loop3A_488 = arith.subf %parallel_loop3A_480, %parallel_loop3A_487 : vector<16xf32>
      %parallel_loop3A_489 = arith.mulf %parallel_loop3A_488, %parallel_loop3A_488 : vector<16xf32>
      %parallel_loop3A_490 = arith.addf %parallel_loop3A_470, %parallel_loop3A_489 : vector<16xf32>
      %parallel_loop3A_491 = arith.constant 0 : i32
      %parallel_loop3A_492 = arith.constant 0 : i32
      %parallel_loop3A_493 = tpu.memref_slice %arg7[%parallel_loop3A_195, %parallel_loop3A_491, %parallel_loop3A_492] : memref<4x64x128xf32, #tpu.memory_space<vmem>> -> memref<1x64x128xf32, #tpu.memory_space<vmem>>
      %parallel_loop3A_494 = tpu.memref_squeeze %parallel_loop3A_493 : memref<1x64x128xf32, #tpu.memory_space<vmem>> -> memref<64x128xf32, #tpu.memory_space<vmem>>
      %parallel_loop3A_495 = arith.index_cast %parallel_loop3A_469 : i32 to index
      %parallel_loop3A_496 = arith.constant 16 : index
      %parallel_loop3A_497 = tpu.vector_load %parallel_loop3A_494[%parallel_loop3A_495, %parallel_loop3A_496] {strides = array<i32>} : memref<64x128xf32, #tpu.memory_space<vmem>>, vector<16xf32>,
      %parallel_loop3A_498 = arith.constant 0 : i32
      %parallel_loop3A_499 = arith.constant 0 : i32
      %parallel_loop3A_500 = tpu.memref_slice %arg8[%parallel_loop3A_196, %parallel_loop3A_498, %parallel_loop3A_499] : memref<4x64x128xf32, #tpu.memory_space<vmem>> -> memref<1x64x128xf32, #tpu.memory_space<vmem>>
      %parallel_loop3A_501 = tpu.memref_squeeze %parallel_loop3A_500 : memref<1x64x128xf32, #tpu.memory_space<vmem>> -> memref<64x128xf32, #tpu.memory_space<vmem>>
      %parallel_loop3A_502 = arith.index_cast %parallel_loop3A_469 : i32 to index
      %parallel_loop3A_503 = arith.constant 16 : index
      %parallel_loop3A_504 = tpu.vector_load %parallel_loop3A_501[%parallel_loop3A_502, %parallel_loop3A_503] {strides = array<i32>} : memref<64x128xf32, #tpu.memory_space<vmem>>, vector<16xf32>,
      %parallel_loop3A_505 = arith.subf %parallel_loop3A_497, %parallel_loop3A_504 : vector<16xf32>
      %parallel_loop3A_506 = arith.mulf %parallel_loop3A_505, %parallel_loop3A_505 : vector<16xf32>
      %parallel_loop3A_507 = arith.addf %parallel_loop3A_471, %parallel_loop3A_506 : vector<16xf32>
      %parallel_loop3A_508 = arith.constant 0 : i32
      %parallel_loop3A_509 = arith.constant 0 : i32
      %parallel_loop3A_510 = tpu.memref_slice %arg7[%parallel_loop3A_195, %parallel_loop3A_508, %parallel_loop3A_509] : memref<4x64x128xf32, #tpu.memory_space<vmem>> -> memref<1x64x128xf32, #tpu.memory_space<vmem>>
      %parallel_loop3A_511 = tpu.memref_squeeze %parallel_loop3A_510 : memref<1x64x128xf32, #tpu.memory_space<vmem>> -> memref<64x128xf32, #tpu.memory_space<vmem>>
      %parallel_loop3A_512 = arith.index_cast %parallel_loop3A_469 : i32 to index
      %parallel_loop3A_513 = arith.constant 32 : index
      %parallel_loop3A_514 = tpu.vector_load %parallel_loop3A_511[%parallel_loop3A_512, %parallel_loop3A_513] {strides = array<i32>} : memref<64x128xf32, #tpu.memory_space<vmem>>, vector<16xf32>,
      %parallel_loop3A_515 = arith.constant 0 : i32
      %parallel_loop3A_516 = arith.constant 0 : i32
      %parallel_loop3A_517 = tpu.memref_slice %arg8[%parallel_loop3A_196, %parallel_loop3A_515, %parallel_loop3A_516] : memref<4x64x128xf32, #tpu.memory_space<vmem>> -> memref<1x64x128xf32, #tpu.memory_space<vmem>>
      %parallel_loop3A_518 = tpu.memref_squeeze %parallel_loop3A_517 : memref<1x64x128xf32, #tpu.memory_space<vmem>> -> memref<64x128xf32, #tpu.memory_space<vmem>>
      %parallel_loop3A_519 = arith.index_cast %parallel_loop3A_469 : i32 to index
      %parallel_loop3A_520 = arith.constant 32 : index
      %parallel_loop3A_521 = tpu.vector_load %parallel_loop3A_518[%parallel_loop3A_519, %parallel_loop3A_520] {strides = array<i32>} : memref<64x128xf32, #tpu.memory_space<vmem>>, vector<16xf32>,
      %parallel_loop3A_522 = arith.subf %parallel_loop3A_514, %parallel_loop3A_521 : vector<16xf32>
      %parallel_loop3A_523 = arith.mulf %parallel_loop3A_522, %parallel_loop3A_522 : vector<16xf32>
      %parallel_loop3A_524 = arith.addf %parallel_loop3A_472, %parallel_loop3A_523 : vector<16xf32>
      %parallel_loop3A_525 = arith.constant 0 : i32
      %parallel_loop3A_526 = arith.constant 0 : i32
      %parallel_loop3A_527 = tpu.memref_slice %arg7[%parallel_loop3A_195, %parallel_loop3A_525, %parallel_loop3A_526] : memref<4x64x128xf32, #tpu.memory_space<vmem>> -> memref<1x64x128xf32, #tpu.memory_space<vmem>>
      %parallel_loop3A_528 = tpu.memref_squeeze %parallel_loop3A_527 : memref<1x64x128xf32, #tpu.memory_space<vmem>> -> memref<64x128xf32, #tpu.memory_space<vmem>>
      %parallel_loop3A_529 = arith.index_cast %parallel_loop3A_469 : i32 to index
      %parallel_loop3A_530 = arith.constant 48 : index
      %parallel_loop3A_531 = tpu.vector_load %parallel_loop3A_528[%parallel_loop3A_529, %parallel_loop3A_530] {strides = array<i32>} : memref<64x128xf32, #tpu.memory_space<vmem>>, vector<16xf32>,
      %parallel_loop3A_532 = arith.constant 0 : i32
      %parallel_loop3A_533 = arith.constant 0 : i32
      %parallel_loop3A_534 = tpu.memref_slice %arg8[%parallel_loop3A_196, %parallel_loop3A_532, %parallel_loop3A_533] : memref<4x64x128xf32, #tpu.memory_space<vmem>> -> memref<1x64x128xf32, #tpu.memory_space<vmem>>
      %parallel_loop3A_535 = tpu.memref_squeeze %parallel_loop3A_534 : memref<1x64x128xf32, #tpu.memory_space<vmem>> -> memref<64x128xf32, #tpu.memory_space<vmem>>
      %parallel_loop3A_536 = arith.index_cast %parallel_loop3A_469 : i32 to index
      %parallel_loop3A_537 = arith.constant 48 : index
      %parallel_loop3A_538 = tpu.vector_load %parallel_loop3A_535[%parallel_loop3A_536, %parallel_loop3A_537] {strides = array<i32>} : memref<64x128xf32, #tpu.memory_space<vmem>>, vector<16xf32>,
      %parallel_loop3A_539 = arith.subf %parallel_loop3A_531, %parallel_loop3A_538 : vector<16xf32>
      %parallel_loop3A_540 = arith.mulf %parallel_loop3A_539, %parallel_loop3A_539 : vector<16xf32>
      %parallel_loop3A_541 = arith.addf %parallel_loop3A_473, %parallel_loop3A_540 : vector<16xf32>
      %parallel_loop3A_542 = arith.constant 0 : i32
      %parallel_loop3A_543 = arith.constant 0 : i32
      %parallel_loop3A_544 = tpu.memref_slice %arg7[%parallel_loop3A_195, %parallel_loop3A_542, %parallel_loop3A_543] : memref<4x64x128xf32, #tpu.memory_space<vmem>> -> memref<1x64x128xf32, #tpu.memory_space<vmem>>
      %parallel_loop3A_545 = tpu.memref_squeeze %parallel_loop3A_544 : memref<1x64x128xf32, #tpu.memory_space<vmem>> -> memref<64x128xf32, #tpu.memory_space<vmem>>
      %parallel_loop3A_546 = arith.index_cast %parallel_loop3A_469 : i32 to index
      %parallel_loop3A_547 = arith.constant 64 : index
      %parallel_loop3A_548 = tpu.vector_load %parallel_loop3A_545[%parallel_loop3A_546, %parallel_loop3A_547] {strides = array<i32>} : memref<64x128xf32, #tpu.memory_space<vmem>>, vector<16xf32>,
      %parallel_loop3A_549 = arith.constant 0 : i32
      %parallel_loop3A_550 = arith.constant 0 : i32
      %parallel_loop3A_551 = tpu.memref_slice %arg8[%parallel_loop3A_196, %parallel_loop3A_549, %parallel_loop3A_550] : memref<4x64x128xf32, #tpu.memory_space<vmem>> -> memref<1x64x128xf32, #tpu.memory_space<vmem>>
      %parallel_loop3A_552 = tpu.memref_squeeze %parallel_loop3A_551 : memref<1x64x128xf32, #tpu.memory_space<vmem>> -> memref<64x128xf32, #tpu.memory_space<vmem>>
      %parallel_loop3A_553 = arith.index_cast %parallel_loop3A_469 : i32 to index
      %parallel_loop3A_554 = arith.constant 64 : index
      %parallel_loop3A_555 = tpu.vector_load %parallel_loop3A_552[%parallel_loop3A_553, %parallel_loop3A_554] {strides = array<i32>} : memref<64x128xf32, #tpu.memory_space<vmem>>, vector<16xf32>,
      %parallel_loop3A_556 = arith.subf %parallel_loop3A_548, %parallel_loop3A_555 : vector<16xf32>
      %parallel_loop3A_557 = arith.mulf %parallel_loop3A_556, %parallel_loop3A_556 : vector<16xf32>
      %parallel_loop3A_558 = arith.addf %parallel_loop3A_490, %parallel_loop3A_557 : vector<16xf32>
      %parallel_loop3A_559 = arith.constant 0 : i32
      %parallel_loop3A_560 = arith.constant 0 : i32
      %parallel_loop3A_561 = tpu.memref_slice %arg7[%parallel_loop3A_195, %parallel_loop3A_559, %parallel_loop3A_560] : memref<4x64x128xf32, #tpu.memory_space<vmem>> -> memref<1x64x128xf32, #tpu.memory_space<vmem>>
      %parallel_loop3A_562 = tpu.memref_squeeze %parallel_loop3A_561 : memref<1x64x128xf32, #tpu.memory_space<vmem>> -> memref<64x128xf32, #tpu.memory_space<vmem>>
      %parallel_loop3A_563 = arith.index_cast %parallel_loop3A_469 : i32 to index
      %parallel_loop3A_564 = arith.constant 80 : index
      %parallel_loop3A_565 = tpu.vector_load %parallel_loop3A_562[%parallel_loop3A_563, %parallel_loop3A_564] {strides = array<i32>} : memref<64x128xf32, #tpu.memory_space<vmem>>, vector<16xf32>,
      %parallel_loop3A_566 = arith.constant 0 : i32
      %parallel_loop3A_567 = arith.constant 0 : i32
      %parallel_loop3A_568 = tpu.memref_slice %arg8[%parallel_loop3A_196, %parallel_loop3A_566, %parallel_loop3A_567] : memref<4x64x128xf32, #tpu.memory_space<vmem>> -> memref<1x64x128xf32, #tpu.memory_space<vmem>>
      %parallel_loop3A_569 = tpu.memref_squeeze %parallel_loop3A_568 : memref<1x64x128xf32, #tpu.memory_space<vmem>> -> memref<64x128xf32, #tpu.memory_space<vmem>>
      %parallel_loop3A_570 = arith.index_cast %parallel_loop3A_469 : i32 to index
      %parallel_loop3A_571 = arith.constant 80 : index
      %parallel_loop3A_572 = tpu.vector_load %parallel_loop3A_569[%parallel_loop3A_570, %parallel_loop3A_571] {strides = array<i32>} : memref<64x128xf32, #tpu.memory_space<vmem>>, vector<16xf32>,
      %parallel_loop3A_573 = arith.subf %parallel_loop3A_565, %parallel_loop3A_572 : vector<16xf32>
      %parallel_loop3A_574 = arith.mulf %parallel_loop3A_573, %parallel_loop3A_573 : vector<16xf32>
      %parallel_loop3A_575 = arith.addf %parallel_loop3A_507, %parallel_loop3A_574 : vector<16xf32>
      %parallel_loop3A_576 = arith.constant 0 : i32
      %parallel_loop3A_577 = arith.constant 0 : i32
      %parallel_loop3A_578 = tpu.memref_slice %arg7[%parallel_loop3A_195, %parallel_loop3A_576, %parallel_loop3A_577] : memref<4x64x128xf32, #tpu.memory_space<vmem>> -> memref<1x64x128xf32, #tpu.memory_space<vmem>>
      %parallel_loop3A_579 = tpu.memref_squeeze %parallel_loop3A_578 : memref<1x64x128xf32, #tpu.memory_space<vmem>> -> memref<64x128xf32, #tpu.memory_space<vmem>>
      %parallel_loop3A_580 = arith.index_cast %parallel_loop3A_469 : i32 to index
      %parallel_loop3A_581 = arith.constant 96 : index
      %parallel_loop3A_582 = tpu.vector_load %parallel_loop3A_579[%parallel_loop3A_580, %parallel_loop3A_581] {strides = array<i32>} : memref<64x128xf32, #tpu.memory_space<vmem>>, vector<16xf32>,
      %parallel_loop3A_583 = arith.constant 0 : i32
      %parallel_loop3A_584 = arith.constant 0 : i32
      %parallel_loop3A_585 = tpu.memref_slice %arg8[%parallel_loop3A_196, %parallel_loop3A_583, %parallel_loop3A_584] : memref<4x64x128xf32, #tpu.memory_space<vmem>> -> memref<1x64x128xf32, #tpu.memory_space<vmem>>
      %parallel_loop3A_586 = tpu.memref_squeeze %parallel_loop3A_585 : memref<1x64x128xf32, #tpu.memory_space<vmem>> -> memref<64x128xf32, #tpu.memory_space<vmem>>
      %parallel_loop3A_587 = arith.index_cast %parallel_loop3A_469 : i32 to index
      %parallel_loop3A_588 = arith.constant 96 : index
      %parallel_loop3A_589 = tpu.vector_load %parallel_loop3A_586[%parallel_loop3A_587, %parallel_loop3A_588] {strides = array<i32>} : memref<64x128xf32, #tpu.memory_space<vmem>>, vector<16xf32>,
      %parallel_loop3A_590 = arith.subf %parallel_loop3A_582, %parallel_loop3A_589 : vector<16xf32>
      %parallel_loop3A_591 = arith.mulf %parallel_loop3A_590, %parallel_loop3A_590 : vector<16xf32>
      %parallel_loop3A_592 = arith.addf %parallel_loop3A_524, %parallel_loop3A_591 : vector<16xf32>
      %parallel_loop3A_593 = arith.constant 0 : i32
      %parallel_loop3A_594 = arith.constant 0 : i32
      %parallel_loop3A_595 = tpu.memref_slice %arg7[%parallel_loop3A_195, %parallel_loop3A_593, %parallel_loop3A_594] : memref<4x64x128xf32, #tpu.memory_space<vmem>> -> memref<1x64x128xf32, #tpu.memory_space<vmem>>
      %parallel_loop3A_596 = tpu.memref_squeeze %parallel_loop3A_595 : memref<1x64x128xf32, #tpu.memory_space<vmem>> -> memref<64x128xf32, #tpu.memory_space<vmem>>
      %parallel_loop3A_597 = arith.index_cast %parallel_loop3A_469 : i32 to index
      %parallel_loop3A_598 = arith.constant 112 : index
      %parallel_loop3A_599 = tpu.vector_load %parallel_loop3A_596[%parallel_loop3A_597, %parallel_loop3A_598] {strides = array<i32>} : memref<64x128xf32, #tpu.memory_space<vmem>>, vector<16xf32>,
      %parallel_loop3A_600 = arith.constant 0 : i32
      %parallel_loop3A_601 = arith.constant 0 : i32
      %parallel_loop3A_602 = tpu.memref_slice %arg8[%parallel_loop3A_196, %parallel_loop3A_600, %parallel_loop3A_601] : memref<4x64x128xf32, #tpu.memory_space<vmem>> -> memref<1x64x128xf32, #tpu.memory_space<vmem>>
      %parallel_loop3A_603 = tpu.memref_squeeze %parallel_loop3A_602 : memref<1x64x128xf32, #tpu.memory_space<vmem>> -> memref<64x128xf32, #tpu.memory_space<vmem>>
      %parallel_loop3A_604 = arith.index_cast %parallel_loop3A_469 : i32 to index
      %parallel_loop3A_605 = arith.constant 112 : index
      %parallel_loop3A_606 = tpu.vector_load %parallel_loop3A_603[%parallel_loop3A_604, %parallel_loop3A_605] {strides = array<i32>} : memref<64x128xf32, #tpu.memory_space<vmem>>, vector<16xf32>,
      %parallel_loop3A_607 = arith.subf %parallel_loop3A_599, %parallel_loop3A_606 : vector<16xf32>
      %parallel_loop3A_608 = arith.mulf %parallel_loop3A_607, %parallel_loop3A_607 : vector<16xf32>
      %parallel_loop3A_609 = arith.addf %parallel_loop3A_541, %parallel_loop3A_608 : vector<16xf32>
      scf.yield %parallel_loop3A_558, %parallel_loop3A_575, %parallel_loop3A_592, %parallel_loop3A_609 : vector<16xf32>, vector<16xf32>, vector<16xf32>, vector<16xf32>
    } {sc.loop_unroll_factor = 2 : i64, sc.parallel_access}
    %add3A_198 = arith.constant 320 : i32
    %add3A_199 = arith.addi %mul3A_2, %add3A_198 : i32
    %dma_start3A_200 = arith.constant 1 : i32
    %dma_start3A_201 = arith.constant 0 : i32
    %dma_start3A_202 = arith.constant 0 : i32
    %dma_start3A_203 = tpu.memref_slice %arg7[%dma_start3A_200, %dma_start3A_201, %dma_start3A_202] : memref<4x64x128xf32, #tpu.memory_space<vmem>> -> memref<1x64x128xf32, #tpu.memory_space<vmem>>
    %dma_start3A_204 = tpu.memref_squeeze %dma_start3A_203 : memref<1x64x128xf32, #tpu.memory_space<vmem>> -> memref<64x128xf32, #tpu.memory_space<vmem>>
    %dma_start3A_205 = arith.constant 0 : i32
    %dma_start3A_206 = tpu.memref_slice %arg2[%add3A_199, %dma_start3A_205] : memref<16384x128xf32, #tpu.memory_space<hbm>> -> memref<64x128xf32, #tpu.memory_space<hbm>>
    %dma_start3A_207 = arith.constant 0 : i32
    %dma_start3A_208 = arith.constant 0 : i32
    %dma_start3A_209 = tpu.memref_slice %arg7[%dma_start3A_200, %dma_start3A_207, %dma_start3A_208] : memref<4x64x128xf32, #tpu.memory_space<vmem>> -> memref<1x64x128xf32, #tpu.memory_space<vmem>>
    %dma_start3A_210 = tpu.memref_squeeze %dma_start3A_209 : memref<1x64x128xf32, #tpu.memory_space<vmem>> -> memref<64x128xf32, #tpu.memory_space<vmem>>
    %dma_start3A_211 = arith.constant 0 : i32
    %dma_start3A_212 = tpu.memref_slice %arg2[%add3A_199, %dma_start3A_211] : memref<16384x128xf32, #tpu.memory_space<hbm>> -> memref<64x128xf32, #tpu.memory_space<hbm>>
    tpu.enqueue_dma source(%dma_start3A_212 : memref<64x128xf32, #tpu.memory_space<hbm>>) target(%dma_start3A_210 : memref<64x128xf32, #tpu.memory_space<vmem>>) target_semaphore(%arg11 : memref<!tpu.dma_semaphore, #tpu.memory_space<semaphore_mem>>)
    %dma_start3A_213 = arith.constant 5 : i32
    %dma_start3A_214 = arith.constant 1 : i32
    %dma_start3A_215 = arith.constant 0 : i32
    %dma_start3A_216 = arith.constant 0 : i32
    %dma_start3A_217 = tpu.memref_slice %arg8[%dma_start3A_214, %dma_start3A_215, %dma_start3A_216] : memref<4x64x128xf32, #tpu.memory_space<vmem>> -> memref<1x64x128xf32, #tpu.memory_space<vmem>>
    %dma_start3A_218 = tpu.memref_squeeze %dma_start3A_217 : memref<1x64x128xf32, #tpu.memory_space<vmem>> -> memref<64x128xf32, #tpu.memory_space<vmem>>
    %dma_start3A_219 = arith.constant 0 : i32
    %dma_start3A_220 = tpu.memref_slice %arg6[%dma_start3A_213, %dma_start3A_219] : memref<8x64xi32, #tpu.memory_space<vmem>> -> memref<1x64xi32, #tpu.memory_space<vmem>>
    %dma_start3A_221 = tpu.memref_squeeze %dma_start3A_220 : memref<1x64xi32, #tpu.memory_space<vmem>> -> memref<64xi32, #tpu.memory_space<vmem>>
    %dma_start3A_222 = arith.constant 0 : i32
    %dma_start3A_223 = arith.constant 0 : i32
    %dma_start3A_224 = tpu.memref_slice %arg4[%dma_start3A_222, %dma_start3A_223] : memref<100000x128xf32, #tpu.memory_space<hbm>> -> memref<100000x128xf32, #tpu.memory_space<hbm>>
    tpu.enqueue_indirect_dma source(%dma_start3A_224 : memref<100000x128xf32, #tpu.memory_space<hbm>>) target(%dma_start3A_218 : memref<64x128xf32, #tpu.memory_space<vmem>>) offsets(%dma_start3A_221 : memref<64xi32, #tpu.memory_space<vmem>>) semaphore(%arg15 : memref<!tpu.dma_semaphore, #tpu.memory_space<semaphore_mem>>)
    %dma_wait3A_225 = arith.constant 2 : i32
    %dma_wait3A_226 = arith.constant 0 : i32
    %dma_wait3A_227 = arith.constant 0 : i32
    %dma_wait3A_228 = tpu.memref_slice %arg7[%dma_wait3A_225, %dma_wait3A_226, %dma_wait3A_227] : memref<4x64x128xf32, #tpu.memory_space<vmem>> -> memref<1x64x128xf32, #tpu.memory_space<vmem>>
    %dma_wait3A_229 = tpu.memref_squeeze %dma_wait3A_228 : memref<1x64x128xf32, #tpu.memory_space<vmem>> -> memref<64x128xf32, #tpu.memory_space<vmem>>
    %dma_wait3A_230 = arith.constant 0 : i32
    %dma_wait3A_231 = tpu.memref_slice %arg2[%add3A_33, %dma_wait3A_230] : memref<16384x128xf32, #tpu.memory_space<hbm>> -> memref<64x128xf32, #tpu.memory_space<hbm>>
    %dma_wait3A_232 = arith.constant 0 : i32
    %dma_wait3A_233 = arith.constant 0 : i32
    %dma_wait3A_234 = tpu.memref_slice %arg7[%dma_wait3A_225, %dma_wait3A_232, %dma_wait3A_233] : memref<4x64x128xf32, #tpu.memory_space<vmem>> -> memref<1x64x128xf32, #tpu.memory_space<vmem>>
    %dma_wait3A_235 = tpu.memref_squeeze %dma_wait3A_234 : memref<1x64x128xf32, #tpu.memory_space<vmem>> -> memref<64x128xf32, #tpu.memory_space<vmem>>
    %dma_wait3A_236 = arith.constant 0 : i32
    %dma_wait3A_237 = tpu.memref_slice %arg2[%add3A_33, %dma_wait3A_236] : memref<16384x128xf32, #tpu.memory_space<hbm>> -> memref<64x128xf32, #tpu.memory_space<hbm>>
    tpu.wait_dma2 semaphore(%arg12 : memref<!tpu.dma_semaphore, #tpu.memory_space<semaphore_mem>>) src(%dma_wait3A_237 : memref<64x128xf32, #tpu.memory_space<hbm>>) dst(%dma_wait3A_235 : memref<64x128xf32, #tpu.memory_space<vmem>>)
    %dma_wait3A_238 = arith.constant 2 : i32
    %dma_wait3A_239 = arith.constant 2 : i32
    %dma_wait3A_240 = arith.constant 0 : i32
    %dma_wait3A_241 = arith.constant 0 : i32
    %dma_wait3A_242 = tpu.memref_slice %arg8[%dma_wait3A_239, %dma_wait3A_240, %dma_wait3A_241] : memref<4x64x128xf32, #tpu.memory_space<vmem>> -> memref<1x64x128xf32, #tpu.memory_space<vmem>>
    %dma_wait3A_243 = tpu.memref_squeeze %dma_wait3A_242 : memref<1x64x128xf32, #tpu.memory_space<vmem>> -> memref<64x128xf32, #tpu.memory_space<vmem>>
    %dma_wait3A_244 = arith.constant 0 : i32
    %dma_wait3A_245 = tpu.memref_slice %arg6[%dma_wait3A_238, %dma_wait3A_244] : memref<8x64xi32, #tpu.memory_space<vmem>> -> memref<1x64xi32, #tpu.memory_space<vmem>>
    %dma_wait3A_246 = tpu.memref_squeeze %dma_wait3A_245 : memref<1x64xi32, #tpu.memory_space<vmem>> -> memref<64xi32, #tpu.memory_space<vmem>>
    %dma_wait3A_247 = arith.constant 0 : i32
    %dma_wait3A_248 = arith.constant 0 : i32
    %dma_wait3A_249 = tpu.memref_slice %arg4[%dma_wait3A_247, %dma_wait3A_248] : memref<100000x128xf32, #tpu.memory_space<hbm>> -> memref<100000x128xf32, #tpu.memory_space<hbm>>
    tpu.wait_indirect_dma semaphore(%arg16 : memref<!tpu.dma_semaphore, #tpu.memory_space<semaphore_mem>>) src(%dma_wait3A_249 : memref<100000x128xf32, #tpu.memory_space<hbm>>) dst(%dma_wait3A_243 : memref<64x128xf32, #tpu.memory_space<vmem>>)
    %parallel_loop3A_250 = arith.constant 0 : i32
    %parallel_loop3A_251 = arith.constant 64 : i32
    %parallel_loop3A_252 = arith.constant 1 : i32
    %parallel_loop3A_253 = arith.constant 2 : i32
    %parallel_loop3A_254 = arith.constant 2 : i32
    %parallel_loop3A_255:4 = scf.for %parallel_loop3A_469 = %parallel_loop3A_250 to %parallel_loop3A_251 step %parallel_loop3A_252 iter_args(%parallel_loop3A_470 = %parallel_loop3A_197#0, %parallel_loop3A_471 = %parallel_loop3A_197#1, %parallel_loop3A_472 = %parallel_loop3A_197#2, %parallel_loop3A_473 = %parallel_loop3A_197#3) -> (vector<16xf32>, vector<16xf32>, vector<16xf32>, vector<16xf32>)  : i32 {
      %parallel_loop3A_474 = arith.constant 0 : i32
      %parallel_loop3A_475 = arith.constant 0 : i32
      %parallel_loop3A_476 = tpu.memref_slice %arg7[%parallel_loop3A_253, %parallel_loop3A_474, %parallel_loop3A_475] : memref<4x64x128xf32, #tpu.memory_space<vmem>> -> memref<1x64x128xf32, #tpu.memory_space<vmem>>
      %parallel_loop3A_477 = tpu.memref_squeeze %parallel_loop3A_476 : memref<1x64x128xf32, #tpu.memory_space<vmem>> -> memref<64x128xf32, #tpu.memory_space<vmem>>
      %parallel_loop3A_478 = arith.index_cast %parallel_loop3A_469 : i32 to index
      %parallel_loop3A_479 = arith.constant 0 : index
      %parallel_loop3A_480 = tpu.vector_load %parallel_loop3A_477[%parallel_loop3A_478, %parallel_loop3A_479] {strides = array<i32>} : memref<64x128xf32, #tpu.memory_space<vmem>>, vector<16xf32>,
      %parallel_loop3A_481 = arith.constant 0 : i32
      %parallel_loop3A_482 = arith.constant 0 : i32
      %parallel_loop3A_483 = tpu.memref_slice %arg8[%parallel_loop3A_254, %parallel_loop3A_481, %parallel_loop3A_482] : memref<4x64x128xf32, #tpu.memory_space<vmem>> -> memref<1x64x128xf32, #tpu.memory_space<vmem>>
      %parallel_loop3A_484 = tpu.memref_squeeze %parallel_loop3A_483 : memref<1x64x128xf32, #tpu.memory_space<vmem>> -> memref<64x128xf32, #tpu.memory_space<vmem>>
      %parallel_loop3A_485 = arith.index_cast %parallel_loop3A_469 : i32 to index
      %parallel_loop3A_486 = arith.constant 0 : index
      %parallel_loop3A_487 = tpu.vector_load %parallel_loop3A_484[%parallel_loop3A_485, %parallel_loop3A_486] {strides = array<i32>} : memref<64x128xf32, #tpu.memory_space<vmem>>, vector<16xf32>,
      %parallel_loop3A_488 = arith.subf %parallel_loop3A_480, %parallel_loop3A_487 : vector<16xf32>
      %parallel_loop3A_489 = arith.mulf %parallel_loop3A_488, %parallel_loop3A_488 : vector<16xf32>
      %parallel_loop3A_490 = arith.addf %parallel_loop3A_470, %parallel_loop3A_489 : vector<16xf32>
      %parallel_loop3A_491 = arith.constant 0 : i32
      %parallel_loop3A_492 = arith.constant 0 : i32
      %parallel_loop3A_493 = tpu.memref_slice %arg7[%parallel_loop3A_253, %parallel_loop3A_491, %parallel_loop3A_492] : memref<4x64x128xf32, #tpu.memory_space<vmem>> -> memref<1x64x128xf32, #tpu.memory_space<vmem>>
      %parallel_loop3A_494 = tpu.memref_squeeze %parallel_loop3A_493 : memref<1x64x128xf32, #tpu.memory_space<vmem>> -> memref<64x128xf32, #tpu.memory_space<vmem>>
      %parallel_loop3A_495 = arith.index_cast %parallel_loop3A_469 : i32 to index
      %parallel_loop3A_496 = arith.constant 16 : index
      %parallel_loop3A_497 = tpu.vector_load %parallel_loop3A_494[%parallel_loop3A_495, %parallel_loop3A_496] {strides = array<i32>} : memref<64x128xf32, #tpu.memory_space<vmem>>, vector<16xf32>,
      %parallel_loop3A_498 = arith.constant 0 : i32
      %parallel_loop3A_499 = arith.constant 0 : i32
      %parallel_loop3A_500 = tpu.memref_slice %arg8[%parallel_loop3A_254, %parallel_loop3A_498, %parallel_loop3A_499] : memref<4x64x128xf32, #tpu.memory_space<vmem>> -> memref<1x64x128xf32, #tpu.memory_space<vmem>>
      %parallel_loop3A_501 = tpu.memref_squeeze %parallel_loop3A_500 : memref<1x64x128xf32, #tpu.memory_space<vmem>> -> memref<64x128xf32, #tpu.memory_space<vmem>>
      %parallel_loop3A_502 = arith.index_cast %parallel_loop3A_469 : i32 to index
      %parallel_loop3A_503 = arith.constant 16 : index
      %parallel_loop3A_504 = tpu.vector_load %parallel_loop3A_501[%parallel_loop3A_502, %parallel_loop3A_503] {strides = array<i32>} : memref<64x128xf32, #tpu.memory_space<vmem>>, vector<16xf32>,
      %parallel_loop3A_505 = arith.subf %parallel_loop3A_497, %parallel_loop3A_504 : vector<16xf32>
      %parallel_loop3A_506 = arith.mulf %parallel_loop3A_505, %parallel_loop3A_505 : vector<16xf32>
      %parallel_loop3A_507 = arith.addf %parallel_loop3A_471, %parallel_loop3A_506 : vector<16xf32>
      %parallel_loop3A_508 = arith.constant 0 : i32
      %parallel_loop3A_509 = arith.constant 0 : i32
      %parallel_loop3A_510 = tpu.memref_slice %arg7[%parallel_loop3A_253, %parallel_loop3A_508, %parallel_loop3A_509] : memref<4x64x128xf32, #tpu.memory_space<vmem>> -> memref<1x64x128xf32, #tpu.memory_space<vmem>>
      %parallel_loop3A_511 = tpu.memref_squeeze %parallel_loop3A_510 : memref<1x64x128xf32, #tpu.memory_space<vmem>> -> memref<64x128xf32, #tpu.memory_space<vmem>>
      %parallel_loop3A_512 = arith.index_cast %parallel_loop3A_469 : i32 to index
      %parallel_loop3A_513 = arith.constant 32 : index
      %parallel_loop3A_514 = tpu.vector_load %parallel_loop3A_511[%parallel_loop3A_512, %parallel_loop3A_513] {strides = array<i32>} : memref<64x128xf32, #tpu.memory_space<vmem>>, vector<16xf32>,
      %parallel_loop3A_515 = arith.constant 0 : i32
      %parallel_loop3A_516 = arith.constant 0 : i32
      %parallel_loop3A_517 = tpu.memref_slice %arg8[%parallel_loop3A_254, %parallel_loop3A_515, %parallel_loop3A_516] : memref<4x64x128xf32, #tpu.memory_space<vmem>> -> memref<1x64x128xf32, #tpu.memory_space<vmem>>
      %parallel_loop3A_518 = tpu.memref_squeeze %parallel_loop3A_517 : memref<1x64x128xf32, #tpu.memory_space<vmem>> -> memref<64x128xf32, #tpu.memory_space<vmem>>
      %parallel_loop3A_519 = arith.index_cast %parallel_loop3A_469 : i32 to index
      %parallel_loop3A_520 = arith.constant 32 : index
      %parallel_loop3A_521 = tpu.vector_load %parallel_loop3A_518[%parallel_loop3A_519, %parallel_loop3A_520] {strides = array<i32>} : memref<64x128xf32, #tpu.memory_space<vmem>>, vector<16xf32>,
      %parallel_loop3A_522 = arith.subf %parallel_loop3A_514, %parallel_loop3A_521 : vector<16xf32>
      %parallel_loop3A_523 = arith.mulf %parallel_loop3A_522, %parallel_loop3A_522 : vector<16xf32>
      %parallel_loop3A_524 = arith.addf %parallel_loop3A_472, %parallel_loop3A_523 : vector<16xf32>
      %parallel_loop3A_525 = arith.constant 0 : i32
      %parallel_loop3A_526 = arith.constant 0 : i32
      %parallel_loop3A_527 = tpu.memref_slice %arg7[%parallel_loop3A_253, %parallel_loop3A_525, %parallel_loop3A_526] : memref<4x64x128xf32, #tpu.memory_space<vmem>> -> memref<1x64x128xf32, #tpu.memory_space<vmem>>
      %parallel_loop3A_528 = tpu.memref_squeeze %parallel_loop3A_527 : memref<1x64x128xf32, #tpu.memory_space<vmem>> -> memref<64x128xf32, #tpu.memory_space<vmem>>
      %parallel_loop3A_529 = arith.index_cast %parallel_loop3A_469 : i32 to index
      %parallel_loop3A_530 = arith.constant 48 : index
      %parallel_loop3A_531 = tpu.vector_load %parallel_loop3A_528[%parallel_loop3A_529, %parallel_loop3A_530] {strides = array<i32>} : memref<64x128xf32, #tpu.memory_space<vmem>>, vector<16xf32>,
      %parallel_loop3A_532 = arith.constant 0 : i32
      %parallel_loop3A_533 = arith.constant 0 : i32
      %parallel_loop3A_534 = tpu.memref_slice %arg8[%parallel_loop3A_254, %parallel_loop3A_532, %parallel_loop3A_533] : memref<4x64x128xf32, #tpu.memory_space<vmem>> -> memref<1x64x128xf32, #tpu.memory_space<vmem>>
      %parallel_loop3A_535 = tpu.memref_squeeze %parallel_loop3A_534 : memref<1x64x128xf32, #tpu.memory_space<vmem>> -> memref<64x128xf32, #tpu.memory_space<vmem>>
      %parallel_loop3A_536 = arith.index_cast %parallel_loop3A_469 : i32 to index
      %parallel_loop3A_537 = arith.constant 48 : index
      %parallel_loop3A_538 = tpu.vector_load %parallel_loop3A_535[%parallel_loop3A_536, %parallel_loop3A_537] {strides = array<i32>} : memref<64x128xf32, #tpu.memory_space<vmem>>, vector<16xf32>,
      %parallel_loop3A_539 = arith.subf %parallel_loop3A_531, %parallel_loop3A_538 : vector<16xf32>
      %parallel_loop3A_540 = arith.mulf %parallel_loop3A_539, %parallel_loop3A_539 : vector<16xf32>
      %parallel_loop3A_541 = arith.addf %parallel_loop3A_473, %parallel_loop3A_540 : vector<16xf32>
      %parallel_loop3A_542 = arith.constant 0 : i32
      %parallel_loop3A_543 = arith.constant 0 : i32
      %parallel_loop3A_544 = tpu.memref_slice %arg7[%parallel_loop3A_253, %parallel_loop3A_542, %parallel_loop3A_543] : memref<4x64x128xf32, #tpu.memory_space<vmem>> -> memref<1x64x128xf32, #tpu.memory_space<vmem>>
      %parallel_loop3A_545 = tpu.memref_squeeze %parallel_loop3A_544 : memref<1x64x128xf32, #tpu.memory_space<vmem>> -> memref<64x128xf32, #tpu.memory_space<vmem>>
      %parallel_loop3A_546 = arith.index_cast %parallel_loop3A_469 : i32 to index
      %parallel_loop3A_547 = arith.constant 64 : index
      %parallel_loop3A_548 = tpu.vector_load %parallel_loop3A_545[%parallel_loop3A_546, %parallel_loop3A_547] {strides = array<i32>} : memref<64x128xf32, #tpu.memory_space<vmem>>, vector<16xf32>,
      %parallel_loop3A_549 = arith.constant 0 : i32
      %parallel_loop3A_550 = arith.constant 0 : i32
      %parallel_loop3A_551 = tpu.memref_slice %arg8[%parallel_loop3A_254, %parallel_loop3A_549, %parallel_loop3A_550] : memref<4x64x128xf32, #tpu.memory_space<vmem>> -> memref<1x64x128xf32, #tpu.memory_space<vmem>>
      %parallel_loop3A_552 = tpu.memref_squeeze %parallel_loop3A_551 : memref<1x64x128xf32, #tpu.memory_space<vmem>> -> memref<64x128xf32, #tpu.memory_space<vmem>>
      %parallel_loop3A_553 = arith.index_cast %parallel_loop3A_469 : i32 to index
      %parallel_loop3A_554 = arith.constant 64 : index
      %parallel_loop3A_555 = tpu.vector_load %parallel_loop3A_552[%parallel_loop3A_553, %parallel_loop3A_554] {strides = array<i32>} : memref<64x128xf32, #tpu.memory_space<vmem>>, vector<16xf32>,
      %parallel_loop3A_556 = arith.subf %parallel_loop3A_548, %parallel_loop3A_555 : vector<16xf32>
      %parallel_loop3A_557 = arith.mulf %parallel_loop3A_556, %parallel_loop3A_556 : vector<16xf32>
      %parallel_loop3A_558 = arith.addf %parallel_loop3A_490, %parallel_loop3A_557 : vector<16xf32>
      %parallel_loop3A_559 = arith.constant 0 : i32
      %parallel_loop3A_560 = arith.constant 0 : i32
      %parallel_loop3A_561 = tpu.memref_slice %arg7[%parallel_loop3A_253, %parallel_loop3A_559, %parallel_loop3A_560] : memref<4x64x128xf32, #tpu.memory_space<vmem>> -> memref<1x64x128xf32, #tpu.memory_space<vmem>>
      %parallel_loop3A_562 = tpu.memref_squeeze %parallel_loop3A_561 : memref<1x64x128xf32, #tpu.memory_space<vmem>> -> memref<64x128xf32, #tpu.memory_space<vmem>>
      %parallel_loop3A_563 = arith.index_cast %parallel_loop3A_469 : i32 to index
      %parallel_loop3A_564 = arith.constant 80 : index
      %parallel_loop3A_565 = tpu.vector_load %parallel_loop3A_562[%parallel_loop3A_563, %parallel_loop3A_564] {strides = array<i32>} : memref<64x128xf32, #tpu.memory_space<vmem>>, vector<16xf32>,
      %parallel_loop3A_566 = arith.constant 0 : i32
      %parallel_loop3A_567 = arith.constant 0 : i32
      %parallel_loop3A_568 = tpu.memref_slice %arg8[%parallel_loop3A_254, %parallel_loop3A_566, %parallel_loop3A_567] : memref<4x64x128xf32, #tpu.memory_space<vmem>> -> memref<1x64x128xf32, #tpu.memory_space<vmem>>
      %parallel_loop3A_569 = tpu.memref_squeeze %parallel_loop3A_568 : memref<1x64x128xf32, #tpu.memory_space<vmem>> -> memref<64x128xf32, #tpu.memory_space<vmem>>
      %parallel_loop3A_570 = arith.index_cast %parallel_loop3A_469 : i32 to index
      %parallel_loop3A_571 = arith.constant 80 : index
      %parallel_loop3A_572 = tpu.vector_load %parallel_loop3A_569[%parallel_loop3A_570, %parallel_loop3A_571] {strides = array<i32>} : memref<64x128xf32, #tpu.memory_space<vmem>>, vector<16xf32>,
      %parallel_loop3A_573 = arith.subf %parallel_loop3A_565, %parallel_loop3A_572 : vector<16xf32>
      %parallel_loop3A_574 = arith.mulf %parallel_loop3A_573, %parallel_loop3A_573 : vector<16xf32>
      %parallel_loop3A_575 = arith.addf %parallel_loop3A_507, %parallel_loop3A_574 : vector<16xf32>
      %parallel_loop3A_576 = arith.constant 0 : i32
      %parallel_loop3A_577 = arith.constant 0 : i32
      %parallel_loop3A_578 = tpu.memref_slice %arg7[%parallel_loop3A_253, %parallel_loop3A_576, %parallel_loop3A_577] : memref<4x64x128xf32, #tpu.memory_space<vmem>> -> memref<1x64x128xf32, #tpu.memory_space<vmem>>
      %parallel_loop3A_579 = tpu.memref_squeeze %parallel_loop3A_578 : memref<1x64x128xf32, #tpu.memory_space<vmem>> -> memref<64x128xf32, #tpu.memory_space<vmem>>
      %parallel_loop3A_580 = arith.index_cast %parallel_loop3A_469 : i32 to index
      %parallel_loop3A_581 = arith.constant 96 : index
      %parallel_loop3A_582 = tpu.vector_load %parallel_loop3A_579[%parallel_loop3A_580, %parallel_loop3A_581] {strides = array<i32>} : memref<64x128xf32, #tpu.memory_space<vmem>>, vector<16xf32>,
      %parallel_loop3A_583 = arith.constant 0 : i32
      %parallel_loop3A_584 = arith.constant 0 : i32
      %parallel_loop3A_585 = tpu.memref_slice %arg8[%parallel_loop3A_254, %parallel_loop3A_583, %parallel_loop3A_584] : memref<4x64x128xf32, #tpu.memory_space<vmem>> -> memref<1x64x128xf32, #tpu.memory_space<vmem>>
      %parallel_loop3A_586 = tpu.memref_squeeze %parallel_loop3A_585 : memref<1x64x128xf32, #tpu.memory_space<vmem>> -> memref<64x128xf32, #tpu.memory_space<vmem>>
      %parallel_loop3A_587 = arith.index_cast %parallel_loop3A_469 : i32 to index
      %parallel_loop3A_588 = arith.constant 96 : index
      %parallel_loop3A_589 = tpu.vector_load %parallel_loop3A_586[%parallel_loop3A_587, %parallel_loop3A_588] {strides = array<i32>} : memref<64x128xf32, #tpu.memory_space<vmem>>, vector<16xf32>,
      %parallel_loop3A_590 = arith.subf %parallel_loop3A_582, %parallel_loop3A_589 : vector<16xf32>
      %parallel_loop3A_591 = arith.mulf %parallel_loop3A_590, %parallel_loop3A_590 : vector<16xf32>
      %parallel_loop3A_592 = arith.addf %parallel_loop3A_524, %parallel_loop3A_591 : vector<16xf32>
      %parallel_loop3A_593 = arith.constant 0 : i32
      %parallel_loop3A_594 = arith.constant 0 : i32
      %parallel_loop3A_595 = tpu.memref_slice %arg7[%parallel_loop3A_253, %parallel_loop3A_593, %parallel_loop3A_594] : memref<4x64x128xf32, #tpu.memory_space<vmem>> -> memref<1x64x128xf32, #tpu.memory_space<vmem>>
      %parallel_loop3A_596 = tpu.memref_squeeze %parallel_loop3A_595 : memref<1x64x128xf32, #tpu.memory_space<vmem>> -> memref<64x128xf32, #tpu.memory_space<vmem>>
      %parallel_loop3A_597 = arith.index_cast %parallel_loop3A_469 : i32 to index
      %parallel_loop3A_598 = arith.constant 112 : index
      %parallel_loop3A_599 = tpu.vector_load %parallel_loop3A_596[%parallel_loop3A_597, %parallel_loop3A_598] {strides = array<i32>} : memref<64x128xf32, #tpu.memory_space<vmem>>, vector<16xf32>,
      %parallel_loop3A_600 = arith.constant 0 : i32
      %parallel_loop3A_601 = arith.constant 0 : i32
      %parallel_loop3A_602 = tpu.memref_slice %arg8[%parallel_loop3A_254, %parallel_loop3A_600, %parallel_loop3A_601] : memref<4x64x128xf32, #tpu.memory_space<vmem>> -> memref<1x64x128xf32, #tpu.memory_space<vmem>>
      %parallel_loop3A_603 = tpu.memref_squeeze %parallel_loop3A_602 : memref<1x64x128xf32, #tpu.memory_space<vmem>> -> memref<64x128xf32, #tpu.memory_space<vmem>>
      %parallel_loop3A_604 = arith.index_cast %parallel_loop3A_469 : i32 to index
      %parallel_loop3A_605 = arith.constant 112 : index
      %parallel_loop3A_606 = tpu.vector_load %parallel_loop3A_603[%parallel_loop3A_604, %parallel_loop3A_605] {strides = array<i32>} : memref<64x128xf32, #tpu.memory_space<vmem>>, vector<16xf32>,
      %parallel_loop3A_607 = arith.subf %parallel_loop3A_599, %parallel_loop3A_606 : vector<16xf32>
      %parallel_loop3A_608 = arith.mulf %parallel_loop3A_607, %parallel_loop3A_607 : vector<16xf32>
      %parallel_loop3A_609 = arith.addf %parallel_loop3A_541, %parallel_loop3A_608 : vector<16xf32>
      scf.yield %parallel_loop3A_558, %parallel_loop3A_575, %parallel_loop3A_592, %parallel_loop3A_609 : vector<16xf32>, vector<16xf32>, vector<16xf32>, vector<16xf32>
    } {sc.loop_unroll_factor = 2 : i64, sc.parallel_access}
    %add3A_256 = arith.constant 384 : i32
    %add3A_257 = arith.addi %mul3A_2, %add3A_256 : i32
    %dma_start3A_258 = arith.constant 2 : i32
    %dma_start3A_259 = arith.constant 0 : i32
    %dma_start3A_260 = arith.constant 0 : i32
    %dma_start3A_261 = tpu.memref_slice %arg7[%dma_start3A_258, %dma_start3A_259, %dma_start3A_260] : memref<4x64x128xf32, #tpu.memory_space<vmem>> -> memref<1x64x128xf32, #tpu.memory_space<vmem>>
    %dma_start3A_262 = tpu.memref_squeeze %dma_start3A_261 : memref<1x64x128xf32, #tpu.memory_space<vmem>> -> memref<64x128xf32, #tpu.memory_space<vmem>>
    %dma_start3A_263 = arith.constant 0 : i32
    %dma_start3A_264 = tpu.memref_slice %arg2[%add3A_257, %dma_start3A_263] : memref<16384x128xf32, #tpu.memory_space<hbm>> -> memref<64x128xf32, #tpu.memory_space<hbm>>
    %dma_start3A_265 = arith.constant 0 : i32
    %dma_start3A_266 = arith.constant 0 : i32
    %dma_start3A_267 = tpu.memref_slice %arg7[%dma_start3A_258, %dma_start3A_265, %dma_start3A_266] : memref<4x64x128xf32, #tpu.memory_space<vmem>> -> memref<1x64x128xf32, #tpu.memory_space<vmem>>
    %dma_start3A_268 = tpu.memref_squeeze %dma_start3A_267 : memref<1x64x128xf32, #tpu.memory_space<vmem>> -> memref<64x128xf32, #tpu.memory_space<vmem>>
    %dma_start3A_269 = arith.constant 0 : i32
    %dma_start3A_270 = tpu.memref_slice %arg2[%add3A_257, %dma_start3A_269] : memref<16384x128xf32, #tpu.memory_space<hbm>> -> memref<64x128xf32, #tpu.memory_space<hbm>>
    tpu.enqueue_dma source(%dma_start3A_270 : memref<64x128xf32, #tpu.memory_space<hbm>>) target(%dma_start3A_268 : memref<64x128xf32, #tpu.memory_space<vmem>>) target_semaphore(%arg12 : memref<!tpu.dma_semaphore, #tpu.memory_space<semaphore_mem>>)
    %dma_start3A_271 = arith.constant 6 : i32
    %dma_start3A_272 = arith.constant 2 : i32
    %dma_start3A_273 = arith.constant 0 : i32
    %dma_start3A_274 = arith.constant 0 : i32
    %dma_start3A_275 = tpu.memref_slice %arg8[%dma_start3A_272, %dma_start3A_273, %dma_start3A_274] : memref<4x64x128xf32, #tpu.memory_space<vmem>> -> memref<1x64x128xf32, #tpu.memory_space<vmem>>
    %dma_start3A_276 = tpu.memref_squeeze %dma_start3A_275 : memref<1x64x128xf32, #tpu.memory_space<vmem>> -> memref<64x128xf32, #tpu.memory_space<vmem>>
    %dma_start3A_277 = arith.constant 0 : i32
    %dma_start3A_278 = tpu.memref_slice %arg6[%dma_start3A_271, %dma_start3A_277] : memref<8x64xi32, #tpu.memory_space<vmem>> -> memref<1x64xi32, #tpu.memory_space<vmem>>
    %dma_start3A_279 = tpu.memref_squeeze %dma_start3A_278 : memref<1x64xi32, #tpu.memory_space<vmem>> -> memref<64xi32, #tpu.memory_space<vmem>>
    %dma_start3A_280 = arith.constant 0 : i32
    %dma_start3A_281 = arith.constant 0 : i32
    %dma_start3A_282 = tpu.memref_slice %arg4[%dma_start3A_280, %dma_start3A_281] : memref<100000x128xf32, #tpu.memory_space<hbm>> -> memref<100000x128xf32, #tpu.memory_space<hbm>>
    tpu.enqueue_indirect_dma source(%dma_start3A_282 : memref<100000x128xf32, #tpu.memory_space<hbm>>) target(%dma_start3A_276 : memref<64x128xf32, #tpu.memory_space<vmem>>) offsets(%dma_start3A_279 : memref<64xi32, #tpu.memory_space<vmem>>) semaphore(%arg16 : memref<!tpu.dma_semaphore, #tpu.memory_space<semaphore_mem>>)
    %dma_wait3A_283 = arith.constant 3 : i32
    %dma_wait3A_284 = arith.constant 0 : i32
    %dma_wait3A_285 = arith.constant 0 : i32
    %dma_wait3A_286 = tpu.memref_slice %arg7[%dma_wait3A_283, %dma_wait3A_284, %dma_wait3A_285] : memref<4x64x128xf32, #tpu.memory_space<vmem>> -> memref<1x64x128xf32, #tpu.memory_space<vmem>>
    %dma_wait3A_287 = tpu.memref_squeeze %dma_wait3A_286 : memref<1x64x128xf32, #tpu.memory_space<vmem>> -> memref<64x128xf32, #tpu.memory_space<vmem>>
    %dma_wait3A_288 = arith.constant 0 : i32
    %dma_wait3A_289 = tpu.memref_slice %arg2[%add3A_48, %dma_wait3A_288] : memref<16384x128xf32, #tpu.memory_space<hbm>> -> memref<64x128xf32, #tpu.memory_space<hbm>>
    %dma_wait3A_290 = arith.constant 0 : i32
    %dma_wait3A_291 = arith.constant 0 : i32
    %dma_wait3A_292 = tpu.memref_slice %arg7[%dma_wait3A_283, %dma_wait3A_290, %dma_wait3A_291] : memref<4x64x128xf32, #tpu.memory_space<vmem>> -> memref<1x64x128xf32, #tpu.memory_space<vmem>>
    %dma_wait3A_293 = tpu.memref_squeeze %dma_wait3A_292 : memref<1x64x128xf32, #tpu.memory_space<vmem>> -> memref<64x128xf32, #tpu.memory_space<vmem>>
    %dma_wait3A_294 = arith.constant 0 : i32
    %dma_wait3A_295 = tpu.memref_slice %arg2[%add3A_48, %dma_wait3A_294] : memref<16384x128xf32, #tpu.memory_space<hbm>> -> memref<64x128xf32, #tpu.memory_space<hbm>>
    tpu.wait_dma2 semaphore(%arg13 : memref<!tpu.dma_semaphore, #tpu.memory_space<semaphore_mem>>) src(%dma_wait3A_295 : memref<64x128xf32, #tpu.memory_space<hbm>>) dst(%dma_wait3A_293 : memref<64x128xf32, #tpu.memory_space<vmem>>)
    %dma_wait3A_296 = arith.constant 3 : i32
    %dma_wait3A_297 = arith.constant 3 : i32
    %dma_wait3A_298 = arith.constant 0 : i32
    %dma_wait3A_299 = arith.constant 0 : i32
    %dma_wait3A_300 = tpu.memref_slice %arg8[%dma_wait3A_297, %dma_wait3A_298, %dma_wait3A_299] : memref<4x64x128xf32, #tpu.memory_space<vmem>> -> memref<1x64x128xf32, #tpu.memory_space<vmem>>
    %dma_wait3A_301 = tpu.memref_squeeze %dma_wait3A_300 : memref<1x64x128xf32, #tpu.memory_space<vmem>> -> memref<64x128xf32, #tpu.memory_space<vmem>>
    %dma_wait3A_302 = arith.constant 0 : i32
    %dma_wait3A_303 = tpu.memref_slice %arg6[%dma_wait3A_296, %dma_wait3A_302] : memref<8x64xi32, #tpu.memory_space<vmem>> -> memref<1x64xi32, #tpu.memory_space<vmem>>
    %dma_wait3A_304 = tpu.memref_squeeze %dma_wait3A_303 : memref<1x64xi32, #tpu.memory_space<vmem>> -> memref<64xi32, #tpu.memory_space<vmem>>
    %dma_wait3A_305 = arith.constant 0 : i32
    %dma_wait3A_306 = arith.constant 0 : i32
    %dma_wait3A_307 = tpu.memref_slice %arg4[%dma_wait3A_305, %dma_wait3A_306] : memref<100000x128xf32, #tpu.memory_space<hbm>> -> memref<100000x128xf32, #tpu.memory_space<hbm>>
    tpu.wait_indirect_dma semaphore(%arg17 : memref<!tpu.dma_semaphore, #tpu.memory_space<semaphore_mem>>) src(%dma_wait3A_307 : memref<100000x128xf32, #tpu.memory_space<hbm>>) dst(%dma_wait3A_301 : memref<64x128xf32, #tpu.memory_space<vmem>>)
    %parallel_loop3A_308 = arith.constant 0 : i32
    %parallel_loop3A_309 = arith.constant 64 : i32
    %parallel_loop3A_310 = arith.constant 1 : i32
    %parallel_loop3A_311 = arith.constant 3 : i32
    %parallel_loop3A_312 = arith.constant 3 : i32
    %parallel_loop3A_313:4 = scf.for %parallel_loop3A_469 = %parallel_loop3A_308 to %parallel_loop3A_309 step %parallel_loop3A_310 iter_args(%parallel_loop3A_470 = %parallel_loop3A_255#0, %parallel_loop3A_471 = %parallel_loop3A_255#1, %parallel_loop3A_472 = %parallel_loop3A_255#2, %parallel_loop3A_473 = %parallel_loop3A_255#3) -> (vector<16xf32>, vector<16xf32>, vector<16xf32>, vector<16xf32>)  : i32 {
      %parallel_loop3A_474 = arith.constant 0 : i32
      %parallel_loop3A_475 = arith.constant 0 : i32
      %parallel_loop3A_476 = tpu.memref_slice %arg7[%parallel_loop3A_311, %parallel_loop3A_474, %parallel_loop3A_475] : memref<4x64x128xf32, #tpu.memory_space<vmem>> -> memref<1x64x128xf32, #tpu.memory_space<vmem>>
      %parallel_loop3A_477 = tpu.memref_squeeze %parallel_loop3A_476 : memref<1x64x128xf32, #tpu.memory_space<vmem>> -> memref<64x128xf32, #tpu.memory_space<vmem>>
      %parallel_loop3A_478 = arith.index_cast %parallel_loop3A_469 : i32 to index
      %parallel_loop3A_479 = arith.constant 0 : index
      %parallel_loop3A_480 = tpu.vector_load %parallel_loop3A_477[%parallel_loop3A_478, %parallel_loop3A_479] {strides = array<i32>} : memref<64x128xf32, #tpu.memory_space<vmem>>, vector<16xf32>,
      %parallel_loop3A_481 = arith.constant 0 : i32
      %parallel_loop3A_482 = arith.constant 0 : i32
      %parallel_loop3A_483 = tpu.memref_slice %arg8[%parallel_loop3A_312, %parallel_loop3A_481, %parallel_loop3A_482] : memref<4x64x128xf32, #tpu.memory_space<vmem>> -> memref<1x64x128xf32, #tpu.memory_space<vmem>>
      %parallel_loop3A_484 = tpu.memref_squeeze %parallel_loop3A_483 : memref<1x64x128xf32, #tpu.memory_space<vmem>> -> memref<64x128xf32, #tpu.memory_space<vmem>>
      %parallel_loop3A_485 = arith.index_cast %parallel_loop3A_469 : i32 to index
      %parallel_loop3A_486 = arith.constant 0 : index
      %parallel_loop3A_487 = tpu.vector_load %parallel_loop3A_484[%parallel_loop3A_485, %parallel_loop3A_486] {strides = array<i32>} : memref<64x128xf32, #tpu.memory_space<vmem>>, vector<16xf32>,
      %parallel_loop3A_488 = arith.subf %parallel_loop3A_480, %parallel_loop3A_487 : vector<16xf32>
      %parallel_loop3A_489 = arith.mulf %parallel_loop3A_488, %parallel_loop3A_488 : vector<16xf32>
      %parallel_loop3A_490 = arith.addf %parallel_loop3A_470, %parallel_loop3A_489 : vector<16xf32>
      %parallel_loop3A_491 = arith.constant 0 : i32
      %parallel_loop3A_492 = arith.constant 0 : i32
      %parallel_loop3A_493 = tpu.memref_slice %arg7[%parallel_loop3A_311, %parallel_loop3A_491, %parallel_loop3A_492] : memref<4x64x128xf32, #tpu.memory_space<vmem>> -> memref<1x64x128xf32, #tpu.memory_space<vmem>>
      %parallel_loop3A_494 = tpu.memref_squeeze %parallel_loop3A_493 : memref<1x64x128xf32, #tpu.memory_space<vmem>> -> memref<64x128xf32, #tpu.memory_space<vmem>>
      %parallel_loop3A_495 = arith.index_cast %parallel_loop3A_469 : i32 to index
      %parallel_loop3A_496 = arith.constant 16 : index
      %parallel_loop3A_497 = tpu.vector_load %parallel_loop3A_494[%parallel_loop3A_495, %parallel_loop3A_496] {strides = array<i32>} : memref<64x128xf32, #tpu.memory_space<vmem>>, vector<16xf32>,
      %parallel_loop3A_498 = arith.constant 0 : i32
      %parallel_loop3A_499 = arith.constant 0 : i32
      %parallel_loop3A_500 = tpu.memref_slice %arg8[%parallel_loop3A_312, %parallel_loop3A_498, %parallel_loop3A_499] : memref<4x64x128xf32, #tpu.memory_space<vmem>> -> memref<1x64x128xf32, #tpu.memory_space<vmem>>
      %parallel_loop3A_501 = tpu.memref_squeeze %parallel_loop3A_500 : memref<1x64x128xf32, #tpu.memory_space<vmem>> -> memref<64x128xf32, #tpu.memory_space<vmem>>
      %parallel_loop3A_502 = arith.index_cast %parallel_loop3A_469 : i32 to index
      %parallel_loop3A_503 = arith.constant 16 : index
      %parallel_loop3A_504 = tpu.vector_load %parallel_loop3A_501[%parallel_loop3A_502, %parallel_loop3A_503] {strides = array<i32>} : memref<64x128xf32, #tpu.memory_space<vmem>>, vector<16xf32>,
      %parallel_loop3A_505 = arith.subf %parallel_loop3A_497, %parallel_loop3A_504 : vector<16xf32>
      %parallel_loop3A_506 = arith.mulf %parallel_loop3A_505, %parallel_loop3A_505 : vector<16xf32>
      %parallel_loop3A_507 = arith.addf %parallel_loop3A_471, %parallel_loop3A_506 : vector<16xf32>
      %parallel_loop3A_508 = arith.constant 0 : i32
      %parallel_loop3A_509 = arith.constant 0 : i32
      %parallel_loop3A_510 = tpu.memref_slice %arg7[%parallel_loop3A_311, %parallel_loop3A_508, %parallel_loop3A_509] : memref<4x64x128xf32, #tpu.memory_space<vmem>> -> memref<1x64x128xf32, #tpu.memory_space<vmem>>
      %parallel_loop3A_511 = tpu.memref_squeeze %parallel_loop3A_510 : memref<1x64x128xf32, #tpu.memory_space<vmem>> -> memref<64x128xf32, #tpu.memory_space<vmem>>
      %parallel_loop3A_512 = arith.index_cast %parallel_loop3A_469 : i32 to index
      %parallel_loop3A_513 = arith.constant 32 : index
      %parallel_loop3A_514 = tpu.vector_load %parallel_loop3A_511[%parallel_loop3A_512, %parallel_loop3A_513] {strides = array<i32>} : memref<64x128xf32, #tpu.memory_space<vmem>>, vector<16xf32>,
      %parallel_loop3A_515 = arith.constant 0 : i32
      %parallel_loop3A_516 = arith.constant 0 : i32
      %parallel_loop3A_517 = tpu.memref_slice %arg8[%parallel_loop3A_312, %parallel_loop3A_515, %parallel_loop3A_516] : memref<4x64x128xf32, #tpu.memory_space<vmem>> -> memref<1x64x128xf32, #tpu.memory_space<vmem>>
      %parallel_loop3A_518 = tpu.memref_squeeze %parallel_loop3A_517 : memref<1x64x128xf32, #tpu.memory_space<vmem>> -> memref<64x128xf32, #tpu.memory_space<vmem>>
      %parallel_loop3A_519 = arith.index_cast %parallel_loop3A_469 : i32 to index
      %parallel_loop3A_520 = arith.constant 32 : index
      %parallel_loop3A_521 = tpu.vector_load %parallel_loop3A_518[%parallel_loop3A_519, %parallel_loop3A_520] {strides = array<i32>} : memref<64x128xf32, #tpu.memory_space<vmem>>, vector<16xf32>,
      %parallel_loop3A_522 = arith.subf %parallel_loop3A_514, %parallel_loop3A_521 : vector<16xf32>
      %parallel_loop3A_523 = arith.mulf %parallel_loop3A_522, %parallel_loop3A_522 : vector<16xf32>
      %parallel_loop3A_524 = arith.addf %parallel_loop3A_472, %parallel_loop3A_523 : vector<16xf32>
      %parallel_loop3A_525 = arith.constant 0 : i32
      %parallel_loop3A_526 = arith.constant 0 : i32
      %parallel_loop3A_527 = tpu.memref_slice %arg7[%parallel_loop3A_311, %parallel_loop3A_525, %parallel_loop3A_526] : memref<4x64x128xf32, #tpu.memory_space<vmem>> -> memref<1x64x128xf32, #tpu.memory_space<vmem>>
      %parallel_loop3A_528 = tpu.memref_squeeze %parallel_loop3A_527 : memref<1x64x128xf32, #tpu.memory_space<vmem>> -> memref<64x128xf32, #tpu.memory_space<vmem>>
      %parallel_loop3A_529 = arith.index_cast %parallel_loop3A_469 : i32 to index
      %parallel_loop3A_530 = arith.constant 48 : index
      %parallel_loop3A_531 = tpu.vector_load %parallel_loop3A_528[%parallel_loop3A_529, %parallel_loop3A_530] {strides = array<i32>} : memref<64x128xf32, #tpu.memory_space<vmem>>, vector<16xf32>,
      %parallel_loop3A_532 = arith.constant 0 : i32
      %parallel_loop3A_533 = arith.constant 0 : i32
      %parallel_loop3A_534 = tpu.memref_slice %arg8[%parallel_loop3A_312, %parallel_loop3A_532, %parallel_loop3A_533] : memref<4x64x128xf32, #tpu.memory_space<vmem>> -> memref<1x64x128xf32, #tpu.memory_space<vmem>>
      %parallel_loop3A_535 = tpu.memref_squeeze %parallel_loop3A_534 : memref<1x64x128xf32, #tpu.memory_space<vmem>> -> memref<64x128xf32, #tpu.memory_space<vmem>>
      %parallel_loop3A_536 = arith.index_cast %parallel_loop3A_469 : i32 to index
      %parallel_loop3A_537 = arith.constant 48 : index
      %parallel_loop3A_538 = tpu.vector_load %parallel_loop3A_535[%parallel_loop3A_536, %parallel_loop3A_537] {strides = array<i32>} : memref<64x128xf32, #tpu.memory_space<vmem>>, vector<16xf32>,
      %parallel_loop3A_539 = arith.subf %parallel_loop3A_531, %parallel_loop3A_538 : vector<16xf32>
      %parallel_loop3A_540 = arith.mulf %parallel_loop3A_539, %parallel_loop3A_539 : vector<16xf32>
      %parallel_loop3A_541 = arith.addf %parallel_loop3A_473, %parallel_loop3A_540 : vector<16xf32>
      %parallel_loop3A_542 = arith.constant 0 : i32
      %parallel_loop3A_543 = arith.constant 0 : i32
      %parallel_loop3A_544 = tpu.memref_slice %arg7[%parallel_loop3A_311, %parallel_loop3A_542, %parallel_loop3A_543] : memref<4x64x128xf32, #tpu.memory_space<vmem>> -> memref<1x64x128xf32, #tpu.memory_space<vmem>>
      %parallel_loop3A_545 = tpu.memref_squeeze %parallel_loop3A_544 : memref<1x64x128xf32, #tpu.memory_space<vmem>> -> memref<64x128xf32, #tpu.memory_space<vmem>>
      %parallel_loop3A_546 = arith.index_cast %parallel_loop3A_469 : i32 to index
      %parallel_loop3A_547 = arith.constant 64 : index
      %parallel_loop3A_548 = tpu.vector_load %parallel_loop3A_545[%parallel_loop3A_546, %parallel_loop3A_547] {strides = array<i32>} : memref<64x128xf32, #tpu.memory_space<vmem>>, vector<16xf32>,
      %parallel_loop3A_549 = arith.constant 0 : i32
      %parallel_loop3A_550 = arith.constant 0 : i32
      %parallel_loop3A_551 = tpu.memref_slice %arg8[%parallel_loop3A_312, %parallel_loop3A_549, %parallel_loop3A_550] : memref<4x64x128xf32, #tpu.memory_space<vmem>> -> memref<1x64x128xf32, #tpu.memory_space<vmem>>
      %parallel_loop3A_552 = tpu.memref_squeeze %parallel_loop3A_551 : memref<1x64x128xf32, #tpu.memory_space<vmem>> -> memref<64x128xf32, #tpu.memory_space<vmem>>
      %parallel_loop3A_553 = arith.index_cast %parallel_loop3A_469 : i32 to index
      %parallel_loop3A_554 = arith.constant 64 : index
      %parallel_loop3A_555 = tpu.vector_load %parallel_loop3A_552[%parallel_loop3A_553, %parallel_loop3A_554] {strides = array<i32>} : memref<64x128xf32, #tpu.memory_space<vmem>>, vector<16xf32>,
      %parallel_loop3A_556 = arith.subf %parallel_loop3A_548, %parallel_loop3A_555 : vector<16xf32>
      %parallel_loop3A_557 = arith.mulf %parallel_loop3A_556, %parallel_loop3A_556 : vector<16xf32>
      %parallel_loop3A_558 = arith.addf %parallel_loop3A_490, %parallel_loop3A_557 : vector<16xf32>
      %parallel_loop3A_559 = arith.constant 0 : i32
      %parallel_loop3A_560 = arith.constant 0 : i32
      %parallel_loop3A_561 = tpu.memref_slice %arg7[%parallel_loop3A_311, %parallel_loop3A_559, %parallel_loop3A_560] : memref<4x64x128xf32, #tpu.memory_space<vmem>> -> memref<1x64x128xf32, #tpu.memory_space<vmem>>
      %parallel_loop3A_562 = tpu.memref_squeeze %parallel_loop3A_561 : memref<1x64x128xf32, #tpu.memory_space<vmem>> -> memref<64x128xf32, #tpu.memory_space<vmem>>
      %parallel_loop3A_563 = arith.index_cast %parallel_loop3A_469 : i32 to index
      %parallel_loop3A_564 = arith.constant 80 : index
      %parallel_loop3A_565 = tpu.vector_load %parallel_loop3A_562[%parallel_loop3A_563, %parallel_loop3A_564] {strides = array<i32>} : memref<64x128xf32, #tpu.memory_space<vmem>>, vector<16xf32>,
      %parallel_loop3A_566 = arith.constant 0 : i32
      %parallel_loop3A_567 = arith.constant 0 : i32
      %parallel_loop3A_568 = tpu.memref_slice %arg8[%parallel_loop3A_312, %parallel_loop3A_566, %parallel_loop3A_567] : memref<4x64x128xf32, #tpu.memory_space<vmem>> -> memref<1x64x128xf32, #tpu.memory_space<vmem>>
      %parallel_loop3A_569 = tpu.memref_squeeze %parallel_loop3A_568 : memref<1x64x128xf32, #tpu.memory_space<vmem>> -> memref<64x128xf32, #tpu.memory_space<vmem>>
      %parallel_loop3A_570 = arith.index_cast %parallel_loop3A_469 : i32 to index
      %parallel_loop3A_571 = arith.constant 80 : index
      %parallel_loop3A_572 = tpu.vector_load %parallel_loop3A_569[%parallel_loop3A_570, %parallel_loop3A_571] {strides = array<i32>} : memref<64x128xf32, #tpu.memory_space<vmem>>, vector<16xf32>,
      %parallel_loop3A_573 = arith.subf %parallel_loop3A_565, %parallel_loop3A_572 : vector<16xf32>
      %parallel_loop3A_574 = arith.mulf %parallel_loop3A_573, %parallel_loop3A_573 : vector<16xf32>
      %parallel_loop3A_575 = arith.addf %parallel_loop3A_507, %parallel_loop3A_574 : vector<16xf32>
      %parallel_loop3A_576 = arith.constant 0 : i32
      %parallel_loop3A_577 = arith.constant 0 : i32
      %parallel_loop3A_578 = tpu.memref_slice %arg7[%parallel_loop3A_311, %parallel_loop3A_576, %parallel_loop3A_577] : memref<4x64x128xf32, #tpu.memory_space<vmem>> -> memref<1x64x128xf32, #tpu.memory_space<vmem>>
      %parallel_loop3A_579 = tpu.memref_squeeze %parallel_loop3A_578 : memref<1x64x128xf32, #tpu.memory_space<vmem>> -> memref<64x128xf32, #tpu.memory_space<vmem>>
      %parallel_loop3A_580 = arith.index_cast %parallel_loop3A_469 : i32 to index
      %parallel_loop3A_581 = arith.constant 96 : index
      %parallel_loop3A_582 = tpu.vector_load %parallel_loop3A_579[%parallel_loop3A_580, %parallel_loop3A_581] {strides = array<i32>} : memref<64x128xf32, #tpu.memory_space<vmem>>, vector<16xf32>,
      %parallel_loop3A_583 = arith.constant 0 : i32
      %parallel_loop3A_584 = arith.constant 0 : i32
      %parallel_loop3A_585 = tpu.memref_slice %arg8[%parallel_loop3A_312, %parallel_loop3A_583, %parallel_loop3A_584] : memref<4x64x128xf32, #tpu.memory_space<vmem>> -> memref<1x64x128xf32, #tpu.memory_space<vmem>>
      %parallel_loop3A_586 = tpu.memref_squeeze %parallel_loop3A_585 : memref<1x64x128xf32, #tpu.memory_space<vmem>> -> memref<64x128xf32, #tpu.memory_space<vmem>>
      %parallel_loop3A_587 = arith.index_cast %parallel_loop3A_469 : i32 to index
      %parallel_loop3A_588 = arith.constant 96 : index
      %parallel_loop3A_589 = tpu.vector_load %parallel_loop3A_586[%parallel_loop3A_587, %parallel_loop3A_588] {strides = array<i32>} : memref<64x128xf32, #tpu.memory_space<vmem>>, vector<16xf32>,
      %parallel_loop3A_590 = arith.subf %parallel_loop3A_582, %parallel_loop3A_589 : vector<16xf32>
      %parallel_loop3A_591 = arith.mulf %parallel_loop3A_590, %parallel_loop3A_590 : vector<16xf32>
      %parallel_loop3A_592 = arith.addf %parallel_loop3A_524, %parallel_loop3A_591 : vector<16xf32>
      %parallel_loop3A_593 = arith.constant 0 : i32
      %parallel_loop3A_594 = arith.constant 0 : i32
      %parallel_loop3A_595 = tpu.memref_slice %arg7[%parallel_loop3A_311, %parallel_loop3A_593, %parallel_loop3A_594] : memref<4x64x128xf32, #tpu.memory_space<vmem>> -> memref<1x64x128xf32, #tpu.memory_space<vmem>>
      %parallel_loop3A_596 = tpu.memref_squeeze %parallel_loop3A_595 : memref<1x64x128xf32, #tpu.memory_space<vmem>> -> memref<64x128xf32, #tpu.memory_space<vmem>>
      %parallel_loop3A_597 = arith.index_cast %parallel_loop3A_469 : i32 to index
      %parallel_loop3A_598 = arith.constant 112 : index
      %parallel_loop3A_599 = tpu.vector_load %parallel_loop3A_596[%parallel_loop3A_597, %parallel_loop3A_598] {strides = array<i32>} : memref<64x128xf32, #tpu.memory_space<vmem>>, vector<16xf32>,
      %parallel_loop3A_600 = arith.constant 0 : i32
      %parallel_loop3A_601 = arith.constant 0 : i32
      %parallel_loop3A_602 = tpu.memref_slice %arg8[%parallel_loop3A_312, %parallel_loop3A_600, %parallel_loop3A_601] : memref<4x64x128xf32, #tpu.memory_space<vmem>> -> memref<1x64x128xf32, #tpu.memory_space<vmem>>
      %parallel_loop3A_603 = tpu.memref_squeeze %parallel_loop3A_602 : memref<1x64x128xf32, #tpu.memory_space<vmem>> -> memref<64x128xf32, #tpu.memory_space<vmem>>
      %parallel_loop3A_604 = arith.index_cast %parallel_loop3A_469 : i32 to index
      %parallel_loop3A_605 = arith.constant 112 : index
      %parallel_loop3A_606 = tpu.vector_load %parallel_loop3A_603[%parallel_loop3A_604, %parallel_loop3A_605] {strides = array<i32>} : memref<64x128xf32, #tpu.memory_space<vmem>>, vector<16xf32>,
      %parallel_loop3A_607 = arith.subf %parallel_loop3A_599, %parallel_loop3A_606 : vector<16xf32>
      %parallel_loop3A_608 = arith.mulf %parallel_loop3A_607, %parallel_loop3A_607 : vector<16xf32>
      %parallel_loop3A_609 = arith.addf %parallel_loop3A_541, %parallel_loop3A_608 : vector<16xf32>
      scf.yield %parallel_loop3A_558, %parallel_loop3A_575, %parallel_loop3A_592, %parallel_loop3A_609 : vector<16xf32>, vector<16xf32>, vector<16xf32>, vector<16xf32>
    } {sc.loop_unroll_factor = 2 : i64, sc.parallel_access}
    %add3A_314 = arith.constant 448 : i32
    %add3A_315 = arith.addi %mul3A_2, %add3A_314 : i32
    %dma_start3A_316 = arith.constant 3 : i32
    %dma_start3A_317 = arith.constant 0 : i32
    %dma_start3A_318 = arith.constant 0 : i32
    %dma_start3A_319 = tpu.memref_slice %arg7[%dma_start3A_316, %dma_start3A_317, %dma_start3A_318] : memref<4x64x128xf32, #tpu.memory_space<vmem>> -> memref<1x64x128xf32, #tpu.memory_space<vmem>>
    %dma_start3A_320 = tpu.memref_squeeze %dma_start3A_319 : memref<1x64x128xf32, #tpu.memory_space<vmem>> -> memref<64x128xf32, #tpu.memory_space<vmem>>
    %dma_start3A_321 = arith.constant 0 : i32
    %dma_start3A_322 = tpu.memref_slice %arg2[%add3A_315, %dma_start3A_321] : memref<16384x128xf32, #tpu.memory_space<hbm>> -> memref<64x128xf32, #tpu.memory_space<hbm>>
    %dma_start3A_323 = arith.constant 0 : i32
    %dma_start3A_324 = arith.constant 0 : i32
    %dma_start3A_325 = tpu.memref_slice %arg7[%dma_start3A_316, %dma_start3A_323, %dma_start3A_324] : memref<4x64x128xf32, #tpu.memory_space<vmem>> -> memref<1x64x128xf32, #tpu.memory_space<vmem>>
    %dma_start3A_326 = tpu.memref_squeeze %dma_start3A_325 : memref<1x64x128xf32, #tpu.memory_space<vmem>> -> memref<64x128xf32, #tpu.memory_space<vmem>>
    %dma_start3A_327 = arith.constant 0 : i32
    %dma_start3A_328 = tpu.memref_slice %arg2[%add3A_315, %dma_start3A_327] : memref<16384x128xf32, #tpu.memory_space<hbm>> -> memref<64x128xf32, #tpu.memory_space<hbm>>
    tpu.enqueue_dma source(%dma_start3A_328 : memref<64x128xf32, #tpu.memory_space<hbm>>) target(%dma_start3A_326 : memref<64x128xf32, #tpu.memory_space<vmem>>) target_semaphore(%arg13 : memref<!tpu.dma_semaphore, #tpu.memory_space<semaphore_mem>>)
    %dma_start3A_329 = arith.constant 7 : i32
    %dma_start3A_330 = arith.constant 3 : i32
    %dma_start3A_331 = arith.constant 0 : i32
    %dma_start3A_332 = arith.constant 0 : i32
    %dma_start3A_333 = tpu.memref_slice %arg8[%dma_start3A_330, %dma_start3A_331, %dma_start3A_332] : memref<4x64x128xf32, #tpu.memory_space<vmem>> -> memref<1x64x128xf32, #tpu.memory_space<vmem>>
    %dma_start3A_334 = tpu.memref_squeeze %dma_start3A_333 : memref<1x64x128xf32, #tpu.memory_space<vmem>> -> memref<64x128xf32, #tpu.memory_space<vmem>>
    %dma_start3A_335 = arith.constant 0 : i32
    %dma_start3A_336 = tpu.memref_slice %arg6[%dma_start3A_329, %dma_start3A_335] : memref<8x64xi32, #tpu.memory_space<vmem>> -> memref<1x64xi32, #tpu.memory_space<vmem>>
    %dma_start3A_337 = tpu.memref_squeeze %dma_start3A_336 : memref<1x64xi32, #tpu.memory_space<vmem>> -> memref<64xi32, #tpu.memory_space<vmem>>
    %dma_start3A_338 = arith.constant 0 : i32
    %dma_start3A_339 = arith.constant 0 : i32
    %dma_start3A_340 = tpu.memref_slice %arg4[%dma_start3A_338, %dma_start3A_339] : memref<100000x128xf32, #tpu.memory_space<hbm>> -> memref<100000x128xf32, #tpu.memory_space<hbm>>
    tpu.enqueue_indirect_dma source(%dma_start3A_340 : memref<100000x128xf32, #tpu.memory_space<hbm>>) target(%dma_start3A_334 : memref<64x128xf32, #tpu.memory_space<vmem>>) offsets(%dma_start3A_337 : memref<64xi32, #tpu.memory_space<vmem>>) semaphore(%arg17 : memref<!tpu.dma_semaphore, #tpu.memory_space<semaphore_mem>>)
    %dma_wait3A_341 = arith.constant 0 : i32
    %dma_wait3A_342 = arith.constant 0 : i32
    %dma_wait3A_343 = arith.constant 0 : i32
    %dma_wait3A_344 = tpu.memref_slice %arg7[%dma_wait3A_341, %dma_wait3A_342, %dma_wait3A_343] : memref<4x64x128xf32, #tpu.memory_space<vmem>> -> memref<1x64x128xf32, #tpu.memory_space<vmem>>
    %dma_wait3A_345 = tpu.memref_squeeze %dma_wait3A_344 : memref<1x64x128xf32, #tpu.memory_space<vmem>> -> memref<64x128xf32, #tpu.memory_space<vmem>>
    %dma_wait3A_346 = arith.constant 0 : i32
    %dma_wait3A_347 = tpu.memref_slice %arg2[%add3A_141, %dma_wait3A_346] : memref<16384x128xf32, #tpu.memory_space<hbm>> -> memref<64x128xf32, #tpu.memory_space<hbm>>
    %dma_wait3A_348 = arith.constant 0 : i32
    %dma_wait3A_349 = arith.constant 0 : i32
    %dma_wait3A_350 = tpu.memref_slice %arg7[%dma_wait3A_341, %dma_wait3A_348, %dma_wait3A_349] : memref<4x64x128xf32, #tpu.memory_space<vmem>> -> memref<1x64x128xf32, #tpu.memory_space<vmem>>
    %dma_wait3A_351 = tpu.memref_squeeze %dma_wait3A_350 : memref<1x64x128xf32, #tpu.memory_space<vmem>> -> memref<64x128xf32, #tpu.memory_space<vmem>>
    %dma_wait3A_352 = arith.constant 0 : i32
    %dma_wait3A_353 = tpu.memref_slice %arg2[%add3A_141, %dma_wait3A_352] : memref<16384x128xf32, #tpu.memory_space<hbm>> -> memref<64x128xf32, #tpu.memory_space<hbm>>
    tpu.wait_dma2 semaphore(%arg10 : memref<!tpu.dma_semaphore, #tpu.memory_space<semaphore_mem>>) src(%dma_wait3A_353 : memref<64x128xf32, #tpu.memory_space<hbm>>) dst(%dma_wait3A_351 : memref<64x128xf32, #tpu.memory_space<vmem>>)
    %dma_wait3A_354 = arith.constant 4 : i32
    %dma_wait3A_355 = arith.constant 0 : i32
    %dma_wait3A_356 = arith.constant 0 : i32
    %dma_wait3A_357 = arith.constant 0 : i32
    %dma_wait3A_358 = tpu.memref_slice %arg8[%dma_wait3A_355, %dma_wait3A_356, %dma_wait3A_357] : memref<4x64x128xf32, #tpu.memory_space<vmem>> -> memref<1x64x128xf32, #tpu.memory_space<vmem>>
    %dma_wait3A_359 = tpu.memref_squeeze %dma_wait3A_358 : memref<1x64x128xf32, #tpu.memory_space<vmem>> -> memref<64x128xf32, #tpu.memory_space<vmem>>
    %dma_wait3A_360 = arith.constant 0 : i32
    %dma_wait3A_361 = tpu.memref_slice %arg6[%dma_wait3A_354, %dma_wait3A_360] : memref<8x64xi32, #tpu.memory_space<vmem>> -> memref<1x64xi32, #tpu.memory_space<vmem>>
    %dma_wait3A_362 = tpu.memref_squeeze %dma_wait3A_361 : memref<1x64xi32, #tpu.memory_space<vmem>> -> memref<64xi32, #tpu.memory_space<vmem>>
    %dma_wait3A_363 = arith.constant 0 : i32
    %dma_wait3A_364 = arith.constant 0 : i32
    %dma_wait3A_365 = tpu.memref_slice %arg4[%dma_wait3A_363, %dma_wait3A_364] : memref<100000x128xf32, #tpu.memory_space<hbm>> -> memref<100000x128xf32, #tpu.memory_space<hbm>>
    tpu.wait_indirect_dma semaphore(%arg14 : memref<!tpu.dma_semaphore, #tpu.memory_space<semaphore_mem>>) src(%dma_wait3A_365 : memref<100000x128xf32, #tpu.memory_space<hbm>>) dst(%dma_wait3A_359 : memref<64x128xf32, #tpu.memory_space<vmem>>)
    %parallel_loop3A_366 = arith.constant 0 : i32
    %parallel_loop3A_367 = arith.constant 64 : i32
    %parallel_loop3A_368 = arith.constant 1 : i32
    %parallel_loop3A_369 = arith.constant 0 : i32
    %parallel_loop3A_370 = arith.constant 0 : i32
    %parallel_loop3A_371:4 = scf.for %parallel_loop3A_469 = %parallel_loop3A_366 to %parallel_loop3A_367 step %parallel_loop3A_368 iter_args(%parallel_loop3A_470 = %parallel_loop3A_313#0, %parallel_loop3A_471 = %parallel_loop3A_313#1, %parallel_loop3A_472 = %parallel_loop3A_313#2, %parallel_loop3A_473 = %parallel_loop3A_313#3) -> (vector<16xf32>, vector<16xf32>, vector<16xf32>, vector<16xf32>)  : i32 {
      %parallel_loop3A_474 = arith.constant 0 : i32
      %parallel_loop3A_475 = arith.constant 0 : i32
      %parallel_loop3A_476 = tpu.memref_slice %arg7[%parallel_loop3A_369, %parallel_loop3A_474, %parallel_loop3A_475] : memref<4x64x128xf32, #tpu.memory_space<vmem>> -> memref<1x64x128xf32, #tpu.memory_space<vmem>>
      %parallel_loop3A_477 = tpu.memref_squeeze %parallel_loop3A_476 : memref<1x64x128xf32, #tpu.memory_space<vmem>> -> memref<64x128xf32, #tpu.memory_space<vmem>>
      %parallel_loop3A_478 = arith.index_cast %parallel_loop3A_469 : i32 to index
      %parallel_loop3A_479 = arith.constant 0 : index
      %parallel_loop3A_480 = tpu.vector_load %parallel_loop3A_477[%parallel_loop3A_478, %parallel_loop3A_479] {strides = array<i32>} : memref<64x128xf32, #tpu.memory_space<vmem>>, vector<16xf32>,
      %parallel_loop3A_481 = arith.constant 0 : i32
      %parallel_loop3A_482 = arith.constant 0 : i32
      %parallel_loop3A_483 = tpu.memref_slice %arg8[%parallel_loop3A_370, %parallel_loop3A_481, %parallel_loop3A_482] : memref<4x64x128xf32, #tpu.memory_space<vmem>> -> memref<1x64x128xf32, #tpu.memory_space<vmem>>
      %parallel_loop3A_484 = tpu.memref_squeeze %parallel_loop3A_483 : memref<1x64x128xf32, #tpu.memory_space<vmem>> -> memref<64x128xf32, #tpu.memory_space<vmem>>
      %parallel_loop3A_485 = arith.index_cast %parallel_loop3A_469 : i32 to index
      %parallel_loop3A_486 = arith.constant 0 : index
      %parallel_loop3A_487 = tpu.vector_load %parallel_loop3A_484[%parallel_loop3A_485, %parallel_loop3A_486] {strides = array<i32>} : memref<64x128xf32, #tpu.memory_space<vmem>>, vector<16xf32>,
      %parallel_loop3A_488 = arith.subf %parallel_loop3A_480, %parallel_loop3A_487 : vector<16xf32>
      %parallel_loop3A_489 = arith.mulf %parallel_loop3A_488, %parallel_loop3A_488 : vector<16xf32>
      %parallel_loop3A_490 = arith.addf %parallel_loop3A_470, %parallel_loop3A_489 : vector<16xf32>
      %parallel_loop3A_491 = arith.constant 0 : i32
      %parallel_loop3A_492 = arith.constant 0 : i32
      %parallel_loop3A_493 = tpu.memref_slice %arg7[%parallel_loop3A_369, %parallel_loop3A_491, %parallel_loop3A_492] : memref<4x64x128xf32, #tpu.memory_space<vmem>> -> memref<1x64x128xf32, #tpu.memory_space<vmem>>
      %parallel_loop3A_494 = tpu.memref_squeeze %parallel_loop3A_493 : memref<1x64x128xf32, #tpu.memory_space<vmem>> -> memref<64x128xf32, #tpu.memory_space<vmem>>
      %parallel_loop3A_495 = arith.index_cast %parallel_loop3A_469 : i32 to index
      %parallel_loop3A_496 = arith.constant 16 : index
      %parallel_loop3A_497 = tpu.vector_load %parallel_loop3A_494[%parallel_loop3A_495, %parallel_loop3A_496] {strides = array<i32>} : memref<64x128xf32, #tpu.memory_space<vmem>>, vector<16xf32>,
      %parallel_loop3A_498 = arith.constant 0 : i32
      %parallel_loop3A_499 = arith.constant 0 : i32
      %parallel_loop3A_500 = tpu.memref_slice %arg8[%parallel_loop3A_370, %parallel_loop3A_498, %parallel_loop3A_499] : memref<4x64x128xf32, #tpu.memory_space<vmem>> -> memref<1x64x128xf32, #tpu.memory_space<vmem>>
      %parallel_loop3A_501 = tpu.memref_squeeze %parallel_loop3A_500 : memref<1x64x128xf32, #tpu.memory_space<vmem>> -> memref<64x128xf32, #tpu.memory_space<vmem>>
      %parallel_loop3A_502 = arith.index_cast %parallel_loop3A_469 : i32 to index
      %parallel_loop3A_503 = arith.constant 16 : index
      %parallel_loop3A_504 = tpu.vector_load %parallel_loop3A_501[%parallel_loop3A_502, %parallel_loop3A_503] {strides = array<i32>} : memref<64x128xf32, #tpu.memory_space<vmem>>, vector<16xf32>,
      %parallel_loop3A_505 = arith.subf %parallel_loop3A_497, %parallel_loop3A_504 : vector<16xf32>
      %parallel_loop3A_506 = arith.mulf %parallel_loop3A_505, %parallel_loop3A_505 : vector<16xf32>
      %parallel_loop3A_507 = arith.addf %parallel_loop3A_471, %parallel_loop3A_506 : vector<16xf32>
      %parallel_loop3A_508 = arith.constant 0 : i32
      %parallel_loop3A_509 = arith.constant 0 : i32
      %parallel_loop3A_510 = tpu.memref_slice %arg7[%parallel_loop3A_369, %parallel_loop3A_508, %parallel_loop3A_509] : memref<4x64x128xf32, #tpu.memory_space<vmem>> -> memref<1x64x128xf32, #tpu.memory_space<vmem>>
      %parallel_loop3A_511 = tpu.memref_squeeze %parallel_loop3A_510 : memref<1x64x128xf32, #tpu.memory_space<vmem>> -> memref<64x128xf32, #tpu.memory_space<vmem>>
      %parallel_loop3A_512 = arith.index_cast %parallel_loop3A_469 : i32 to index
      %parallel_loop3A_513 = arith.constant 32 : index
      %parallel_loop3A_514 = tpu.vector_load %parallel_loop3A_511[%parallel_loop3A_512, %parallel_loop3A_513] {strides = array<i32>} : memref<64x128xf32, #tpu.memory_space<vmem>>, vector<16xf32>,
      %parallel_loop3A_515 = arith.constant 0 : i32
      %parallel_loop3A_516 = arith.constant 0 : i32
      %parallel_loop3A_517 = tpu.memref_slice %arg8[%parallel_loop3A_370, %parallel_loop3A_515, %parallel_loop3A_516] : memref<4x64x128xf32, #tpu.memory_space<vmem>> -> memref<1x64x128xf32, #tpu.memory_space<vmem>>
      %parallel_loop3A_518 = tpu.memref_squeeze %parallel_loop3A_517 : memref<1x64x128xf32, #tpu.memory_space<vmem>> -> memref<64x128xf32, #tpu.memory_space<vmem>>
      %parallel_loop3A_519 = arith.index_cast %parallel_loop3A_469 : i32 to index
      %parallel_loop3A_520 = arith.constant 32 : index
      %parallel_loop3A_521 = tpu.vector_load %parallel_loop3A_518[%parallel_loop3A_519, %parallel_loop3A_520] {strides = array<i32>} : memref<64x128xf32, #tpu.memory_space<vmem>>, vector<16xf32>,
      %parallel_loop3A_522 = arith.subf %parallel_loop3A_514, %parallel_loop3A_521 : vector<16xf32>
      %parallel_loop3A_523 = arith.mulf %parallel_loop3A_522, %parallel_loop3A_522 : vector<16xf32>
      %parallel_loop3A_524 = arith.addf %parallel_loop3A_472, %parallel_loop3A_523 : vector<16xf32>
      %parallel_loop3A_525 = arith.constant 0 : i32
      %parallel_loop3A_526 = arith.constant 0 : i32
      %parallel_loop3A_527 = tpu.memref_slice %arg7[%parallel_loop3A_369, %parallel_loop3A_525, %parallel_loop3A_526] : memref<4x64x128xf32, #tpu.memory_space<vmem>> -> memref<1x64x128xf32, #tpu.memory_space<vmem>>
      %parallel_loop3A_528 = tpu.memref_squeeze %parallel_loop3A_527 : memref<1x64x128xf32, #tpu.memory_space<vmem>> -> memref<64x128xf32, #tpu.memory_space<vmem>>
      %parallel_loop3A_529 = arith.index_cast %parallel_loop3A_469 : i32 to index
      %parallel_loop3A_530 = arith.constant 48 : index
      %parallel_loop3A_531 = tpu.vector_load %parallel_loop3A_528[%parallel_loop3A_529, %parallel_loop3A_530] {strides = array<i32>} : memref<64x128xf32, #tpu.memory_space<vmem>>, vector<16xf32>,
      %parallel_loop3A_532 = arith.constant 0 : i32
      %parallel_loop3A_533 = arith.constant 0 : i32
      %parallel_loop3A_534 = tpu.memref_slice %arg8[%parallel_loop3A_370, %parallel_loop3A_532, %parallel_loop3A_533] : memref<4x64x128xf32, #tpu.memory_space<vmem>> -> memref<1x64x128xf32, #tpu.memory_space<vmem>>
      %parallel_loop3A_535 = tpu.memref_squeeze %parallel_loop3A_534 : memref<1x64x128xf32, #tpu.memory_space<vmem>> -> memref<64x128xf32, #tpu.memory_space<vmem>>
      %parallel_loop3A_536 = arith.index_cast %parallel_loop3A_469 : i32 to index
      %parallel_loop3A_537 = arith.constant 48 : index
      %parallel_loop3A_538 = tpu.vector_load %parallel_loop3A_535[%parallel_loop3A_536, %parallel_loop3A_537] {strides = array<i32>} : memref<64x128xf32, #tpu.memory_space<vmem>>, vector<16xf32>,
      %parallel_loop3A_539 = arith.subf %parallel_loop3A_531, %parallel_loop3A_538 : vector<16xf32>
      %parallel_loop3A_540 = arith.mulf %parallel_loop3A_539, %parallel_loop3A_539 : vector<16xf32>
      %parallel_loop3A_541 = arith.addf %parallel_loop3A_473, %parallel_loop3A_540 : vector<16xf32>
      %parallel_loop3A_542 = arith.constant 0 : i32
      %parallel_loop3A_543 = arith.constant 0 : i32
      %parallel_loop3A_544 = tpu.memref_slice %arg7[%parallel_loop3A_369, %parallel_loop3A_542, %parallel_loop3A_543] : memref<4x64x128xf32, #tpu.memory_space<vmem>> -> memref<1x64x128xf32, #tpu.memory_space<vmem>>
      %parallel_loop3A_545 = tpu.memref_squeeze %parallel_loop3A_544 : memref<1x64x128xf32, #tpu.memory_space<vmem>> -> memref<64x128xf32, #tpu.memory_space<vmem>>
      %parallel_loop3A_546 = arith.index_cast %parallel_loop3A_469 : i32 to index
      %parallel_loop3A_547 = arith.constant 64 : index
      %parallel_loop3A_548 = tpu.vector_load %parallel_loop3A_545[%parallel_loop3A_546, %parallel_loop3A_547] {strides = array<i32>} : memref<64x128xf32, #tpu.memory_space<vmem>>, vector<16xf32>,
      %parallel_loop3A_549 = arith.constant 0 : i32
      %parallel_loop3A_550 = arith.constant 0 : i32
      %parallel_loop3A_551 = tpu.memref_slice %arg8[%parallel_loop3A_370, %parallel_loop3A_549, %parallel_loop3A_550] : memref<4x64x128xf32, #tpu.memory_space<vmem>> -> memref<1x64x128xf32, #tpu.memory_space<vmem>>
      %parallel_loop3A_552 = tpu.memref_squeeze %parallel_loop3A_551 : memref<1x64x128xf32, #tpu.memory_space<vmem>> -> memref<64x128xf32, #tpu.memory_space<vmem>>
      %parallel_loop3A_553 = arith.index_cast %parallel_loop3A_469 : i32 to index
      %parallel_loop3A_554 = arith.constant 64 : index
      %parallel_loop3A_555 = tpu.vector_load %parallel_loop3A_552[%parallel_loop3A_553, %parallel_loop3A_554] {strides = array<i32>} : memref<64x128xf32, #tpu.memory_space<vmem>>, vector<16xf32>,
      %parallel_loop3A_556 = arith.subf %parallel_loop3A_548, %parallel_loop3A_555 : vector<16xf32>
      %parallel_loop3A_557 = arith.mulf %parallel_loop3A_556, %parallel_loop3A_556 : vector<16xf32>
      %parallel_loop3A_558 = arith.addf %parallel_loop3A_490, %parallel_loop3A_557 : vector<16xf32>
      %parallel_loop3A_559 = arith.constant 0 : i32
      %parallel_loop3A_560 = arith.constant 0 : i32
      %parallel_loop3A_561 = tpu.memref_slice %arg7[%parallel_loop3A_369, %parallel_loop3A_559, %parallel_loop3A_560] : memref<4x64x128xf32, #tpu.memory_space<vmem>> -> memref<1x64x128xf32, #tpu.memory_space<vmem>>
      %parallel_loop3A_562 = tpu.memref_squeeze %parallel_loop3A_561 : memref<1x64x128xf32, #tpu.memory_space<vmem>> -> memref<64x128xf32, #tpu.memory_space<vmem>>
      %parallel_loop3A_563 = arith.index_cast %parallel_loop3A_469 : i32 to index
      %parallel_loop3A_564 = arith.constant 80 : index
      %parallel_loop3A_565 = tpu.vector_load %parallel_loop3A_562[%parallel_loop3A_563, %parallel_loop3A_564] {strides = array<i32>} : memref<64x128xf32, #tpu.memory_space<vmem>>, vector<16xf32>,
      %parallel_loop3A_566 = arith.constant 0 : i32
      %parallel_loop3A_567 = arith.constant 0 : i32
      %parallel_loop3A_568 = tpu.memref_slice %arg8[%parallel_loop3A_370, %parallel_loop3A_566, %parallel_loop3A_567] : memref<4x64x128xf32, #tpu.memory_space<vmem>> -> memref<1x64x128xf32, #tpu.memory_space<vmem>>
      %parallel_loop3A_569 = tpu.memref_squeeze %parallel_loop3A_568 : memref<1x64x128xf32, #tpu.memory_space<vmem>> -> memref<64x128xf32, #tpu.memory_space<vmem>>
      %parallel_loop3A_570 = arith.index_cast %parallel_loop3A_469 : i32 to index
      %parallel_loop3A_571 = arith.constant 80 : index
      %parallel_loop3A_572 = tpu.vector_load %parallel_loop3A_569[%parallel_loop3A_570, %parallel_loop3A_571] {strides = array<i32>} : memref<64x128xf32, #tpu.memory_space<vmem>>, vector<16xf32>,
      %parallel_loop3A_573 = arith.subf %parallel_loop3A_565, %parallel_loop3A_572 : vector<16xf32>
      %parallel_loop3A_574 = arith.mulf %parallel_loop3A_573, %parallel_loop3A_573 : vector<16xf32>
      %parallel_loop3A_575 = arith.addf %parallel_loop3A_507, %parallel_loop3A_574 : vector<16xf32>
      %parallel_loop3A_576 = arith.constant 0 : i32
      %parallel_loop3A_577 = arith.constant 0 : i32
      %parallel_loop3A_578 = tpu.memref_slice %arg7[%parallel_loop3A_369, %parallel_loop3A_576, %parallel_loop3A_577] : memref<4x64x128xf32, #tpu.memory_space<vmem>> -> memref<1x64x128xf32, #tpu.memory_space<vmem>>
      %parallel_loop3A_579 = tpu.memref_squeeze %parallel_loop3A_578 : memref<1x64x128xf32, #tpu.memory_space<vmem>> -> memref<64x128xf32, #tpu.memory_space<vmem>>
      %parallel_loop3A_580 = arith.index_cast %parallel_loop3A_469 : i32 to index
      %parallel_loop3A_581 = arith.constant 96 : index
      %parallel_loop3A_582 = tpu.vector_load %parallel_loop3A_579[%parallel_loop3A_580, %parallel_loop3A_581] {strides = array<i32>} : memref<64x128xf32, #tpu.memory_space<vmem>>, vector<16xf32>,
      %parallel_loop3A_583 = arith.constant 0 : i32
      %parallel_loop3A_584 = arith.constant 0 : i32
      %parallel_loop3A_585 = tpu.memref_slice %arg8[%parallel_loop3A_370, %parallel_loop3A_583, %parallel_loop3A_584] : memref<4x64x128xf32, #tpu.memory_space<vmem>> -> memref<1x64x128xf32, #tpu.memory_space<vmem>>
      %parallel_loop3A_586 = tpu.memref_squeeze %parallel_loop3A_585 : memref<1x64x128xf32, #tpu.memory_space<vmem>> -> memref<64x128xf32, #tpu.memory_space<vmem>>
      %parallel_loop3A_587 = arith.index_cast %parallel_loop3A_469 : i32 to index
      %parallel_loop3A_588 = arith.constant 96 : index
      %parallel_loop3A_589 = tpu.vector_load %parallel_loop3A_586[%parallel_loop3A_587, %parallel_loop3A_588] {strides = array<i32>} : memref<64x128xf32, #tpu.memory_space<vmem>>, vector<16xf32>,
      %parallel_loop3A_590 = arith.subf %parallel_loop3A_582, %parallel_loop3A_589 : vector<16xf32>
      %parallel_loop3A_591 = arith.mulf %parallel_loop3A_590, %parallel_loop3A_590 : vector<16xf32>
      %parallel_loop3A_592 = arith.addf %parallel_loop3A_524, %parallel_loop3A_591 : vector<16xf32>
      %parallel_loop3A_593 = arith.constant 0 : i32
      %parallel_loop3A_594 = arith.constant 0 : i32
      %parallel_loop3A_595 = tpu.memref_slice %arg7[%parallel_loop3A_369, %parallel_loop3A_593, %parallel_loop3A_594] : memref<4x64x128xf32, #tpu.memory_space<vmem>> -> memref<1x64x128xf32, #tpu.memory_space<vmem>>
      %parallel_loop3A_596 = tpu.memref_squeeze %parallel_loop3A_595 : memref<1x64x128xf32, #tpu.memory_space<vmem>> -> memref<64x128xf32, #tpu.memory_space<vmem>>
      %parallel_loop3A_597 = arith.index_cast %parallel_loop3A_469 : i32 to index
      %parallel_loop3A_598 = arith.constant 112 : index
      %parallel_loop3A_599 = tpu.vector_load %parallel_loop3A_596[%parallel_loop3A_597, %parallel_loop3A_598] {strides = array<i32>} : memref<64x128xf32, #tpu.memory_space<vmem>>, vector<16xf32>,
      %parallel_loop3A_600 = arith.constant 0 : i32
      %parallel_loop3A_601 = arith.constant 0 : i32
      %parallel_loop3A_602 = tpu.memref_slice %arg8[%parallel_loop3A_370, %parallel_loop3A_600, %parallel_loop3A_601] : memref<4x64x128xf32, #tpu.memory_space<vmem>> -> memref<1x64x128xf32, #tpu.memory_space<vmem>>
      %parallel_loop3A_603 = tpu.memref_squeeze %parallel_loop3A_602 : memref<1x64x128xf32, #tpu.memory_space<vmem>> -> memref<64x128xf32, #tpu.memory_space<vmem>>
      %parallel_loop3A_604 = arith.index_cast %parallel_loop3A_469 : i32 to index
      %parallel_loop3A_605 = arith.constant 112 : index
      %parallel_loop3A_606 = tpu.vector_load %parallel_loop3A_603[%parallel_loop3A_604, %parallel_loop3A_605] {strides = array<i32>} : memref<64x128xf32, #tpu.memory_space<vmem>>, vector<16xf32>,
      %parallel_loop3A_607 = arith.subf %parallel_loop3A_599, %parallel_loop3A_606 : vector<16xf32>
      %parallel_loop3A_608 = arith.mulf %parallel_loop3A_607, %parallel_loop3A_607 : vector<16xf32>
      %parallel_loop3A_609 = arith.addf %parallel_loop3A_541, %parallel_loop3A_608 : vector<16xf32>
      scf.yield %parallel_loop3A_558, %parallel_loop3A_575, %parallel_loop3A_592, %parallel_loop3A_609 : vector<16xf32>, vector<16xf32>, vector<16xf32>, vector<16xf32>
    } {sc.loop_unroll_factor = 2 : i64, sc.parallel_access}
    %dma_wait3A_372 = arith.constant 1 : i32
    %dma_wait3A_373 = arith.constant 0 : i32
    %dma_wait3A_374 = arith.constant 0 : i32
    %dma_wait3A_375 = tpu.memref_slice %arg7[%dma_wait3A_372, %dma_wait3A_373, %dma_wait3A_374] : memref<4x64x128xf32, #tpu.memory_space<vmem>> -> memref<1x64x128xf32, #tpu.memory_space<vmem>>
    %dma_wait3A_376 = tpu.memref_squeeze %dma_wait3A_375 : memref<1x64x128xf32, #tpu.memory_space<vmem>> -> memref<64x128xf32, #tpu.memory_space<vmem>>
    %dma_wait3A_377 = arith.constant 0 : i32
    %dma_wait3A_378 = tpu.memref_slice %arg2[%add3A_199, %dma_wait3A_377] : memref<16384x128xf32, #tpu.memory_space<hbm>> -> memref<64x128xf32, #tpu.memory_space<hbm>>
    %dma_wait3A_379 = arith.constant 0 : i32
    %dma_wait3A_380 = arith.constant 0 : i32
    %dma_wait3A_381 = tpu.memref_slice %arg7[%dma_wait3A_372, %dma_wait3A_379, %dma_wait3A_380] : memref<4x64x128xf32, #tpu.memory_space<vmem>> -> memref<1x64x128xf32, #tpu.memory_space<vmem>>
    %dma_wait3A_382 = tpu.memref_squeeze %dma_wait3A_381 : memref<1x64x128xf32, #tpu.memory_space<vmem>> -> memref<64x128xf32, #tpu.memory_space<vmem>>
    %dma_wait3A_383 = arith.constant 0 : i32
    %dma_wait3A_384 = tpu.memref_slice %arg2[%add3A_199, %dma_wait3A_383] : memref<16384x128xf32, #tpu.memory_space<hbm>> -> memref<64x128xf32, #tpu.memory_space<hbm>>
    tpu.wait_dma2 semaphore(%arg11 : memref<!tpu.dma_semaphore, #tpu.memory_space<semaphore_mem>>) src(%dma_wait3A_384 : memref<64x128xf32, #tpu.memory_space<hbm>>) dst(%dma_wait3A_382 : memref<64x128xf32, #tpu.memory_space<vmem>>)
    %dma_wait3A_385 = arith.constant 5 : i32
    %dma_wait3A_386 = arith.constant 1 : i32
    %dma_wait3A_387 = arith.constant 0 : i32
    %dma_wait3A_388 = arith.constant 0 : i32
    %dma_wait3A_389 = tpu.memref_slice %arg8[%dma_wait3A_386, %dma_wait3A_387, %dma_wait3A_388] : memref<4x64x128xf32, #tpu.memory_space<vmem>> -> memref<1x64x128xf32, #tpu.memory_space<vmem>>
    %dma_wait3A_390 = tpu.memref_squeeze %dma_wait3A_389 : memref<1x64x128xf32, #tpu.memory_space<vmem>> -> memref<64x128xf32, #tpu.memory_space<vmem>>
    %dma_wait3A_391 = arith.constant 0 : i32
    %dma_wait3A_392 = tpu.memref_slice %arg6[%dma_wait3A_385, %dma_wait3A_391] : memref<8x64xi32, #tpu.memory_space<vmem>> -> memref<1x64xi32, #tpu.memory_space<vmem>>
    %dma_wait3A_393 = tpu.memref_squeeze %dma_wait3A_392 : memref<1x64xi32, #tpu.memory_space<vmem>> -> memref<64xi32, #tpu.memory_space<vmem>>
    %dma_wait3A_394 = arith.constant 0 : i32
    %dma_wait3A_395 = arith.constant 0 : i32
    %dma_wait3A_396 = tpu.memref_slice %arg4[%dma_wait3A_394, %dma_wait3A_395] : memref<100000x128xf32, #tpu.memory_space<hbm>> -> memref<100000x128xf32, #tpu.memory_space<hbm>>
    tpu.wait_indirect_dma semaphore(%arg15 : memref<!tpu.dma_semaphore, #tpu.memory_space<semaphore_mem>>) src(%dma_wait3A_396 : memref<100000x128xf32, #tpu.memory_space<hbm>>) dst(%dma_wait3A_390 : memref<64x128xf32, #tpu.memory_space<vmem>>)
    %parallel_loop3A_397 = arith.constant 0 : i32
    %parallel_loop3A_398 = arith.constant 64 : i32
    %parallel_loop3A_399 = arith.constant 1 : i32
    %parallel_loop3A_400 = arith.constant 1 : i32
    %parallel_loop3A_401 = arith.constant 1 : i32
    %parallel_loop3A_402:4 = scf.for %parallel_loop3A_469 = %parallel_loop3A_397 to %parallel_loop3A_398 step %parallel_loop3A_399 iter_args(%parallel_loop3A_470 = %parallel_loop3A_371#0, %parallel_loop3A_471 = %parallel_loop3A_371#1, %parallel_loop3A_472 = %parallel_loop3A_371#2, %parallel_loop3A_473 = %parallel_loop3A_371#3) -> (vector<16xf32>, vector<16xf32>, vector<16xf32>, vector<16xf32>)  : i32 {
      %parallel_loop3A_474 = arith.constant 0 : i32
      %parallel_loop3A_475 = arith.constant 0 : i32
      %parallel_loop3A_476 = tpu.memref_slice %arg7[%parallel_loop3A_400, %parallel_loop3A_474, %parallel_loop3A_475] : memref<4x64x128xf32, #tpu.memory_space<vmem>> -> memref<1x64x128xf32, #tpu.memory_space<vmem>>
      %parallel_loop3A_477 = tpu.memref_squeeze %parallel_loop3A_476 : memref<1x64x128xf32, #tpu.memory_space<vmem>> -> memref<64x128xf32, #tpu.memory_space<vmem>>
      %parallel_loop3A_478 = arith.index_cast %parallel_loop3A_469 : i32 to index
      %parallel_loop3A_479 = arith.constant 0 : index
      %parallel_loop3A_480 = tpu.vector_load %parallel_loop3A_477[%parallel_loop3A_478, %parallel_loop3A_479] {strides = array<i32>} : memref<64x128xf32, #tpu.memory_space<vmem>>, vector<16xf32>,
      %parallel_loop3A_481 = arith.constant 0 : i32
      %parallel_loop3A_482 = arith.constant 0 : i32
      %parallel_loop3A_483 = tpu.memref_slice %arg8[%parallel_loop3A_401, %parallel_loop3A_481, %parallel_loop3A_482] : memref<4x64x128xf32, #tpu.memory_space<vmem>> -> memref<1x64x128xf32, #tpu.memory_space<vmem>>
      %parallel_loop3A_484 = tpu.memref_squeeze %parallel_loop3A_483 : memref<1x64x128xf32, #tpu.memory_space<vmem>> -> memref<64x128xf32, #tpu.memory_space<vmem>>
      %parallel_loop3A_485 = arith.index_cast %parallel_loop3A_469 : i32 to index
      %parallel_loop3A_486 = arith.constant 0 : index
      %parallel_loop3A_487 = tpu.vector_load %parallel_loop3A_484[%parallel_loop3A_485, %parallel_loop3A_486] {strides = array<i32>} : memref<64x128xf32, #tpu.memory_space<vmem>>, vector<16xf32>,
      %parallel_loop3A_488 = arith.subf %parallel_loop3A_480, %parallel_loop3A_487 : vector<16xf32>
      %parallel_loop3A_489 = arith.mulf %parallel_loop3A_488, %parallel_loop3A_488 : vector<16xf32>
      %parallel_loop3A_490 = arith.addf %parallel_loop3A_470, %parallel_loop3A_489 : vector<16xf32>
      %parallel_loop3A_491 = arith.constant 0 : i32
      %parallel_loop3A_492 = arith.constant 0 : i32
      %parallel_loop3A_493 = tpu.memref_slice %arg7[%parallel_loop3A_400, %parallel_loop3A_491, %parallel_loop3A_492] : memref<4x64x128xf32, #tpu.memory_space<vmem>> -> memref<1x64x128xf32, #tpu.memory_space<vmem>>
      %parallel_loop3A_494 = tpu.memref_squeeze %parallel_loop3A_493 : memref<1x64x128xf32, #tpu.memory_space<vmem>> -> memref<64x128xf32, #tpu.memory_space<vmem>>
      %parallel_loop3A_495 = arith.index_cast %parallel_loop3A_469 : i32 to index
      %parallel_loop3A_496 = arith.constant 16 : index
      %parallel_loop3A_497 = tpu.vector_load %parallel_loop3A_494[%parallel_loop3A_495, %parallel_loop3A_496] {strides = array<i32>} : memref<64x128xf32, #tpu.memory_space<vmem>>, vector<16xf32>,
      %parallel_loop3A_498 = arith.constant 0 : i32
      %parallel_loop3A_499 = arith.constant 0 : i32
      %parallel_loop3A_500 = tpu.memref_slice %arg8[%parallel_loop3A_401, %parallel_loop3A_498, %parallel_loop3A_499] : memref<4x64x128xf32, #tpu.memory_space<vmem>> -> memref<1x64x128xf32, #tpu.memory_space<vmem>>
      %parallel_loop3A_501 = tpu.memref_squeeze %parallel_loop3A_500 : memref<1x64x128xf32, #tpu.memory_space<vmem>> -> memref<64x128xf32, #tpu.memory_space<vmem>>
      %parallel_loop3A_502 = arith.index_cast %parallel_loop3A_469 : i32 to index
      %parallel_loop3A_503 = arith.constant 16 : index
      %parallel_loop3A_504 = tpu.vector_load %parallel_loop3A_501[%parallel_loop3A_502, %parallel_loop3A_503] {strides = array<i32>} : memref<64x128xf32, #tpu.memory_space<vmem>>, vector<16xf32>,
      %parallel_loop3A_505 = arith.subf %parallel_loop3A_497, %parallel_loop3A_504 : vector<16xf32>
      %parallel_loop3A_506 = arith.mulf %parallel_loop3A_505, %parallel_loop3A_505 : vector<16xf32>
      %parallel_loop3A_507 = arith.addf %parallel_loop3A_471, %parallel_loop3A_506 : vector<16xf32>
      %parallel_loop3A_508 = arith.constant 0 : i32
      %parallel_loop3A_509 = arith.constant 0 : i32
      %parallel_loop3A_510 = tpu.memref_slice %arg7[%parallel_loop3A_400, %parallel_loop3A_508, %parallel_loop3A_509] : memref<4x64x128xf32, #tpu.memory_space<vmem>> -> memref<1x64x128xf32, #tpu.memory_space<vmem>>
      %parallel_loop3A_511 = tpu.memref_squeeze %parallel_loop3A_510 : memref<1x64x128xf32, #tpu.memory_space<vmem>> -> memref<64x128xf32, #tpu.memory_space<vmem>>
      %parallel_loop3A_512 = arith.index_cast %parallel_loop3A_469 : i32 to index
      %parallel_loop3A_513 = arith.constant 32 : index
      %parallel_loop3A_514 = tpu.vector_load %parallel_loop3A_511[%parallel_loop3A_512, %parallel_loop3A_513] {strides = array<i32>} : memref<64x128xf32, #tpu.memory_space<vmem>>, vector<16xf32>,
      %parallel_loop3A_515 = arith.constant 0 : i32
      %parallel_loop3A_516 = arith.constant 0 : i32
      %parallel_loop3A_517 = tpu.memref_slice %arg8[%parallel_loop3A_401, %parallel_loop3A_515, %parallel_loop3A_516] : memref<4x64x128xf32, #tpu.memory_space<vmem>> -> memref<1x64x128xf32, #tpu.memory_space<vmem>>
      %parallel_loop3A_518 = tpu.memref_squeeze %parallel_loop3A_517 : memref<1x64x128xf32, #tpu.memory_space<vmem>> -> memref<64x128xf32, #tpu.memory_space<vmem>>
      %parallel_loop3A_519 = arith.index_cast %parallel_loop3A_469 : i32 to index
      %parallel_loop3A_520 = arith.constant 32 : index
      %parallel_loop3A_521 = tpu.vector_load %parallel_loop3A_518[%parallel_loop3A_519, %parallel_loop3A_520] {strides = array<i32>} : memref<64x128xf32, #tpu.memory_space<vmem>>, vector<16xf32>,
      %parallel_loop3A_522 = arith.subf %parallel_loop3A_514, %parallel_loop3A_521 : vector<16xf32>
      %parallel_loop3A_523 = arith.mulf %parallel_loop3A_522, %parallel_loop3A_522 : vector<16xf32>
      %parallel_loop3A_524 = arith.addf %parallel_loop3A_472, %parallel_loop3A_523 : vector<16xf32>
      %parallel_loop3A_525 = arith.constant 0 : i32
      %parallel_loop3A_526 = arith.constant 0 : i32
      %parallel_loop3A_527 = tpu.memref_slice %arg7[%parallel_loop3A_400, %parallel_loop3A_525, %parallel_loop3A_526] : memref<4x64x128xf32, #tpu.memory_space<vmem>> -> memref<1x64x128xf32, #tpu.memory_space<vmem>>
      %parallel_loop3A_528 = tpu.memref_squeeze %parallel_loop3A_527 : memref<1x64x128xf32, #tpu.memory_space<vmem>> -> memref<64x128xf32, #tpu.memory_space<vmem>>
      %parallel_loop3A_529 = arith.index_cast %parallel_loop3A_469 : i32 to index
      %parallel_loop3A_530 = arith.constant 48 : index
      %parallel_loop3A_531 = tpu.vector_load %parallel_loop3A_528[%parallel_loop3A_529, %parallel_loop3A_530] {strides = array<i32>} : memref<64x128xf32, #tpu.memory_space<vmem>>, vector<16xf32>,
      %parallel_loop3A_532 = arith.constant 0 : i32
      %parallel_loop3A_533 = arith.constant 0 : i32
      %parallel_loop3A_534 = tpu.memref_slice %arg8[%parallel_loop3A_401, %parallel_loop3A_532, %parallel_loop3A_533] : memref<4x64x128xf32, #tpu.memory_space<vmem>> -> memref<1x64x128xf32, #tpu.memory_space<vmem>>
      %parallel_loop3A_535 = tpu.memref_squeeze %parallel_loop3A_534 : memref<1x64x128xf32, #tpu.memory_space<vmem>> -> memref<64x128xf32, #tpu.memory_space<vmem>>
      %parallel_loop3A_536 = arith.index_cast %parallel_loop3A_469 : i32 to index
      %parallel_loop3A_537 = arith.constant 48 : index
      %parallel_loop3A_538 = tpu.vector_load %parallel_loop3A_535[%parallel_loop3A_536, %parallel_loop3A_537] {strides = array<i32>} : memref<64x128xf32, #tpu.memory_space<vmem>>, vector<16xf32>,
      %parallel_loop3A_539 = arith.subf %parallel_loop3A_531, %parallel_loop3A_538 : vector<16xf32>
      %parallel_loop3A_540 = arith.mulf %parallel_loop3A_539, %parallel_loop3A_539 : vector<16xf32>
      %parallel_loop3A_541 = arith.addf %parallel_loop3A_473, %parallel_loop3A_540 : vector<16xf32>
      %parallel_loop3A_542 = arith.constant 0 : i32
      %parallel_loop3A_543 = arith.constant 0 : i32
      %parallel_loop3A_544 = tpu.memref_slice %arg7[%parallel_loop3A_400, %parallel_loop3A_542, %parallel_loop3A_543] : memref<4x64x128xf32, #tpu.memory_space<vmem>> -> memref<1x64x128xf32, #tpu.memory_space<vmem>>
      %parallel_loop3A_545 = tpu.memref_squeeze %parallel_loop3A_544 : memref<1x64x128xf32, #tpu.memory_space<vmem>> -> memref<64x128xf32, #tpu.memory_space<vmem>>
      %parallel_loop3A_546 = arith.index_cast %parallel_loop3A_469 : i32 to index
      %parallel_loop3A_547 = arith.constant 64 : index
      %parallel_loop3A_548 = tpu.vector_load %parallel_loop3A_545[%parallel_loop3A_546, %parallel_loop3A_547] {strides = array<i32>} : memref<64x128xf32, #tpu.memory_space<vmem>>, vector<16xf32>,
      %parallel_loop3A_549 = arith.constant 0 : i32
      %parallel_loop3A_550 = arith.constant 0 : i32
      %parallel_loop3A_551 = tpu.memref_slice %arg8[%parallel_loop3A_401, %parallel_loop3A_549, %parallel_loop3A_550] : memref<4x64x128xf32, #tpu.memory_space<vmem>> -> memref<1x64x128xf32, #tpu.memory_space<vmem>>
      %parallel_loop3A_552 = tpu.memref_squeeze %parallel_loop3A_551 : memref<1x64x128xf32, #tpu.memory_space<vmem>> -> memref<64x128xf32, #tpu.memory_space<vmem>>
      %parallel_loop3A_553 = arith.index_cast %parallel_loop3A_469 : i32 to index
      %parallel_loop3A_554 = arith.constant 64 : index
      %parallel_loop3A_555 = tpu.vector_load %parallel_loop3A_552[%parallel_loop3A_553, %parallel_loop3A_554] {strides = array<i32>} : memref<64x128xf32, #tpu.memory_space<vmem>>, vector<16xf32>,
      %parallel_loop3A_556 = arith.subf %parallel_loop3A_548, %parallel_loop3A_555 : vector<16xf32>
      %parallel_loop3A_557 = arith.mulf %parallel_loop3A_556, %parallel_loop3A_556 : vector<16xf32>
      %parallel_loop3A_558 = arith.addf %parallel_loop3A_490, %parallel_loop3A_557 : vector<16xf32>
      %parallel_loop3A_559 = arith.constant 0 : i32
      %parallel_loop3A_560 = arith.constant 0 : i32
      %parallel_loop3A_561 = tpu.memref_slice %arg7[%parallel_loop3A_400, %parallel_loop3A_559, %parallel_loop3A_560] : memref<4x64x128xf32, #tpu.memory_space<vmem>> -> memref<1x64x128xf32, #tpu.memory_space<vmem>>
      %parallel_loop3A_562 = tpu.memref_squeeze %parallel_loop3A_561 : memref<1x64x128xf32, #tpu.memory_space<vmem>> -> memref<64x128xf32, #tpu.memory_space<vmem>>
      %parallel_loop3A_563 = arith.index_cast %parallel_loop3A_469 : i32 to index
      %parallel_loop3A_564 = arith.constant 80 : index
      %parallel_loop3A_565 = tpu.vector_load %parallel_loop3A_562[%parallel_loop3A_563, %parallel_loop3A_564] {strides = array<i32>} : memref<64x128xf32, #tpu.memory_space<vmem>>, vector<16xf32>,
      %parallel_loop3A_566 = arith.constant 0 : i32
      %parallel_loop3A_567 = arith.constant 0 : i32
      %parallel_loop3A_568 = tpu.memref_slice %arg8[%parallel_loop3A_401, %parallel_loop3A_566, %parallel_loop3A_567] : memref<4x64x128xf32, #tpu.memory_space<vmem>> -> memref<1x64x128xf32, #tpu.memory_space<vmem>>
      %parallel_loop3A_569 = tpu.memref_squeeze %parallel_loop3A_568 : memref<1x64x128xf32, #tpu.memory_space<vmem>> -> memref<64x128xf32, #tpu.memory_space<vmem>>
      %parallel_loop3A_570 = arith.index_cast %parallel_loop3A_469 : i32 to index
      %parallel_loop3A_571 = arith.constant 80 : index
      %parallel_loop3A_572 = tpu.vector_load %parallel_loop3A_569[%parallel_loop3A_570, %parallel_loop3A_571] {strides = array<i32>} : memref<64x128xf32, #tpu.memory_space<vmem>>, vector<16xf32>,
      %parallel_loop3A_573 = arith.subf %parallel_loop3A_565, %parallel_loop3A_572 : vector<16xf32>
      %parallel_loop3A_574 = arith.mulf %parallel_loop3A_573, %parallel_loop3A_573 : vector<16xf32>
      %parallel_loop3A_575 = arith.addf %parallel_loop3A_507, %parallel_loop3A_574 : vector<16xf32>
      %parallel_loop3A_576 = arith.constant 0 : i32
      %parallel_loop3A_577 = arith.constant 0 : i32
      %parallel_loop3A_578 = tpu.memref_slice %arg7[%parallel_loop3A_400, %parallel_loop3A_576, %parallel_loop3A_577] : memref<4x64x128xf32, #tpu.memory_space<vmem>> -> memref<1x64x128xf32, #tpu.memory_space<vmem>>
      %parallel_loop3A_579 = tpu.memref_squeeze %parallel_loop3A_578 : memref<1x64x128xf32, #tpu.memory_space<vmem>> -> memref<64x128xf32, #tpu.memory_space<vmem>>
      %parallel_loop3A_580 = arith.index_cast %parallel_loop3A_469 : i32 to index
      %parallel_loop3A_581 = arith.constant 96 : index
      %parallel_loop3A_582 = tpu.vector_load %parallel_loop3A_579[%parallel_loop3A_580, %parallel_loop3A_581] {strides = array<i32>} : memref<64x128xf32, #tpu.memory_space<vmem>>, vector<16xf32>,
      %parallel_loop3A_583 = arith.constant 0 : i32
      %parallel_loop3A_584 = arith.constant 0 : i32
      %parallel_loop3A_585 = tpu.memref_slice %arg8[%parallel_loop3A_401, %parallel_loop3A_583, %parallel_loop3A_584] : memref<4x64x128xf32, #tpu.memory_space<vmem>> -> memref<1x64x128xf32, #tpu.memory_space<vmem>>
      %parallel_loop3A_586 = tpu.memref_squeeze %parallel_loop3A_585 : memref<1x64x128xf32, #tpu.memory_space<vmem>> -> memref<64x128xf32, #tpu.memory_space<vmem>>
      %parallel_loop3A_587 = arith.index_cast %parallel_loop3A_469 : i32 to index
      %parallel_loop3A_588 = arith.constant 96 : index
      %parallel_loop3A_589 = tpu.vector_load %parallel_loop3A_586[%parallel_loop3A_587, %parallel_loop3A_588] {strides = array<i32>} : memref<64x128xf32, #tpu.memory_space<vmem>>, vector<16xf32>,
      %parallel_loop3A_590 = arith.subf %parallel_loop3A_582, %parallel_loop3A_589 : vector<16xf32>
      %parallel_loop3A_591 = arith.mulf %parallel_loop3A_590, %parallel_loop3A_590 : vector<16xf32>
      %parallel_loop3A_592 = arith.addf %parallel_loop3A_524, %parallel_loop3A_591 : vector<16xf32>
      %parallel_loop3A_593 = arith.constant 0 : i32
      %parallel_loop3A_594 = arith.constant 0 : i32
      %parallel_loop3A_595 = tpu.memref_slice %arg7[%parallel_loop3A_400, %parallel_loop3A_593, %parallel_loop3A_594] : memref<4x64x128xf32, #tpu.memory_space<vmem>> -> memref<1x64x128xf32, #tpu.memory_space<vmem>>
      %parallel_loop3A_596 = tpu.memref_squeeze %parallel_loop3A_595 : memref<1x64x128xf32, #tpu.memory_space<vmem>> -> memref<64x128xf32, #tpu.memory_space<vmem>>
      %parallel_loop3A_597 = arith.index_cast %parallel_loop3A_469 : i32 to index
      %parallel_loop3A_598 = arith.constant 112 : index
      %parallel_loop3A_599 = tpu.vector_load %parallel_loop3A_596[%parallel_loop3A_597, %parallel_loop3A_598] {strides = array<i32>} : memref<64x128xf32, #tpu.memory_space<vmem>>, vector<16xf32>,
      %parallel_loop3A_600 = arith.constant 0 : i32
      %parallel_loop3A_601 = arith.constant 0 : i32
      %parallel_loop3A_602 = tpu.memref_slice %arg8[%parallel_loop3A_401, %parallel_loop3A_600, %parallel_loop3A_601] : memref<4x64x128xf32, #tpu.memory_space<vmem>> -> memref<1x64x128xf32, #tpu.memory_space<vmem>>
      %parallel_loop3A_603 = tpu.memref_squeeze %parallel_loop3A_602 : memref<1x64x128xf32, #tpu.memory_space<vmem>> -> memref<64x128xf32, #tpu.memory_space<vmem>>
      %parallel_loop3A_604 = arith.index_cast %parallel_loop3A_469 : i32 to index
      %parallel_loop3A_605 = arith.constant 112 : index
      %parallel_loop3A_606 = tpu.vector_load %parallel_loop3A_603[%parallel_loop3A_604, %parallel_loop3A_605] {strides = array<i32>} : memref<64x128xf32, #tpu.memory_space<vmem>>, vector<16xf32>,
      %parallel_loop3A_607 = arith.subf %parallel_loop3A_599, %parallel_loop3A_606 : vector<16xf32>
      %parallel_loop3A_608 = arith.mulf %parallel_loop3A_607, %parallel_loop3A_607 : vector<16xf32>
      %parallel_loop3A_609 = arith.addf %parallel_loop3A_541, %parallel_loop3A_608 : vector<16xf32>
      scf.yield %parallel_loop3A_558, %parallel_loop3A_575, %parallel_loop3A_592, %parallel_loop3A_609 : vector<16xf32>, vector<16xf32>, vector<16xf32>, vector<16xf32>
    } {sc.loop_unroll_factor = 2 : i64, sc.parallel_access}
    %dma_wait3A_403 = arith.constant 2 : i32
    %dma_wait3A_404 = arith.constant 0 : i32
    %dma_wait3A_405 = arith.constant 0 : i32
    %dma_wait3A_406 = tpu.memref_slice %arg7[%dma_wait3A_403, %dma_wait3A_404, %dma_wait3A_405] : memref<4x64x128xf32, #tpu.memory_space<vmem>> -> memref<1x64x128xf32, #tpu.memory_space<vmem>>
    %dma_wait3A_407 = tpu.memref_squeeze %dma_wait3A_406 : memref<1x64x128xf32, #tpu.memory_space<vmem>> -> memref<64x128xf32, #tpu.memory_space<vmem>>
    %dma_wait3A_408 = arith.constant 0 : i32
    %dma_wait3A_409 = tpu.memref_slice %arg2[%add3A_257, %dma_wait3A_408] : memref<16384x128xf32, #tpu.memory_space<hbm>> -> memref<64x128xf32, #tpu.memory_space<hbm>>
    %dma_wait3A_410 = arith.constant 0 : i32
    %dma_wait3A_411 = arith.constant 0 : i32
    %dma_wait3A_412 = tpu.memref_slice %arg7[%dma_wait3A_403, %dma_wait3A_410, %dma_wait3A_411] : memref<4x64x128xf32, #tpu.memory_space<vmem>> -> memref<1x64x128xf32, #tpu.memory_space<vmem>>
    %dma_wait3A_413 = tpu.memref_squeeze %dma_wait3A_412 : memref<1x64x128xf32, #tpu.memory_space<vmem>> -> memref<64x128xf32, #tpu.memory_space<vmem>>
    %dma_wait3A_414 = arith.constant 0 : i32
    %dma_wait3A_415 = tpu.memref_slice %arg2[%add3A_257, %dma_wait3A_414] : memref<16384x128xf32, #tpu.memory_space<hbm>> -> memref<64x128xf32, #tpu.memory_space<hbm>>
    tpu.wait_dma2 semaphore(%arg12 : memref<!tpu.dma_semaphore, #tpu.memory_space<semaphore_mem>>) src(%dma_wait3A_415 : memref<64x128xf32, #tpu.memory_space<hbm>>) dst(%dma_wait3A_413 : memref<64x128xf32, #tpu.memory_space<vmem>>)
    %dma_wait3A_416 = arith.constant 6 : i32
    %dma_wait3A_417 = arith.constant 2 : i32
    %dma_wait3A_418 = arith.constant 0 : i32
    %dma_wait3A_419 = arith.constant 0 : i32
    %dma_wait3A_420 = tpu.memref_slice %arg8[%dma_wait3A_417, %dma_wait3A_418, %dma_wait3A_419] : memref<4x64x128xf32, #tpu.memory_space<vmem>> -> memref<1x64x128xf32, #tpu.memory_space<vmem>>
    %dma_wait3A_421 = tpu.memref_squeeze %dma_wait3A_420 : memref<1x64x128xf32, #tpu.memory_space<vmem>> -> memref<64x128xf32, #tpu.memory_space<vmem>>
    %dma_wait3A_422 = arith.constant 0 : i32
    %dma_wait3A_423 = tpu.memref_slice %arg6[%dma_wait3A_416, %dma_wait3A_422] : memref<8x64xi32, #tpu.memory_space<vmem>> -> memref<1x64xi32, #tpu.memory_space<vmem>>
    %dma_wait3A_424 = tpu.memref_squeeze %dma_wait3A_423 : memref<1x64xi32, #tpu.memory_space<vmem>> -> memref<64xi32, #tpu.memory_space<vmem>>
    %dma_wait3A_425 = arith.constant 0 : i32
    %dma_wait3A_426 = arith.constant 0 : i32
    %dma_wait3A_427 = tpu.memref_slice %arg4[%dma_wait3A_425, %dma_wait3A_426] : memref<100000x128xf32, #tpu.memory_space<hbm>> -> memref<100000x128xf32, #tpu.memory_space<hbm>>
    tpu.wait_indirect_dma semaphore(%arg16 : memref<!tpu.dma_semaphore, #tpu.memory_space<semaphore_mem>>) src(%dma_wait3A_427 : memref<100000x128xf32, #tpu.memory_space<hbm>>) dst(%dma_wait3A_421 : memref<64x128xf32, #tpu.memory_space<vmem>>)
    %parallel_loop3A_428 = arith.constant 0 : i32
    %parallel_loop3A_429 = arith.constant 64 : i32
    %parallel_loop3A_430 = arith.constant 1 : i32
    %parallel_loop3A_431 = arith.constant 2 : i32
    %parallel_loop3A_432 = arith.constant 2 : i32
    %parallel_loop3A_433:4 = scf.for %parallel_loop3A_469 = %parallel_loop3A_428 to %parallel_loop3A_429 step %parallel_loop3A_430 iter_args(%parallel_loop3A_470 = %parallel_loop3A_402#0, %parallel_loop3A_471 = %parallel_loop3A_402#1, %parallel_loop3A_472 = %parallel_loop3A_402#2, %parallel_loop3A_473 = %parallel_loop3A_402#3) -> (vector<16xf32>, vector<16xf32>, vector<16xf32>, vector<16xf32>)  : i32 {
      %parallel_loop3A_474 = arith.constant 0 : i32
      %parallel_loop3A_475 = arith.constant 0 : i32
      %parallel_loop3A_476 = tpu.memref_slice %arg7[%parallel_loop3A_431, %parallel_loop3A_474, %parallel_loop3A_475] : memref<4x64x128xf32, #tpu.memory_space<vmem>> -> memref<1x64x128xf32, #tpu.memory_space<vmem>>
      %parallel_loop3A_477 = tpu.memref_squeeze %parallel_loop3A_476 : memref<1x64x128xf32, #tpu.memory_space<vmem>> -> memref<64x128xf32, #tpu.memory_space<vmem>>
      %parallel_loop3A_478 = arith.index_cast %parallel_loop3A_469 : i32 to index
      %parallel_loop3A_479 = arith.constant 0 : index
      %parallel_loop3A_480 = tpu.vector_load %parallel_loop3A_477[%parallel_loop3A_478, %parallel_loop3A_479] {strides = array<i32>} : memref<64x128xf32, #tpu.memory_space<vmem>>, vector<16xf32>,
      %parallel_loop3A_481 = arith.constant 0 : i32
      %parallel_loop3A_482 = arith.constant 0 : i32
      %parallel_loop3A_483 = tpu.memref_slice %arg8[%parallel_loop3A_432, %parallel_loop3A_481, %parallel_loop3A_482] : memref<4x64x128xf32, #tpu.memory_space<vmem>> -> memref<1x64x128xf32, #tpu.memory_space<vmem>>
      %parallel_loop3A_484 = tpu.memref_squeeze %parallel_loop3A_483 : memref<1x64x128xf32, #tpu.memory_space<vmem>> -> memref<64x128xf32, #tpu.memory_space<vmem>>
      %parallel_loop3A_485 = arith.index_cast %parallel_loop3A_469 : i32 to index
      %parallel_loop3A_486 = arith.constant 0 : index
      %parallel_loop3A_487 = tpu.vector_load %parallel_loop3A_484[%parallel_loop3A_485, %parallel_loop3A_486] {strides = array<i32>} : memref<64x128xf32, #tpu.memory_space<vmem>>, vector<16xf32>,
      %parallel_loop3A_488 = arith.subf %parallel_loop3A_480, %parallel_loop3A_487 : vector<16xf32>
      %parallel_loop3A_489 = arith.mulf %parallel_loop3A_488, %parallel_loop3A_488 : vector<16xf32>
      %parallel_loop3A_490 = arith.addf %parallel_loop3A_470, %parallel_loop3A_489 : vector<16xf32>
      %parallel_loop3A_491 = arith.constant 0 : i32
      %parallel_loop3A_492 = arith.constant 0 : i32
      %parallel_loop3A_493 = tpu.memref_slice %arg7[%parallel_loop3A_431, %parallel_loop3A_491, %parallel_loop3A_492] : memref<4x64x128xf32, #tpu.memory_space<vmem>> -> memref<1x64x128xf32, #tpu.memory_space<vmem>>
      %parallel_loop3A_494 = tpu.memref_squeeze %parallel_loop3A_493 : memref<1x64x128xf32, #tpu.memory_space<vmem>> -> memref<64x128xf32, #tpu.memory_space<vmem>>
      %parallel_loop3A_495 = arith.index_cast %parallel_loop3A_469 : i32 to index
      %parallel_loop3A_496 = arith.constant 16 : index
      %parallel_loop3A_497 = tpu.vector_load %parallel_loop3A_494[%parallel_loop3A_495, %parallel_loop3A_496] {strides = array<i32>} : memref<64x128xf32, #tpu.memory_space<vmem>>, vector<16xf32>,
      %parallel_loop3A_498 = arith.constant 0 : i32
      %parallel_loop3A_499 = arith.constant 0 : i32
      %parallel_loop3A_500 = tpu.memref_slice %arg8[%parallel_loop3A_432, %parallel_loop3A_498, %parallel_loop3A_499] : memref<4x64x128xf32, #tpu.memory_space<vmem>> -> memref<1x64x128xf32, #tpu.memory_space<vmem>>
      %parallel_loop3A_501 = tpu.memref_squeeze %parallel_loop3A_500 : memref<1x64x128xf32, #tpu.memory_space<vmem>> -> memref<64x128xf32, #tpu.memory_space<vmem>>
      %parallel_loop3A_502 = arith.index_cast %parallel_loop3A_469 : i32 to index
      %parallel_loop3A_503 = arith.constant 16 : index
      %parallel_loop3A_504 = tpu.vector_load %parallel_loop3A_501[%parallel_loop3A_502, %parallel_loop3A_503] {strides = array<i32>} : memref<64x128xf32, #tpu.memory_space<vmem>>, vector<16xf32>,
      %parallel_loop3A_505 = arith.subf %parallel_loop3A_497, %parallel_loop3A_504 : vector<16xf32>
      %parallel_loop3A_506 = arith.mulf %parallel_loop3A_505, %parallel_loop3A_505 : vector<16xf32>
      %parallel_loop3A_507 = arith.addf %parallel_loop3A_471, %parallel_loop3A_506 : vector<16xf32>
      %parallel_loop3A_508 = arith.constant 0 : i32
      %parallel_loop3A_509 = arith.constant 0 : i32
      %parallel_loop3A_510 = tpu.memref_slice %arg7[%parallel_loop3A_431, %parallel_loop3A_508, %parallel_loop3A_509] : memref<4x64x128xf32, #tpu.memory_space<vmem>> -> memref<1x64x128xf32, #tpu.memory_space<vmem>>
      %parallel_loop3A_511 = tpu.memref_squeeze %parallel_loop3A_510 : memref<1x64x128xf32, #tpu.memory_space<vmem>> -> memref<64x128xf32, #tpu.memory_space<vmem>>
      %parallel_loop3A_512 = arith.index_cast %parallel_loop3A_469 : i32 to index
      %parallel_loop3A_513 = arith.constant 32 : index
      %parallel_loop3A_514 = tpu.vector_load %parallel_loop3A_511[%parallel_loop3A_512, %parallel_loop3A_513] {strides = array<i32>} : memref<64x128xf32, #tpu.memory_space<vmem>>, vector<16xf32>,
      %parallel_loop3A_515 = arith.constant 0 : i32
      %parallel_loop3A_516 = arith.constant 0 : i32
      %parallel_loop3A_517 = tpu.memref_slice %arg8[%parallel_loop3A_432, %parallel_loop3A_515, %parallel_loop3A_516] : memref<4x64x128xf32, #tpu.memory_space<vmem>> -> memref<1x64x128xf32, #tpu.memory_space<vmem>>
      %parallel_loop3A_518 = tpu.memref_squeeze %parallel_loop3A_517 : memref<1x64x128xf32, #tpu.memory_space<vmem>> -> memref<64x128xf32, #tpu.memory_space<vmem>>
      %parallel_loop3A_519 = arith.index_cast %parallel_loop3A_469 : i32 to index
      %parallel_loop3A_520 = arith.constant 32 : index
      %parallel_loop3A_521 = tpu.vector_load %parallel_loop3A_518[%parallel_loop3A_519, %parallel_loop3A_520] {strides = array<i32>} : memref<64x128xf32, #tpu.memory_space<vmem>>, vector<16xf32>,
      %parallel_loop3A_522 = arith.subf %parallel_loop3A_514, %parallel_loop3A_521 : vector<16xf32>
      %parallel_loop3A_523 = arith.mulf %parallel_loop3A_522, %parallel_loop3A_522 : vector<16xf32>
      %parallel_loop3A_524 = arith.addf %parallel_loop3A_472, %parallel_loop3A_523 : vector<16xf32>
      %parallel_loop3A_525 = arith.constant 0 : i32
      %parallel_loop3A_526 = arith.constant 0 : i32
      %parallel_loop3A_527 = tpu.memref_slice %arg7[%parallel_loop3A_431, %parallel_loop3A_525, %parallel_loop3A_526] : memref<4x64x128xf32, #tpu.memory_space<vmem>> -> memref<1x64x128xf32, #tpu.memory_space<vmem>>
      %parallel_loop3A_528 = tpu.memref_squeeze %parallel_loop3A_527 : memref<1x64x128xf32, #tpu.memory_space<vmem>> -> memref<64x128xf32, #tpu.memory_space<vmem>>
      %parallel_loop3A_529 = arith.index_cast %parallel_loop3A_469 : i32 to index
      %parallel_loop3A_530 = arith.constant 48 : index
      %parallel_loop3A_531 = tpu.vector_load %parallel_loop3A_528[%parallel_loop3A_529, %parallel_loop3A_530] {strides = array<i32>} : memref<64x128xf32, #tpu.memory_space<vmem>>, vector<16xf32>,
      %parallel_loop3A_532 = arith.constant 0 : i32
      %parallel_loop3A_533 = arith.constant 0 : i32
      %parallel_loop3A_534 = tpu.memref_slice %arg8[%parallel_loop3A_432, %parallel_loop3A_532, %parallel_loop3A_533] : memref<4x64x128xf32, #tpu.memory_space<vmem>> -> memref<1x64x128xf32, #tpu.memory_space<vmem>>
      %parallel_loop3A_535 = tpu.memref_squeeze %parallel_loop3A_534 : memref<1x64x128xf32, #tpu.memory_space<vmem>> -> memref<64x128xf32, #tpu.memory_space<vmem>>
      %parallel_loop3A_536 = arith.index_cast %parallel_loop3A_469 : i32 to index
      %parallel_loop3A_537 = arith.constant 48 : index
      %parallel_loop3A_538 = tpu.vector_load %parallel_loop3A_535[%parallel_loop3A_536, %parallel_loop3A_537] {strides = array<i32>} : memref<64x128xf32, #tpu.memory_space<vmem>>, vector<16xf32>,
      %parallel_loop3A_539 = arith.subf %parallel_loop3A_531, %parallel_loop3A_538 : vector<16xf32>
      %parallel_loop3A_540 = arith.mulf %parallel_loop3A_539, %parallel_loop3A_539 : vector<16xf32>
      %parallel_loop3A_541 = arith.addf %parallel_loop3A_473, %parallel_loop3A_540 : vector<16xf32>
      %parallel_loop3A_542 = arith.constant 0 : i32
      %parallel_loop3A_543 = arith.constant 0 : i32
      %parallel_loop3A_544 = tpu.memref_slice %arg7[%parallel_loop3A_431, %parallel_loop3A_542, %parallel_loop3A_543] : memref<4x64x128xf32, #tpu.memory_space<vmem>> -> memref<1x64x128xf32, #tpu.memory_space<vmem>>
      %parallel_loop3A_545 = tpu.memref_squeeze %parallel_loop3A_544 : memref<1x64x128xf32, #tpu.memory_space<vmem>> -> memref<64x128xf32, #tpu.memory_space<vmem>>
      %parallel_loop3A_546 = arith.index_cast %parallel_loop3A_469 : i32 to index
      %parallel_loop3A_547 = arith.constant 64 : index
      %parallel_loop3A_548 = tpu.vector_load %parallel_loop3A_545[%parallel_loop3A_546, %parallel_loop3A_547] {strides = array<i32>} : memref<64x128xf32, #tpu.memory_space<vmem>>, vector<16xf32>,
      %parallel_loop3A_549 = arith.constant 0 : i32
      %parallel_loop3A_550 = arith.constant 0 : i32
      %parallel_loop3A_551 = tpu.memref_slice %arg8[%parallel_loop3A_432, %parallel_loop3A_549, %parallel_loop3A_550] : memref<4x64x128xf32, #tpu.memory_space<vmem>> -> memref<1x64x128xf32, #tpu.memory_space<vmem>>
      %parallel_loop3A_552 = tpu.memref_squeeze %parallel_loop3A_551 : memref<1x64x128xf32, #tpu.memory_space<vmem>> -> memref<64x128xf32, #tpu.memory_space<vmem>>
      %parallel_loop3A_553 = arith.index_cast %parallel_loop3A_469 : i32 to index
      %parallel_loop3A_554 = arith.constant 64 : index
      %parallel_loop3A_555 = tpu.vector_load %parallel_loop3A_552[%parallel_loop3A_553, %parallel_loop3A_554] {strides = array<i32>} : memref<64x128xf32, #tpu.memory_space<vmem>>, vector<16xf32>,
      %parallel_loop3A_556 = arith.subf %parallel_loop3A_548, %parallel_loop3A_555 : vector<16xf32>
      %parallel_loop3A_557 = arith.mulf %parallel_loop3A_556, %parallel_loop3A_556 : vector<16xf32>
      %parallel_loop3A_558 = arith.addf %parallel_loop3A_490, %parallel_loop3A_557 : vector<16xf32>
      %parallel_loop3A_559 = arith.constant 0 : i32
      %parallel_loop3A_560 = arith.constant 0 : i32
      %parallel_loop3A_561 = tpu.memref_slice %arg7[%parallel_loop3A_431, %parallel_loop3A_559, %parallel_loop3A_560] : memref<4x64x128xf32, #tpu.memory_space<vmem>> -> memref<1x64x128xf32, #tpu.memory_space<vmem>>
      %parallel_loop3A_562 = tpu.memref_squeeze %parallel_loop3A_561 : memref<1x64x128xf32, #tpu.memory_space<vmem>> -> memref<64x128xf32, #tpu.memory_space<vmem>>
      %parallel_loop3A_563 = arith.index_cast %parallel_loop3A_469 : i32 to index
      %parallel_loop3A_564 = arith.constant 80 : index
      %parallel_loop3A_565 = tpu.vector_load %parallel_loop3A_562[%parallel_loop3A_563, %parallel_loop3A_564] {strides = array<i32>} : memref<64x128xf32, #tpu.memory_space<vmem>>, vector<16xf32>,
      %parallel_loop3A_566 = arith.constant 0 : i32
      %parallel_loop3A_567 = arith.constant 0 : i32
      %parallel_loop3A_568 = tpu.memref_slice %arg8[%parallel_loop3A_432, %parallel_loop3A_566, %parallel_loop3A_567] : memref<4x64x128xf32, #tpu.memory_space<vmem>> -> memref<1x64x128xf32, #tpu.memory_space<vmem>>
      %parallel_loop3A_569 = tpu.memref_squeeze %parallel_loop3A_568 : memref<1x64x128xf32, #tpu.memory_space<vmem>> -> memref<64x128xf32, #tpu.memory_space<vmem>>
      %parallel_loop3A_570 = arith.index_cast %parallel_loop3A_469 : i32 to index
      %parallel_loop3A_571 = arith.constant 80 : index
      %parallel_loop3A_572 = tpu.vector_load %parallel_loop3A_569[%parallel_loop3A_570, %parallel_loop3A_571] {strides = array<i32>} : memref<64x128xf32, #tpu.memory_space<vmem>>, vector<16xf32>,
      %parallel_loop3A_573 = arith.subf %parallel_loop3A_565, %parallel_loop3A_572 : vector<16xf32>
      %parallel_loop3A_574 = arith.mulf %parallel_loop3A_573, %parallel_loop3A_573 : vector<16xf32>
      %parallel_loop3A_575 = arith.addf %parallel_loop3A_507, %parallel_loop3A_574 : vector<16xf32>
      %parallel_loop3A_576 = arith.constant 0 : i32
      %parallel_loop3A_577 = arith.constant 0 : i32
      %parallel_loop3A_578 = tpu.memref_slice %arg7[%parallel_loop3A_431, %parallel_loop3A_576, %parallel_loop3A_577] : memref<4x64x128xf32, #tpu.memory_space<vmem>> -> memref<1x64x128xf32, #tpu.memory_space<vmem>>
      %parallel_loop3A_579 = tpu.memref_squeeze %parallel_loop3A_578 : memref<1x64x128xf32, #tpu.memory_space<vmem>> -> memref<64x128xf32, #tpu.memory_space<vmem>>
      %parallel_loop3A_580 = arith.index_cast %parallel_loop3A_469 : i32 to index
      %parallel_loop3A_581 = arith.constant 96 : index
      %parallel_loop3A_582 = tpu.vector_load %parallel_loop3A_579[%parallel_loop3A_580, %parallel_loop3A_581] {strides = array<i32>} : memref<64x128xf32, #tpu.memory_space<vmem>>, vector<16xf32>,
      %parallel_loop3A_583 = arith.constant 0 : i32
      %parallel_loop3A_584 = arith.constant 0 : i32
      %parallel_loop3A_585 = tpu.memref_slice %arg8[%parallel_loop3A_432, %parallel_loop3A_583, %parallel_loop3A_584] : memref<4x64x128xf32, #tpu.memory_space<vmem>> -> memref<1x64x128xf32, #tpu.memory_space<vmem>>
      %parallel_loop3A_586 = tpu.memref_squeeze %parallel_loop3A_585 : memref<1x64x128xf32, #tpu.memory_space<vmem>> -> memref<64x128xf32, #tpu.memory_space<vmem>>
      %parallel_loop3A_587 = arith.index_cast %parallel_loop3A_469 : i32 to index
      %parallel_loop3A_588 = arith.constant 96 : index
      %parallel_loop3A_589 = tpu.vector_load %parallel_loop3A_586[%parallel_loop3A_587, %parallel_loop3A_588] {strides = array<i32>} : memref<64x128xf32, #tpu.memory_space<vmem>>, vector<16xf32>,
      %parallel_loop3A_590 = arith.subf %parallel_loop3A_582, %parallel_loop3A_589 : vector<16xf32>
      %parallel_loop3A_591 = arith.mulf %parallel_loop3A_590, %parallel_loop3A_590 : vector<16xf32>
      %parallel_loop3A_592 = arith.addf %parallel_loop3A_524, %parallel_loop3A_591 : vector<16xf32>
      %parallel_loop3A_593 = arith.constant 0 : i32
      %parallel_loop3A_594 = arith.constant 0 : i32
      %parallel_loop3A_595 = tpu.memref_slice %arg7[%parallel_loop3A_431, %parallel_loop3A_593, %parallel_loop3A_594] : memref<4x64x128xf32, #tpu.memory_space<vmem>> -> memref<1x64x128xf32, #tpu.memory_space<vmem>>
      %parallel_loop3A_596 = tpu.memref_squeeze %parallel_loop3A_595 : memref<1x64x128xf32, #tpu.memory_space<vmem>> -> memref<64x128xf32, #tpu.memory_space<vmem>>
      %parallel_loop3A_597 = arith.index_cast %parallel_loop3A_469 : i32 to index
      %parallel_loop3A_598 = arith.constant 112 : index
      %parallel_loop3A_599 = tpu.vector_load %parallel_loop3A_596[%parallel_loop3A_597, %parallel_loop3A_598] {strides = array<i32>} : memref<64x128xf32, #tpu.memory_space<vmem>>, vector<16xf32>,
      %parallel_loop3A_600 = arith.constant 0 : i32
      %parallel_loop3A_601 = arith.constant 0 : i32
      %parallel_loop3A_602 = tpu.memref_slice %arg8[%parallel_loop3A_432, %parallel_loop3A_600, %parallel_loop3A_601] : memref<4x64x128xf32, #tpu.memory_space<vmem>> -> memref<1x64x128xf32, #tpu.memory_space<vmem>>
      %parallel_loop3A_603 = tpu.memref_squeeze %parallel_loop3A_602 : memref<1x64x128xf32, #tpu.memory_space<vmem>> -> memref<64x128xf32, #tpu.memory_space<vmem>>
      %parallel_loop3A_604 = arith.index_cast %parallel_loop3A_469 : i32 to index
      %parallel_loop3A_605 = arith.constant 112 : index
      %parallel_loop3A_606 = tpu.vector_load %parallel_loop3A_603[%parallel_loop3A_604, %parallel_loop3A_605] {strides = array<i32>} : memref<64x128xf32, #tpu.memory_space<vmem>>, vector<16xf32>,
      %parallel_loop3A_607 = arith.subf %parallel_loop3A_599, %parallel_loop3A_606 : vector<16xf32>
      %parallel_loop3A_608 = arith.mulf %parallel_loop3A_607, %parallel_loop3A_607 : vector<16xf32>
      %parallel_loop3A_609 = arith.addf %parallel_loop3A_541, %parallel_loop3A_608 : vector<16xf32>
      scf.yield %parallel_loop3A_558, %parallel_loop3A_575, %parallel_loop3A_592, %parallel_loop3A_609 : vector<16xf32>, vector<16xf32>, vector<16xf32>, vector<16xf32>
    } {sc.loop_unroll_factor = 2 : i64, sc.parallel_access}
    %dma_wait3A_434 = arith.constant 3 : i32
    %dma_wait3A_435 = arith.constant 0 : i32
    %dma_wait3A_436 = arith.constant 0 : i32
    %dma_wait3A_437 = tpu.memref_slice %arg7[%dma_wait3A_434, %dma_wait3A_435, %dma_wait3A_436] : memref<4x64x128xf32, #tpu.memory_space<vmem>> -> memref<1x64x128xf32, #tpu.memory_space<vmem>>
    %dma_wait3A_438 = tpu.memref_squeeze %dma_wait3A_437 : memref<1x64x128xf32, #tpu.memory_space<vmem>> -> memref<64x128xf32, #tpu.memory_space<vmem>>
    %dma_wait3A_439 = arith.constant 0 : i32
    %dma_wait3A_440 = tpu.memref_slice %arg2[%add3A_315, %dma_wait3A_439] : memref<16384x128xf32, #tpu.memory_space<hbm>> -> memref<64x128xf32, #tpu.memory_space<hbm>>
    %dma_wait3A_441 = arith.constant 0 : i32
    %dma_wait3A_442 = arith.constant 0 : i32
    %dma_wait3A_443 = tpu.memref_slice %arg7[%dma_wait3A_434, %dma_wait3A_441, %dma_wait3A_442] : memref<4x64x128xf32, #tpu.memory_space<vmem>> -> memref<1x64x128xf32, #tpu.memory_space<vmem>>
    %dma_wait3A_444 = tpu.memref_squeeze %dma_wait3A_443 : memref<1x64x128xf32, #tpu.memory_space<vmem>> -> memref<64x128xf32, #tpu.memory_space<vmem>>
    %dma_wait3A_445 = arith.constant 0 : i32
    %dma_wait3A_446 = tpu.memref_slice %arg2[%add3A_315, %dma_wait3A_445] : memref<16384x128xf32, #tpu.memory_space<hbm>> -> memref<64x128xf32, #tpu.memory_space<hbm>>
    tpu.wait_dma2 semaphore(%arg13 : memref<!tpu.dma_semaphore, #tpu.memory_space<semaphore_mem>>) src(%dma_wait3A_446 : memref<64x128xf32, #tpu.memory_space<hbm>>) dst(%dma_wait3A_444 : memref<64x128xf32, #tpu.memory_space<vmem>>)
    %dma_wait3A_447 = arith.constant 7 : i32
    %dma_wait3A_448 = arith.constant 3 : i32
    %dma_wait3A_449 = arith.constant 0 : i32
    %dma_wait3A_450 = arith.constant 0 : i32
    %dma_wait3A_451 = tpu.memref_slice %arg8[%dma_wait3A_448, %dma_wait3A_449, %dma_wait3A_450] : memref<4x64x128xf32, #tpu.memory_space<vmem>> -> memref<1x64x128xf32, #tpu.memory_space<vmem>>
    %dma_wait3A_452 = tpu.memref_squeeze %dma_wait3A_451 : memref<1x64x128xf32, #tpu.memory_space<vmem>> -> memref<64x128xf32, #tpu.memory_space<vmem>>
    %dma_wait3A_453 = arith.constant 0 : i32
    %dma_wait3A_454 = tpu.memref_slice %arg6[%dma_wait3A_447, %dma_wait3A_453] : memref<8x64xi32, #tpu.memory_space<vmem>> -> memref<1x64xi32, #tpu.memory_space<vmem>>
    %dma_wait3A_455 = tpu.memref_squeeze %dma_wait3A_454 : memref<1x64xi32, #tpu.memory_space<vmem>> -> memref<64xi32, #tpu.memory_space<vmem>>
    %dma_wait3A_456 = arith.constant 0 : i32
    %dma_wait3A_457 = arith.constant 0 : i32
    %dma_wait3A_458 = tpu.memref_slice %arg4[%dma_wait3A_456, %dma_wait3A_457] : memref<100000x128xf32, #tpu.memory_space<hbm>> -> memref<100000x128xf32, #tpu.memory_space<hbm>>
    tpu.wait_indirect_dma semaphore(%arg17 : memref<!tpu.dma_semaphore, #tpu.memory_space<semaphore_mem>>) src(%dma_wait3A_458 : memref<100000x128xf32, #tpu.memory_space<hbm>>) dst(%dma_wait3A_452 : memref<64x128xf32, #tpu.memory_space<vmem>>)
    %parallel_loop3A_459 = arith.constant 0 : i32
    %parallel_loop3A_460 = arith.constant 64 : i32
    %parallel_loop3A_461 = arith.constant 1 : i32
    %parallel_loop3A_462 = arith.constant 3 : i32
    %parallel_loop3A_463 = arith.constant 3 : i32
    %parallel_loop3A_464:4 = scf.for %parallel_loop3A_469 = %parallel_loop3A_459 to %parallel_loop3A_460 step %parallel_loop3A_461 iter_args(%parallel_loop3A_470 = %parallel_loop3A_433#0, %parallel_loop3A_471 = %parallel_loop3A_433#1, %parallel_loop3A_472 = %parallel_loop3A_433#2, %parallel_loop3A_473 = %parallel_loop3A_433#3) -> (vector<16xf32>, vector<16xf32>, vector<16xf32>, vector<16xf32>)  : i32 {
      %parallel_loop3A_474 = arith.constant 0 : i32
      %parallel_loop3A_475 = arith.constant 0 : i32
      %parallel_loop3A_476 = tpu.memref_slice %arg7[%parallel_loop3A_462, %parallel_loop3A_474, %parallel_loop3A_475] : memref<4x64x128xf32, #tpu.memory_space<vmem>> -> memref<1x64x128xf32, #tpu.memory_space<vmem>>
      %parallel_loop3A_477 = tpu.memref_squeeze %parallel_loop3A_476 : memref<1x64x128xf32, #tpu.memory_space<vmem>> -> memref<64x128xf32, #tpu.memory_space<vmem>>
      %parallel_loop3A_478 = arith.index_cast %parallel_loop3A_469 : i32 to index
      %parallel_loop3A_479 = arith.constant 0 : index
      %parallel_loop3A_480 = tpu.vector_load %parallel_loop3A_477[%parallel_loop3A_478, %parallel_loop3A_479] {strides = array<i32>} : memref<64x128xf32, #tpu.memory_space<vmem>>, vector<16xf32>,
      %parallel_loop3A_481 = arith.constant 0 : i32
      %parallel_loop3A_482 = arith.constant 0 : i32
      %parallel_loop3A_483 = tpu.memref_slice %arg8[%parallel_loop3A_463, %parallel_loop3A_481, %parallel_loop3A_482] : memref<4x64x128xf32, #tpu.memory_space<vmem>> -> memref<1x64x128xf32, #tpu.memory_space<vmem>>
      %parallel_loop3A_484 = tpu.memref_squeeze %parallel_loop3A_483 : memref<1x64x128xf32, #tpu.memory_space<vmem>> -> memref<64x128xf32, #tpu.memory_space<vmem>>
      %parallel_loop3A_485 = arith.index_cast %parallel_loop3A_469 : i32 to index
      %parallel_loop3A_486 = arith.constant 0 : index
      %parallel_loop3A_487 = tpu.vector_load %parallel_loop3A_484[%parallel_loop3A_485, %parallel_loop3A_486] {strides = array<i32>} : memref<64x128xf32, #tpu.memory_space<vmem>>, vector<16xf32>,
      %parallel_loop3A_488 = arith.subf %parallel_loop3A_480, %parallel_loop3A_487 : vector<16xf32>
      %parallel_loop3A_489 = arith.mulf %parallel_loop3A_488, %parallel_loop3A_488 : vector<16xf32>
      %parallel_loop3A_490 = arith.addf %parallel_loop3A_470, %parallel_loop3A_489 : vector<16xf32>
      %parallel_loop3A_491 = arith.constant 0 : i32
      %parallel_loop3A_492 = arith.constant 0 : i32
      %parallel_loop3A_493 = tpu.memref_slice %arg7[%parallel_loop3A_462, %parallel_loop3A_491, %parallel_loop3A_492] : memref<4x64x128xf32, #tpu.memory_space<vmem>> -> memref<1x64x128xf32, #tpu.memory_space<vmem>>
      %parallel_loop3A_494 = tpu.memref_squeeze %parallel_loop3A_493 : memref<1x64x128xf32, #tpu.memory_space<vmem>> -> memref<64x128xf32, #tpu.memory_space<vmem>>
      %parallel_loop3A_495 = arith.index_cast %parallel_loop3A_469 : i32 to index
      %parallel_loop3A_496 = arith.constant 16 : index
      %parallel_loop3A_497 = tpu.vector_load %parallel_loop3A_494[%parallel_loop3A_495, %parallel_loop3A_496] {strides = array<i32>} : memref<64x128xf32, #tpu.memory_space<vmem>>, vector<16xf32>,
      %parallel_loop3A_498 = arith.constant 0 : i32
      %parallel_loop3A_499 = arith.constant 0 : i32
      %parallel_loop3A_500 = tpu.memref_slice %arg8[%parallel_loop3A_463, %parallel_loop3A_498, %parallel_loop3A_499] : memref<4x64x128xf32, #tpu.memory_space<vmem>> -> memref<1x64x128xf32, #tpu.memory_space<vmem>>
      %parallel_loop3A_501 = tpu.memref_squeeze %parallel_loop3A_500 : memref<1x64x128xf32, #tpu.memory_space<vmem>> -> memref<64x128xf32, #tpu.memory_space<vmem>>
      %parallel_loop3A_502 = arith.index_cast %parallel_loop3A_469 : i32 to index
      %parallel_loop3A_503 = arith.constant 16 : index
      %parallel_loop3A_504 = tpu.vector_load %parallel_loop3A_501[%parallel_loop3A_502, %parallel_loop3A_503] {strides = array<i32>} : memref<64x128xf32, #tpu.memory_space<vmem>>, vector<16xf32>,
      %parallel_loop3A_505 = arith.subf %parallel_loop3A_497, %parallel_loop3A_504 : vector<16xf32>
      %parallel_loop3A_506 = arith.mulf %parallel_loop3A_505, %parallel_loop3A_505 : vector<16xf32>
      %parallel_loop3A_507 = arith.addf %parallel_loop3A_471, %parallel_loop3A_506 : vector<16xf32>
      %parallel_loop3A_508 = arith.constant 0 : i32
      %parallel_loop3A_509 = arith.constant 0 : i32
      %parallel_loop3A_510 = tpu.memref_slice %arg7[%parallel_loop3A_462, %parallel_loop3A_508, %parallel_loop3A_509] : memref<4x64x128xf32, #tpu.memory_space<vmem>> -> memref<1x64x128xf32, #tpu.memory_space<vmem>>
      %parallel_loop3A_511 = tpu.memref_squeeze %parallel_loop3A_510 : memref<1x64x128xf32, #tpu.memory_space<vmem>> -> memref<64x128xf32, #tpu.memory_space<vmem>>
      %parallel_loop3A_512 = arith.index_cast %parallel_loop3A_469 : i32 to index
      %parallel_loop3A_513 = arith.constant 32 : index
      %parallel_loop3A_514 = tpu.vector_load %parallel_loop3A_511[%parallel_loop3A_512, %parallel_loop3A_513] {strides = array<i32>} : memref<64x128xf32, #tpu.memory_space<vmem>>, vector<16xf32>,
      %parallel_loop3A_515 = arith.constant 0 : i32
      %parallel_loop3A_516 = arith.constant 0 : i32
      %parallel_loop3A_517 = tpu.memref_slice %arg8[%parallel_loop3A_463, %parallel_loop3A_515, %parallel_loop3A_516] : memref<4x64x128xf32, #tpu.memory_space<vmem>> -> memref<1x64x128xf32, #tpu.memory_space<vmem>>
      %parallel_loop3A_518 = tpu.memref_squeeze %parallel_loop3A_517 : memref<1x64x128xf32, #tpu.memory_space<vmem>> -> memref<64x128xf32, #tpu.memory_space<vmem>>
      %parallel_loop3A_519 = arith.index_cast %parallel_loop3A_469 : i32 to index
      %parallel_loop3A_520 = arith.constant 32 : index
      %parallel_loop3A_521 = tpu.vector_load %parallel_loop3A_518[%parallel_loop3A_519, %parallel_loop3A_520] {strides = array<i32>} : memref<64x128xf32, #tpu.memory_space<vmem>>, vector<16xf32>,
      %parallel_loop3A_522 = arith.subf %parallel_loop3A_514, %parallel_loop3A_521 : vector<16xf32>
      %parallel_loop3A_523 = arith.mulf %parallel_loop3A_522, %parallel_loop3A_522 : vector<16xf32>
      %parallel_loop3A_524 = arith.addf %parallel_loop3A_472, %parallel_loop3A_523 : vector<16xf32>
      %parallel_loop3A_525 = arith.constant 0 : i32
      %parallel_loop3A_526 = arith.constant 0 : i32
      %parallel_loop3A_527 = tpu.memref_slice %arg7[%parallel_loop3A_462, %parallel_loop3A_525, %parallel_loop3A_526] : memref<4x64x128xf32, #tpu.memory_space<vmem>> -> memref<1x64x128xf32, #tpu.memory_space<vmem>>
      %parallel_loop3A_528 = tpu.memref_squeeze %parallel_loop3A_527 : memref<1x64x128xf32, #tpu.memory_space<vmem>> -> memref<64x128xf32, #tpu.memory_space<vmem>>
      %parallel_loop3A_529 = arith.index_cast %parallel_loop3A_469 : i32 to index
      %parallel_loop3A_530 = arith.constant 48 : index
      %parallel_loop3A_531 = tpu.vector_load %parallel_loop3A_528[%parallel_loop3A_529, %parallel_loop3A_530] {strides = array<i32>} : memref<64x128xf32, #tpu.memory_space<vmem>>, vector<16xf32>,
      %parallel_loop3A_532 = arith.constant 0 : i32
      %parallel_loop3A_533 = arith.constant 0 : i32
      %parallel_loop3A_534 = tpu.memref_slice %arg8[%parallel_loop3A_463, %parallel_loop3A_532, %parallel_loop3A_533] : memref<4x64x128xf32, #tpu.memory_space<vmem>> -> memref<1x64x128xf32, #tpu.memory_space<vmem>>
      %parallel_loop3A_535 = tpu.memref_squeeze %parallel_loop3A_534 : memref<1x64x128xf32, #tpu.memory_space<vmem>> -> memref<64x128xf32, #tpu.memory_space<vmem>>
      %parallel_loop3A_536 = arith.index_cast %parallel_loop3A_469 : i32 to index
      %parallel_loop3A_537 = arith.constant 48 : index
      %parallel_loop3A_538 = tpu.vector_load %parallel_loop3A_535[%parallel_loop3A_536, %parallel_loop3A_537] {strides = array<i32>} : memref<64x128xf32, #tpu.memory_space<vmem>>, vector<16xf32>,
      %parallel_loop3A_539 = arith.subf %parallel_loop3A_531, %parallel_loop3A_538 : vector<16xf32>
      %parallel_loop3A_540 = arith.mulf %parallel_loop3A_539, %parallel_loop3A_539 : vector<16xf32>
      %parallel_loop3A_541 = arith.addf %parallel_loop3A_473, %parallel_loop3A_540 : vector<16xf32>
      %parallel_loop3A_542 = arith.constant 0 : i32
      %parallel_loop3A_543 = arith.constant 0 : i32
      %parallel_loop3A_544 = tpu.memref_slice %arg7[%parallel_loop3A_462, %parallel_loop3A_542, %parallel_loop3A_543] : memref<4x64x128xf32, #tpu.memory_space<vmem>> -> memref<1x64x128xf32, #tpu.memory_space<vmem>>
      %parallel_loop3A_545 = tpu.memref_squeeze %parallel_loop3A_544 : memref<1x64x128xf32, #tpu.memory_space<vmem>> -> memref<64x128xf32, #tpu.memory_space<vmem>>
      %parallel_loop3A_546 = arith.index_cast %parallel_loop3A_469 : i32 to index
      %parallel_loop3A_547 = arith.constant 64 : index
      %parallel_loop3A_548 = tpu.vector_load %parallel_loop3A_545[%parallel_loop3A_546, %parallel_loop3A_547] {strides = array<i32>} : memref<64x128xf32, #tpu.memory_space<vmem>>, vector<16xf32>,
      %parallel_loop3A_549 = arith.constant 0 : i32
      %parallel_loop3A_550 = arith.constant 0 : i32
      %parallel_loop3A_551 = tpu.memref_slice %arg8[%parallel_loop3A_463, %parallel_loop3A_549, %parallel_loop3A_550] : memref<4x64x128xf32, #tpu.memory_space<vmem>> -> memref<1x64x128xf32, #tpu.memory_space<vmem>>
      %parallel_loop3A_552 = tpu.memref_squeeze %parallel_loop3A_551 : memref<1x64x128xf32, #tpu.memory_space<vmem>> -> memref<64x128xf32, #tpu.memory_space<vmem>>
      %parallel_loop3A_553 = arith.index_cast %parallel_loop3A_469 : i32 to index
      %parallel_loop3A_554 = arith.constant 64 : index
      %parallel_loop3A_555 = tpu.vector_load %parallel_loop3A_552[%parallel_loop3A_553, %parallel_loop3A_554] {strides = array<i32>} : memref<64x128xf32, #tpu.memory_space<vmem>>, vector<16xf32>,
      %parallel_loop3A_556 = arith.subf %parallel_loop3A_548, %parallel_loop3A_555 : vector<16xf32>
      %parallel_loop3A_557 = arith.mulf %parallel_loop3A_556, %parallel_loop3A_556 : vector<16xf32>
      %parallel_loop3A_558 = arith.addf %parallel_loop3A_490, %parallel_loop3A_557 : vector<16xf32>
      %parallel_loop3A_559 = arith.constant 0 : i32
      %parallel_loop3A_560 = arith.constant 0 : i32
      %parallel_loop3A_561 = tpu.memref_slice %arg7[%parallel_loop3A_462, %parallel_loop3A_559, %parallel_loop3A_560] : memref<4x64x128xf32, #tpu.memory_space<vmem>> -> memref<1x64x128xf32, #tpu.memory_space<vmem>>
      %parallel_loop3A_562 = tpu.memref_squeeze %parallel_loop3A_561 : memref<1x64x128xf32, #tpu.memory_space<vmem>> -> memref<64x128xf32, #tpu.memory_space<vmem>>
      %parallel_loop3A_563 = arith.index_cast %parallel_loop3A_469 : i32 to index
      %parallel_loop3A_564 = arith.constant 80 : index
      %parallel_loop3A_565 = tpu.vector_load %parallel_loop3A_562[%parallel_loop3A_563, %parallel_loop3A_564] {strides = array<i32>} : memref<64x128xf32, #tpu.memory_space<vmem>>, vector<16xf32>,
      %parallel_loop3A_566 = arith.constant 0 : i32
      %parallel_loop3A_567 = arith.constant 0 : i32
      %parallel_loop3A_568 = tpu.memref_slice %arg8[%parallel_loop3A_463, %parallel_loop3A_566, %parallel_loop3A_567] : memref<4x64x128xf32, #tpu.memory_space<vmem>> -> memref<1x64x128xf32, #tpu.memory_space<vmem>>
      %parallel_loop3A_569 = tpu.memref_squeeze %parallel_loop3A_568 : memref<1x64x128xf32, #tpu.memory_space<vmem>> -> memref<64x128xf32, #tpu.memory_space<vmem>>
      %parallel_loop3A_570 = arith.index_cast %parallel_loop3A_469 : i32 to index
      %parallel_loop3A_571 = arith.constant 80 : index
      %parallel_loop3A_572 = tpu.vector_load %parallel_loop3A_569[%parallel_loop3A_570, %parallel_loop3A_571] {strides = array<i32>} : memref<64x128xf32, #tpu.memory_space<vmem>>, vector<16xf32>,
      %parallel_loop3A_573 = arith.subf %parallel_loop3A_565, %parallel_loop3A_572 : vector<16xf32>
      %parallel_loop3A_574 = arith.mulf %parallel_loop3A_573, %parallel_loop3A_573 : vector<16xf32>
      %parallel_loop3A_575 = arith.addf %parallel_loop3A_507, %parallel_loop3A_574 : vector<16xf32>
      %parallel_loop3A_576 = arith.constant 0 : i32
      %parallel_loop3A_577 = arith.constant 0 : i32
      %parallel_loop3A_578 = tpu.memref_slice %arg7[%parallel_loop3A_462, %parallel_loop3A_576, %parallel_loop3A_577] : memref<4x64x128xf32, #tpu.memory_space<vmem>> -> memref<1x64x128xf32, #tpu.memory_space<vmem>>
      %parallel_loop3A_579 = tpu.memref_squeeze %parallel_loop3A_578 : memref<1x64x128xf32, #tpu.memory_space<vmem>> -> memref<64x128xf32, #tpu.memory_space<vmem>>
      %parallel_loop3A_580 = arith.index_cast %parallel_loop3A_469 : i32 to index
      %parallel_loop3A_581 = arith.constant 96 : index
      %parallel_loop3A_582 = tpu.vector_load %parallel_loop3A_579[%parallel_loop3A_580, %parallel_loop3A_581] {strides = array<i32>} : memref<64x128xf32, #tpu.memory_space<vmem>>, vector<16xf32>,
      %parallel_loop3A_583 = arith.constant 0 : i32
      %parallel_loop3A_584 = arith.constant 0 : i32
      %parallel_loop3A_585 = tpu.memref_slice %arg8[%parallel_loop3A_463, %parallel_loop3A_583, %parallel_loop3A_584] : memref<4x64x128xf32, #tpu.memory_space<vmem>> -> memref<1x64x128xf32, #tpu.memory_space<vmem>>
      %parallel_loop3A_586 = tpu.memref_squeeze %parallel_loop3A_585 : memref<1x64x128xf32, #tpu.memory_space<vmem>> -> memref<64x128xf32, #tpu.memory_space<vmem>>
      %parallel_loop3A_587 = arith.index_cast %parallel_loop3A_469 : i32 to index
      %parallel_loop3A_588 = arith.constant 96 : index
      %parallel_loop3A_589 = tpu.vector_load %parallel_loop3A_586[%parallel_loop3A_587, %parallel_loop3A_588] {strides = array<i32>} : memref<64x128xf32, #tpu.memory_space<vmem>>, vector<16xf32>,
      %parallel_loop3A_590 = arith.subf %parallel_loop3A_582, %parallel_loop3A_589 : vector<16xf32>
      %parallel_loop3A_591 = arith.mulf %parallel_loop3A_590, %parallel_loop3A_590 : vector<16xf32>
      %parallel_loop3A_592 = arith.addf %parallel_loop3A_524, %parallel_loop3A_591 : vector<16xf32>
      %parallel_loop3A_593 = arith.constant 0 : i32
      %parallel_loop3A_594 = arith.constant 0 : i32
      %parallel_loop3A_595 = tpu.memref_slice %arg7[%parallel_loop3A_462, %parallel_loop3A_593, %parallel_loop3A_594] : memref<4x64x128xf32, #tpu.memory_space<vmem>> -> memref<1x64x128xf32, #tpu.memory_space<vmem>>
      %parallel_loop3A_596 = tpu.memref_squeeze %parallel_loop3A_595 : memref<1x64x128xf32, #tpu.memory_space<vmem>> -> memref<64x128xf32, #tpu.memory_space<vmem>>
      %parallel_loop3A_597 = arith.index_cast %parallel_loop3A_469 : i32 to index
      %parallel_loop3A_598 = arith.constant 112 : index
      %parallel_loop3A_599 = tpu.vector_load %parallel_loop3A_596[%parallel_loop3A_597, %parallel_loop3A_598] {strides = array<i32>} : memref<64x128xf32, #tpu.memory_space<vmem>>, vector<16xf32>,
      %parallel_loop3A_600 = arith.constant 0 : i32
      %parallel_loop3A_601 = arith.constant 0 : i32
      %parallel_loop3A_602 = tpu.memref_slice %arg8[%parallel_loop3A_463, %parallel_loop3A_600, %parallel_loop3A_601] : memref<4x64x128xf32, #tpu.memory_space<vmem>> -> memref<1x64x128xf32, #tpu.memory_space<vmem>>
      %parallel_loop3A_603 = tpu.memref_squeeze %parallel_loop3A_602 : memref<1x64x128xf32, #tpu.memory_space<vmem>> -> memref<64x128xf32, #tpu.memory_space<vmem>>
      %parallel_loop3A_604 = arith.index_cast %parallel_loop3A_469 : i32 to index
      %parallel_loop3A_605 = arith.constant 112 : index
      %parallel_loop3A_606 = tpu.vector_load %parallel_loop3A_603[%parallel_loop3A_604, %parallel_loop3A_605] {strides = array<i32>} : memref<64x128xf32, #tpu.memory_space<vmem>>, vector<16xf32>,
      %parallel_loop3A_607 = arith.subf %parallel_loop3A_599, %parallel_loop3A_606 : vector<16xf32>
      %parallel_loop3A_608 = arith.mulf %parallel_loop3A_607, %parallel_loop3A_607 : vector<16xf32>
      %parallel_loop3A_609 = arith.addf %parallel_loop3A_541, %parallel_loop3A_608 : vector<16xf32>
      scf.yield %parallel_loop3A_558, %parallel_loop3A_575, %parallel_loop3A_592, %parallel_loop3A_609 : vector<16xf32>, vector<16xf32>, vector<16xf32>, vector<16xf32>
    } {sc.loop_unroll_factor = 2 : i64, sc.parallel_access}
    %add3A_465 = arith.addf %parallel_loop3A_464#0, %parallel_loop3A_464#1 : vector<16xf32>
    %add3A_466 = arith.addf %parallel_loop3A_464#2, %parallel_loop3A_464#3 : vector<16xf32>
    %add3A_467 = arith.addf %add3A_465, %add3A_466 : vector<16xf32>
    %swap3A = arith.constant 0 : index
    %swap3A_468 = tpu.vector_load %arg9[%swap3A] {strides = array<i32>} : memref<16xf32, #tpu.memory_space<vmem>>, vector<16xf32>,
    tpu.vector_store %arg9[%swap3A], %add3A_467 {strides = array<i32>} : memref<16xf32, #tpu.memory_space<vmem>>, vector<16xf32>,
    "tpu.region"() ({
      %run_scoped3A = tpu.sem_alloc : memref<!tpu.dma_semaphore, #tpu.memory_space<semaphore_mem>>
      %dma_start3A_469 = arith.constant 0 : i32
      %dma_start3A_470 = tpu.memref_slice %arg5[%add3A, %dma_start3A_469] : memref<32x16xf32, #tpu.memory_space<hbm>> -> memref<1x16xf32, #tpu.memory_space<hbm>>
      %dma_start3A_471 = tpu.memref_squeeze %dma_start3A_470 : memref<1x16xf32, #tpu.memory_space<hbm>> -> memref<16xf32, #tpu.memory_space<hbm>>
      %dma_start3A_472 = arith.constant 0 : i32
      %dma_start3A_473 = tpu.memref_slice %arg5[%add3A, %dma_start3A_472] : memref<32x16xf32, #tpu.memory_space<hbm>> -> memref<1x16xf32, #tpu.memory_space<hbm>>
      %dma_start3A_474 = tpu.memref_squeeze %dma_start3A_473 : memref<1x16xf32, #tpu.memory_space<hbm>> -> memref<16xf32, #tpu.memory_space<hbm>>
      tpu.enqueue_dma source(%arg9 : memref<16xf32, #tpu.memory_space<vmem>>) target(%dma_start3A_474 : memref<16xf32, #tpu.memory_space<hbm>>) target_semaphore(%run_scoped3A : memref<!tpu.dma_semaphore, #tpu.memory_space<semaphore_mem>>)
      %dma_wait3A_475 = arith.constant 0 : i32
      %dma_wait3A_476 = tpu.memref_slice %arg5[%add3A, %dma_wait3A_475] : memref<32x16xf32, #tpu.memory_space<hbm>> -> memref<1x16xf32, #tpu.memory_space<hbm>>
      %dma_wait3A_477 = tpu.memref_squeeze %dma_wait3A_476 : memref<1x16xf32, #tpu.memory_space<hbm>> -> memref<16xf32, #tpu.memory_space<hbm>>
      %dma_wait3A_478 = arith.constant 0 : i32
      %dma_wait3A_479 = tpu.memref_slice %arg5[%add3A, %dma_wait3A_478] : memref<32x16xf32, #tpu.memory_space<hbm>> -> memref<1x16xf32, #tpu.memory_space<hbm>>
      %dma_wait3A_480 = tpu.memref_squeeze %dma_wait3A_479 : memref<1x16xf32, #tpu.memory_space<hbm>> -> memref<16xf32, #tpu.memory_space<hbm>>
      tpu.wait_dma2 semaphore(%run_scoped3A : memref<!tpu.dma_semaphore, #tpu.memory_space<semaphore_mem>>) src(%arg9 : memref<16xf32, #tpu.memory_space<vmem>>) dst(%dma_wait3A_480 : memref<16xf32, #tpu.memory_space<hbm>>)
      tpu.yield
    }) : () -> ()
    return
  }
}

</mosaic_0001>

<sc_bundles>
// kernel: kernel.3.cloned.1.call-start
scs
__scs_entry_jumppad:
0x0: {  	(pc) =	sbr.rel $0x88, $3  }
0x1: {  	(tag) =	ssettag $0x0;
	lr =	simm.s32 $0x1  }
0x2: {  	[smem:$0x3F9E] =	sst lr;
	_ =	strace $0xD0000000  }
0x3: {  	_ = 	snop  }
0x4: {  	_ = 	snop  }
0x5: {  	_ = 	snop  }
0x6: {  	_ = 	snop  }
0x7: {  	_ = 	snop  }
__scs_overlays_trampoline_lowered:
0x8: {  	[smem:$0x3FAD] =	sst s0  }
0x9: {  	[smem:$0x3FAE] =	sst s1  }
0xa: {  	[smem:$0x3FAF] =	sst s2  }
0xb: {  	[smem:$0x3FB0] =	sst s3  }
0xc: {  	[smem:$0x3FB1] =	sst s4  }
0xd: {  	[smem:$0x3FB2] =	sst s5  }
0xe: {  	[smem:$0x3FB3] =	sst s6  }
0xf: {  	[smem:$0x3FB4] =	sst s7  }
0x10: {  	[smem:$0x3FB5] =	sst s8  }
0x11: {  	[smem:$0x3FB6] =	sst s9;
	s0 =	simm.s32 @!p0 $0x0  }
0x12: {  	s1 =	sld [smem:$0x3F9C];
	s0 =	simm.s32 @p0 $0x1  }
0x13: {  	[smem:$0x3FB7] =	sst s0;
	s0 =	simm.s32 @!p1 $0x0  }
0x14: {  	s2 =	sld [smem:$0x3F9B];
	s0 =	simm.s32 @p1 $0x1  }
0x15: {  	[smem:$0x3FB8] =	sst s0;
	s0 =	simm.s32 @!p2 $0x0  }
0x16: {  	s3 =	sld [smem:$0x3FDB];
	s0 =	simm.s32 @p2 $0x1  }
0x17: {  	s4 =	simm.s32 $0x1BF5;
	[smem:$0x3FBA] =	sst s0  }
0x18: {  	s0 =	sld [smem:$0x3F9D];
	_ =	swait.ge [sflag:s4], $0x0  }
0x19: {  	s7 =	sld [smem:$0x3F9E]  }
0x1a: {  	s8 =	sadd.s32 $0xFFFFE003, lr  }
0x1b: {  	s9 =	sadd.s32 $0xFFFFFEF7, lr;
	s5 =	simm.s32 $0xFFFFFFFF;
	p2 =	slt.u32 s8, $0xFFFFF086  }
0x1c: {  	p1 =	slt.u32 s9, $0xF7A;
	s5 =	simm.s32 @!p2 $0x0  }
0x1d: {  	s5 =	simm.s32 @p1 $0x1;
	p0 =	seq.s32 s7, s2  }
0x1e: {  	s7 =	smul.u32 @!p0 $0xF7A, s2;
	p2 =	seq.s32 @!p0 s5, $0x0  }
0x1f: {  	s9 =	smul.u32 $0xF7A, s1;
	s8 =	simm.s32 @!p0 $0x1BF5;
	p2 =	por !p2, p0  }
0x20: {  	[sflag:s8] =	ssyncset.s32 @!p0 $0xFFFFF086;
	s6 =	sadd.s32 @!p0 s3, s7;
	s7 =	simm.s32 @!p0 $0x108  }
0x21: {  	s3 =	sadd.s32 s3, s9;
	s6 =	sadd.s32 @!p0 $0x88, s6;
	s7 =	simm.s32 @p2 $0x1082  }
0x22: {  	[simem:s7], [sflag:s8] =	dma.local @!p0 [hbm:s6], $0xF7A  }
0x23: {  	s9 =	sor.u32 $0xD0000000, s2;
	s6 =	simm.s32 $0x108;
	_ =	swait.ge @!p0 [sflag:s8], $0x0  }
0x24: {  	s3 =	sadd.s32 $0x88, s3;
	s6 =	simm.s32 @!p1 $0x1082;
	[sflag:s4] =	ssyncset.s32 $0xFFFFF086  }
0x25: {  	[simem:s6], [sflag:s4] =	dma.local [hbm:s3], $0xF7A  }
0x26: {  	[smem:$0x3F9E] =	sst s1;
	(tag) =	ssettag s2;
	_ =	strace s9  }
0x27: {  	s1 =	sld [smem:$0x3FAE]  }
0x28: {  	s2 =	sld [smem:$0x3FAF]  }
0x29: {  	s4 =	sld [smem:$0x3FB1]  }
0x2a: {  	p0 =	seq.s32 s5, $0x0;
	s5 =	sld [smem:$0x3FB2]  }
0x2b: {  	s6 =	sld [smem:$0x3FB3]  }
0x2c: {  	s7 =	sld [smem:$0x3FB4]  }
0x2d: {  	s3 =	simm.s32 $0x108;
	s8 =	sld [smem:$0x3FB5]  }
0x2e: {  	s3 =	simm.s32 @!p0 $0x1082;
	s9 =	sld [smem:$0x3FB6]  }
0x2f: {  	lr =	sadd.s32 s0, s3;
	s0 =	sld [smem:$0x3FAD]  }
0x30: {  	s3 =	sld [smem:$0x3FB0]  }
0x31: {  	[smem:$0x3FB9] =	sst s10  }
0x32: {  	s10 =	sld [smem:$0x3FB7];
	_ =	sdelay $0x3  }
0x33: {  	p0 =	seq.s32 s10, $0x1;
	s10 =	sld [smem:$0x3FB9];
	_ =	sdelay $0x3  }
0x34: {  	[smem:$0x3FB9] =	sst s10  }
0x35: {  	s10 =	sld [smem:$0x3FB8];
	_ =	sdelay $0x3  }
0x36: {  	p1 =	seq.s32 s10, $0x1;
	s10 =	sld [smem:$0x3FB9];
	_ =	sdelay $0x3  }
0x37: {  	[smem:$0x3FB9] =	sst s10  }
0x38: {  	s10 =	sld [smem:$0x3FBA]  }
0x39: {  	_ = 	snop;
	(pc) =	sbr.ind lr, $3  }
0x3a: {  	_ = 	snop  }
0x3b: {  	_ = 	snop  }
0x3c: {  	p2 =	seq.s32 s10, $0x1;
	s10 =	sld [smem:$0x3FB9]  }
0x3d: {  	_ =	shalt  }
0x3e: {  	_ =	shalt  }
0x3f: {  	_ =	shalt  }
0x40: {  	_ =	shalt  }
0x41: {  	_ =	shalt  }
0x42: {  	_ =	shalt  }
0x43: {  	_ =	shalt  }
0x44: {  	_ =	shalt  }
0x45: {  	_ =	shalt  }
0x46: {  	_ =	shalt  }
0x47: {  	_ =	shalt  }
0x48: {  	_ =	shalt  }
0x49: {  	_ =	shalt  }
0x4a: {  	_ =	shalt  }
0x4b: {  	_ =	shalt  }
0x4c: {  	_ =	shalt  }
0x4d: {  	_ =	shalt  }
0x4e: {  	_ =	shalt  }
0x4f: {  	_ =	shalt  }
0x50: {  	_ =	shalt  }
0x51: {  	_ =	shalt  }
0x52: {  	_ =	shalt  }
0x53: {  	_ =	shalt  }
0x54: {  	_ =	shalt  }
0x55: {  	_ =	shalt  }
0x56: {  	_ =	shalt  }
0x57: {  	_ =	shalt  }
0x58: {  	_ =	shalt  }
0x59: {  	_ =	shalt  }
0x5a: {  	_ =	shalt  }
0x5b: {  	_ =	shalt  }
0x5c: {  	_ =	shalt  }
0x5d: {  	_ =	shalt  }
0x5e: {  	_ =	shalt  }
0x5f: {  	_ =	shalt  }
0x60: {  	_ =	shalt  }
0x61: {  	_ =	shalt  }
0x62: {  	_ =	shalt  }
0x63: {  	_ =	shalt  }
0x64: {  	_ =	shalt  }
0x65: {  	_ =	shalt  }
0x66: {  	_ =	shalt  }
0x67: {  	_ =	shalt  }
0x68: {  	_ =	shalt  }
0x69: {  	_ =	shalt  }
0x6a: {  	_ =	shalt  }
0x6b: {  	_ =	shalt  }
0x6c: {  	_ =	shalt  }
0x6d: {  	_ =	shalt  }
0x6e: {  	_ =	shalt  }
0x6f: {  	_ =	shalt  }
0x70: {  	_ =	shalt  }
0x71: {  	_ =	shalt  }
0x72: {  	_ =	shalt  }
0x73: {  	_ =	shalt  }
0x74: {  	_ =	shalt  }
0x75: {  	_ =	shalt  }
0x76: {  	_ =	shalt  }
0x77: {  	_ =	shalt  }
0x78: {  	_ =	shalt  }
0x79: {  	_ =	shalt  }
0x7a: {  	_ =	shalt  }
0x7b: {  	_ =	shalt  }
0x7c: {  	_ =	shalt  }
0x7d: {  	_ =	shalt  }
0x7e: {  	_ =	shalt  }
0x7f: {  	_ =	shalt  }
0x80: {  	_ =	shalt  }
0x81: {  	_ =	shalt  }
0x82: {  	_ =	shalt  }
0x83: {  	_ =	shalt  }
0x84: {  	_ =	shalt  }
0x85: {  	_ =	shalt  }
0x86: {  	_ =	shalt  }
0x87: {  	_ =	shalt  }
.Lfunc_end0:
.L_simem_size_0:
called_computation_lowered:
.L_overlay_start_0:
0x88: {  	s2 =	sld [smem:$0x3FD9]  }
0x89: {  	s3 =	sld [smem:$0x3FFE];
	_ =	sdelay $0x1  }
0x8a: {  	s1 =	srdreg.scid  }
0x8b: {  	s0 =	sand.u32 $0x1, s1  }
0x8c: {  	s17 =	sshll.u32 s0, $0xA;
	s2 =	sadd.s32 s3, s2  }
0x8d: {  	s2 =	sadd.s32 s2, s17  }
0x8e: {  	[smem:$0x3FC5] =	sst s2  }
0x8f: {  	_ = 	snop  }
0x90: {  	s2 =	sld [smem:$0x3FC9]  }
0x91: {  	s18 =	sld [smem:$0x3FC7];
	(tm) =	ssettm $0x1  }
0x92: {  	s4 =	sld [smem:$0x3FFB];
	_ =	sdelay $0x3  }
0x93: {  	_ =	strace s4  }
0x94: {  	s4 =	sld [smem:$0x3FFC];
	_ =	sdelay $0x3  }
0x95: {  	_ =	strace s4  }
0x96: {  	s4 =	sld [smem:$0x3FFD];
	_ =	sdelay $0x3  }
0x97: {  	_ =	strace s4  }
0x98: {  	_ =	strace $0x8FFFFFFF  }
0x99: {  	s19 =	sld [smem:$0x3FDB];
	_ =	sdelay $0x1  }
0x9a: {  	s5 =	simm.s32 $_scs_section_size  }
0x9b: {  	s6 =	simm.s32 $_size__tile_overlayer_lowered;
	s7 =	simm.s32 $_tile_overlayer_lowered  }
0x9c: {  	s22 =	simm.s32 $0x1BFF;
	s21 =	sshll.u32 s7, $0x1;
	s4 =	sadd.s32 s5, s19  }
0x9d: {  	s8 =	simm.s32 $0x0;
	s20 =	sshll.u32 s6, $0x1;
	s6 =	sadd.s32 s21, s4  }
0x9e: {  	[timem:s8], [sflag:s22] =	dma.local [hbm:s6], s20  }
0x9f: {  	_ =	swait.ge [sflag:s22], s20  }
0xa0: {  	s5 =	ssub.s32 $0x0, s20;
	[sflag:s22] =	ssyncset.done $0x0  }
0xa1: {  	[sflag:s22] =	ssyncadd.s32 s5;
	_ =	sdelay $0x1  }
0xa2: {  	s23 =	simm.s32 $0x1B8B  }
0xa3: {  	_ =	swait.ge [sflag:s23], $0x1  }
0xa4: {  	[sflag:s23] =	ssyncset.done $0x0  }
0xa5: {  	s25 =	simm.s32 $0x1B8E;
	s24 =	sld [smem:$0x3FFE];
	[sflag:s23] =	ssyncadd.s32 $0xFFFFFFFF  }
0xa6: {  	s26 =	simm.s32 $execute0_lowered;
	[smem:$0x3FD2] =	sst s25  }
0xa7: {  	s6 =	sshll.u32 s26, $0x1;
	_ =	strace $0x80000046;
	[dreg:$0x1] =	wrdreg $0xFFFFFFFF  }
0xa8: {  	s28 =	simm.s32 $_size_execute0_lowered;
	s4 =	sadd.s32 s4, s6;
	[dreg:$0x0] =	wrdreg $0x0  }
0xa9: {  	s6 =	sshll.u32 s28, $0x1;
	[dreg:$0x2] =	wrdreg s4  }
0xaa: {  	[dreg:$0x3] =	wrdreg s6  }
0xab: {  	[dreg:$0x4] =	wrdreg $0xC0  }
0xac: {  	_ =	task [dreg:s8], $0x5FFFF  }
0xad: {  	[dreg:$0x1] =	wrdreg $0xFFFFFFFF  }
0xae: {  	[dreg:$0x0] =	wrdreg $0x60  }
0xaf: {  	[dreg:$0x2] =	wrdreg s2  }
0xb0: {  	[dreg:$0x3] =	wrdreg s24  }
0xb1: {  	[dreg:$0x4] =	wrdreg s18  }
0xb2: {  	[dreg:$0x5] =	wrdreg $0x9  }
0xb3: {  	_ =	task.clear_ibuf [dreg:s8], $0x6FFFF;
	_ =	strace $0x90000046  }
0xb4: {  	s29 =	simm.s32 $0x9;
	_ =	strace $0x80000048  }
0xb5: {  	_ =	swait.ge [sflag:s29], $0x1  }
0xb6: {  	[sflag:s29] =	ssyncadd.s32 $0xFFFFFFFF  }
0xb7: {  	_ =	strace $0x90000048  }
0xb8: {  	_ =	sfence  }
0xb9: {  	s30 =	sld [smem:$0x0];
	_ =	sdelay $0x2  }
0xba: {  	s31 =	sshll.u32 s1, $0xD;
	s1 =	sshrl.u32 s1, $0x2  }
0xbb: {  	s3 =	sand.u32 $0x4000, s31;
	s1 =	sadd.s32 s1, s30  }
0xbc: {  	s0 =	sor.u32 s3, s0;
	s1 =	sshll.u32 s1, $0x11  }
0xbd: {  	s0 =	sor.u32 s1, s0  }
0xbe: {  	s0 =	sadd.s32 $0x8F2B, s0  }
0xbf: {  	[sflag:s0] =	ssyncadd.remote.s32 $0x1  }
0xc0: {  	_ =	sfence.sel $0xFFFF  }
0xc1: {  	[dreg:$0x0] =	wrdreg $0xFFFFFFFF;
	(pc) =	sbr.abs _section_cstart, $3  }
0xc2: {  	[dreg:$0x1] =	wrdreg $0xFFFFFFFF  }
0xc3: {  	_ =	task.clear_ibuf [dreg:s8], $0x2FFFF;
	_ =	strace $0x9FFFFFFF  }
0xc4: {  	(tm) =	ssettm $0x7FFFFFFF  }
0xc5: {  	_ =	shalt  }
tec
execute0_lowered:
.L_overlay_start_1:
0x0: {  	(tag) =	ssettag $0x1  }
0x1: {  	s0 =	rddreg [dreg:$0x0]  }
0x2: {  	s1 =	rddreg [dreg:$0x1]  }
0x3: {  	s2 =	rddreg [dreg:$0x2];
	s3 =	simm.s32 $0x0;
	s4 =	srdreg.scid  }
0x4: {  	s5 =	stileid.u32;
	s19 =	simm.s32 $0x9;
	s20 =	simm.s32 $0x40  }
0x5: {  	s21 =	simm.s32 $0x8400;
	s23 =	simm.s32 $0xA400;
	s28 =	simm.s32 $0xE400  }
0x6: {  	s29 =	simm.s32 $0x1;
	s30 =	simm.s32 $0x5;
	s22 =	simm.s32 $0x4  }
0x7: {  	s31 =	simm.s32 $0x8;
	s4 =	sand.u32 $0x1, s4;
	s5 =	sshll.u32 s5, $0x1  }
0x8: {  	s15 =	simm.s32 $0x0;
	[smem:$0x7FF] =	sst s3;
	s6 =	sor.u32 s4, s5  }
0x9: {  	_ =	strace $0x80000047;
	s7 =	ssub.s32 $0x2, s4;
	s5 =	sshll.u32 s6, $0x4  }
0xa: {  	s24 =	sshll.u32 s6, $0xD;
	s25 =	sshrl.u32 s7, $0x1;
	s8 =	sshll.u32 s6, $0x7  }
0xb: {  	s13 =	sadd.s32 s5, s1;
	s4 =	sadd.s32 s0, s24;
	s26 =	ssub.s32 s7, s25  }
0xc: {  	s8 =	sadd.s32 s1, s8;
	s25 =	simm.s32 $0xC400;
	s0 =	simm.s32 $0x2  }
0xd: {  	s1 =	simm.s32 $0x6;
	s24 =	simm.s32 $0x3;
	s5 =	sadd.s32 $0x400, s4  }
0xe: {  	s6 =	sadd.s32 $0x800, s4;
	s7 =	sadd.s32 $0xC00, s4;
	s9 =	sadd.s32 $0x1000, s4  }
0xf: {  	s10 =	sadd.s32 $0x1400, s4;
	s11 =	sadd.s32 $0x1800, s4;
	s12 =	sadd.s32 $0x1C00, s4  }
0x10: {  	s13 =	sadd.s32 $0x1000, s13;
	s14 =	smax.u32 s26, $0x1;
	s26 =	simm.s32 $0x7  }
.LBB2_1:
0x11: {  	s16 =	simm.s32 $0x400  }
0x12: {  	[tilespmem:s16], [sflag:$0x1] =	stream.linear.gather [hbm4b:s4+s3], $0x2000, $0x38;
	[tilespmem:$0x10480] =	vst v63  }
0x13: {  	s17 =	simm.s32 $0x2400  }
0x14: {  	[tilespmem:s17], [sflag:$0x2] =	stream.linear.gather [hbm4b:s5+s3], $0x2000, $0x38;
	[tilespmem:$0x10480] =	vst v63  }
0x15: {  	s18 =	simm.s32 $0x4400  }
0x16: {  	[tilespmem:s18], [sflag:$0x3] =	stream.linear.gather [hbm4b:s6+s3], $0x2000, $0x38;
	[tilespmem:$0x10480] =	vst v63  }
0x17: {  	s17 =	simm.s32 $0x6400  }
0x18: {  	[tilespmem:s17], [sflag:$0x4] =	stream.linear.gather [hbm4b:s7+s3], $0x2000, $0x38;
	[tilespmem:$0x10480] =	vst v63  }
0x19: {  	_ = 	snop  }
0x1a: {  	[tilespmem:s3], [sflag:$0x9] =	stream.linear.gather [hbm4b:s8+s3], $0x400, $0x38;
	[tilespmem:$0x10480] =	vst v63  }
0x1b: {  	_ =	swait.ge [sflag:s19], $0x400  }
0x1c: {  	[sflag:s19] =	ssyncset.done $0x0  }
0x1d: {  	[sflag:s19] =	ssyncadd.s32 $0xFFFFFC00  }
0x1e: {  	[tilespmem:s21], [sflag:$0x5] =	stream.indirect.gather [hbm4b:s2+s20], $0x80, s3, s20, $0xb8;
	[tilespmem:$0x10480] =	vst v63  }
0x1f: {  	s18 =	simm.s32 $0x80  }
0x20: {  	[tilespmem:s23], [sflag:$0x6] =	stream.indirect.gather [hbm4b:s2+s20], $0x80, s18, s20, $0xb8;
	[tilespmem:$0x10480] =	vst v63  }
0x21: {  	s17 =	simm.s32 $0x100  }
0x22: {  	[tilespmem:s25], [sflag:$0x7] =	stream.indirect.gather [hbm4b:s2+s20], $0x80, s17, s20, $0xb8;
	[tilespmem:$0x10480] =	vst v63  }
0x23: {  	s18 =	simm.s32 $0x180  }
0x24: {  	[tilespmem:s28], [sflag:$0x8] =	stream.indirect.gather [hbm4b:s2+s20], $0x80, s18, s20, $0xb8;
	[tilespmem:$0x10480] =	vst v63  }
0x25: {  	_ =	swait.ge [sflag:s29], $0x2000  }
0x26: {  	[sflag:s29] =	ssyncset.done $0x0  }
0x27: {  	[sflag:s29] =	ssyncadd.s32 $0xFFFFE000  }
0x28: {  	_ =	swait.ge [sflag:s30], $0x2000  }
0x29: {  	[sflag:s30] =	ssyncset.done $0x0  }
0x2a: {  	s17 =	simm.s32 $0x480;
	[sflag:s30] =	ssyncadd.s32 $0xFFFFE000  }
0x2b: {  	s16 =	simm.s32 $0x8480;
	v0 =	vld [tilespmem:s17+$0x40]  }
0x2c: {  	v1 =	vld [tilespmem:s16+$0x40]  }
0x2d: {  	v2 =	vld [tilespmem:s17+$0x50]  }
0x2e: {  	v3 =	vld [tilespmem:s16+$0x50]  }
0x2f: {  	v4 =	vld [tilespmem:s17+$0x60]  }
0x30: {  	v5 =	vld [tilespmem:s16+$0x60]  }
0x31: {  	v7 =	vld [tilespmem:s17+$0x70]  }
0x32: {  	v8 =	vld [tilespmem:s16+$0x70]  }
0x33: {  	v12 =	vld [tilespmem:s17+$0x0]  }
0x34: {  	v13 =	vld [tilespmem:s16+$0x0]  }
0x35: {  	v17 =	vld [tilespmem:s17+$0x10]  }
0x36: {  	v20 =	vld [tilespmem:s16+$0x10]  }
0x37: {  	v21 =	vld [tilespmem:s17+$0x20]  }
0x38: {  	v22 =	vld [tilespmem:s16+$0x20]  }
0x39: {  	v23 =	vld [tilespmem:s17+$0x30]  }
0x3a: {  	v24 =	vld [tilespmem:s16+$0x30]  }
0x3b: {  	v25 =	vld [tilespmem:s17+$0xFFFFFFC0]  }
0x3c: {  	v26 =	vld [tilespmem:s16+$0xFFFFFFC0]  }
0x3d: {  	v27 =	vld [tilespmem:s17+$0xFFFFFFD0]  }
0x3e: {  	v28 =	vld [tilespmem:s16+$0xFFFFFFD0]  }
0x3f: {  	v6 =	vld [tilespmem:s17+$0xFFFFFFE0]  }
0x40: {  	v9 =	vld [tilespmem:s16+$0xFFFFFFE0]  }
0x41: {  	v29 =	vld [tilespmem:s17+$0xFFFFFF80]  }
0x42: {  	v30 =	vld [tilespmem:s16+$0xFFFFFF80]  }
0x43: {  	v14 =	vld [tilespmem:s17+$0xFFFFFF90]  }
0x44: {  	v16 =	vld [tilespmem:s16+$0xFFFFFF90];
	v10 =	vsub.f32 v0, v1  }
0x45: {  	v15 =	vld [tilespmem:s17+$0xFFFFFFA0];
	v11 =	vsub.f32 v2, v3;
	v1 =	vsub.f32 v4, v5  }
0x46: {  	v18 =	vld [tilespmem:s16+$0xFFFFFFA0];
	v12 =	vsub.f32 v12, v13;
	v0 =	vsub.f32 v7, v8  }
0x47: {  	v19 =	vld [tilespmem:s17+$0xFFFFFFB0];
	v13 =	vsub.f32 v17, v20;
	v8 =	vsub.f32 v21, v22  }
0x48: {  	v21 =	vld [tilespmem:s16+$0xFFFFFFB0];
	v20 =	vsub.f32 v25, v26;
	v7 =	vsub.f32 v23, v24  }
0x49: {  	v2 =	vimm.f32 $0.0e+00;
	v17 =	vld [tilespmem:s17+$0xFFFFFFF0];
	v24 =	vsub.f32 v29, v30;
	v22 =	vsub.f32 v27, v28  }
0x4a: {  	s18 =	simm.s32 $0x580;
	s17 =	simm.s32 $0x0;
	v23 =	vld [tilespmem:s16+$0xFFFFFFF0];
	v5 =	vimm.f32 $0.0e+00;
	v4 =	vimm.f32 $0.0e+00;
	v3 =	vimm.f32 $0.0e+00  }
.LBB2_2:
0x4b: {  	v25 =	vld [tilespmem:s18+$0x40];
	v14 =	vsub.f32 v14, v16;
	v10 =	vmul.f32 v10, v10;
	v11 =	vmul.f32 v11, v11;
	s16 =	sadd.s32 $0x100, s16  }
0x4c: {  	v15 =	vsub.f32 v15, v18;
	v12 =	vmul.f32 v12, v12;
	v13 =	vmul.f32 v13, v13;
	v26 =	vld [tilespmem:s16+$0x40]  }
0x4d: {  	v18 =	vmul.f32 v20, v20;
	v27 =	vld [tilespmem:s18+$0x50];
	v16 =	vsub.f32 v19, v21;
	v19 =	vmul.f32 v22, v22  }
0x4e: {  	v6 =	vsub.f32 v6, v9;
	v21 =	vmul.f32 v24, v24;
	v14 =	vmul.f32 v14, v14;
	v20 =	vld [tilespmem:s16+$0x50]  }
0x4f: {  	v9 =	vmul.f32 v15, v15;
	v22 =	vld [tilespmem:s18+$0x60];
	v15 =	vmul.f32 v16, v16;
	v16 =	vsub.f32 v17, v23  }
0x50: {  	v6 =	vmul.f32 v6, v6;
	v2 =	vadd.f32 v21, v2;
	v5 =	vadd.f32 v14, v5;
	v17 =	vld [tilespmem:s16+$0x60]  }
0x51: {  	v4 =	vadd.f32 v9, v4;
	v21 =	vld [tilespmem:s18+$0x70];
	v3 =	vadd.f32 v15, v3;
	v9 =	vmul.f32 v16, v16  }
0x52: {  	v8 =	vmul.f32 v8, v8;
	v2 =	vadd.f32 v18, v2;
	v5 =	vadd.f32 v19, v5;
	v23 =	vld [tilespmem:s16+$0x70]  }
0x53: {  	v4 =	vadd.f32 v6, v4;
	v6 =	vmul.f32 v7, v7;
	v24 =	vld [tilespmem:s18+$0x0];
	v3 =	vadd.f32 v9, v3  }
0x54: {  	v1 =	vmul.f32 v1, v1;
	v2 =	vadd.f32 v12, v2;
	v5 =	vadd.f32 v13, v5;
	v7 =	vld [tilespmem:s16+$0x0]  }
0x55: {  	v0 =	vmul.f32 v0, v0;
	v4 =	vadd.f32 v8, v4;
	v13 =	vld [tilespmem:s18+$0x10];
	v3 =	vadd.f32 v6, v3  }
0x56: {  	v2 =	vadd.f32 v10, v2;
	v5 =	vadd.f32 v11, v5;
	v8 =	vld [tilespmem:s16+$0x10]  }
0x57: {  	v4 =	vadd.f32 v1, v4;
	v28 =	vld [tilespmem:s18+$0x20];
	v3 =	vadd.f32 v0, v3  }
0x58: {  	v29 =	vld [tilespmem:s16+$0x20]  }
0x59: {  	v30 =	vld [tilespmem:s18+$0x30]  }
0x5a: {  	v31 =	vld [tilespmem:s16+$0x30]  }
0x5b: {  	v32 =	vld [tilespmem:s18+$0xFFFFFFC0]  }
0x5c: {  	v33 =	vld [tilespmem:s16+$0xFFFFFFC0]  }
0x5d: {  	v34 =	vld [tilespmem:s18+$0xFFFFFFD0]  }
0x5e: {  	v35 =	vld [tilespmem:s16+$0xFFFFFFD0]  }
0x5f: {  	v6 =	vld [tilespmem:s18+$0xFFFFFFE0]  }
0x60: {  	v9 =	vld [tilespmem:s16+$0xFFFFFFE0]  }
0x61: {  	v36 =	vld [tilespmem:s18+$0xFFFFFF80]  }
0x62: {  	v37 =	vld [tilespmem:s16+$0xFFFFFF80]  }
0x63: {  	v14 =	vld [tilespmem:s18+$0xFFFFFF90]  }
0x64: {  	s17 =	sadd.s32 $0x2, s17;
	v16 =	vld [tilespmem:s16+$0xFFFFFF90]  }
0x65: {  	p0 =	slt.u32 s17, $0x3E;
	v10 =	vsub.f32 v25, v26;
	v15 =	vld [tilespmem:s18+$0xFFFFFFA0]  }
.Ltmp0:
0x66: {  	v11 =	vsub.f32 v27, v20;
	v1 =	vsub.f32 v22, v17;
	v18 =	vld [tilespmem:s16+$0xFFFFFFA0];
	(pc) =	sbr.rel @p0 .LBB2_2-.Ltmp0, $4  }
0x67: {  	v0 =	vsub.f32 v21, v23;
	v12 =	vsub.f32 v24, v7;
	v19 =	vld [tilespmem:s18+$0xFFFFFFB0]  }
0x68: {  	v13 =	vsub.f32 v13, v8;
	v8 =	vsub.f32 v28, v29;
	v21 =	vld [tilespmem:s16+$0xFFFFFFB0]  }
0x69: {  	v7 =	vsub.f32 v30, v31;
	v20 =	vsub.f32 v32, v33;
	v17 =	vld [tilespmem:s18+$0xFFFFFFF0]  }
0x6a: {  	v22 =	vsub.f32 v34, v35;
	v24 =	vsub.f32 v36, v37;
	s18 =	sadd.s32 $0x100, s18;
	v23 =	vld [tilespmem:s16+$0xFFFFFFF0]  }
0x6b: {  	s16 =	simm.s32 $0x400  }
0x6c: {  	[tilespmem:s16], [sflag:$0x1] =	stream.linear.gather [hbm4b:s9+s3], $0x2000, $0x38;
	[tilespmem:$0x10480] =	vst v63  }
0x6d: {  	s18 =	simm.s32 $0x200  }
0x6e: {  	[tilespmem:s21], [sflag:$0x5] =	stream.indirect.gather [hbm4b:s2+s20], $0x80, s18, s20, $0xb8;
	[tilespmem:$0x10480] =	vst v63  }
0x6f: {  	_ =	swait.ge [sflag:s0], $0x2000  }
0x70: {  	[sflag:s0] =	ssyncset.done $0x0  }
0x71: {  	[sflag:s0] =	ssyncadd.s32 $0xFFFFE000  }
0x72: {  	_ =	swait.ge [sflag:s1], $0x2000  }
0x73: {  	[sflag:s1] =	ssyncset.done $0x0  }
0x74: {  	s17 =	simm.s32 $0x24F0;
	[sflag:s1] =	ssyncadd.s32 $0xFFFFE000  }
0x75: {  	s16 =	simm.s32 $0xA4F0;
	v25 =	vld [tilespmem:s17+$0xFFFFFFD0]  }
0x76: {  	v26 =	vld [tilespmem:s16+$0xFFFFFFD0]  }
0x77: {  	v27 =	vld [tilespmem:s17+$0xFFFFFFE0]  }
0x78: {  	v28 =	vld [tilespmem:s16+$0xFFFFFFE0]  }
0x79: {  	v29 =	vld [tilespmem:s17+$0xFFFFFFF0]  }
0x7a: {  	v30 =	vld [tilespmem:s16+$0xFFFFFFF0]  }
0x7b: {  	v31 =	vld [tilespmem:s17+$0x0]  }
0x7c: {  	v32 =	vld [tilespmem:s16+$0x0]  }
0x7d: {  	v33 =	vld [tilespmem:s17+$0xFFFFFF90]  }
0x7e: {  	v34 =	vld [tilespmem:s16+$0xFFFFFF90]  }
0x7f: {  	v35 =	vld [tilespmem:s17+$0xFFFFFFA0]  }
0x80: {  	v36 =	vld [tilespmem:s16+$0xFFFFFFA0]  }
0x81: {  	v37 =	vld [tilespmem:s17+$0xFFFFFFB0]  }
0x82: {  	v15 =	vsub.f32 v15, v18;
	v38 =	vld [tilespmem:s16+$0xFFFFFFB0]  }
0x83: {  	v14 =	vsub.f32 v14, v16;
	v6 =	vsub.f32 v6, v9;
	v18 =	vmul.f32 v24, v24;
	v24 =	vld [tilespmem:s17+$0xFFFFFFC0]  }
0x84: {  	v12 =	vmul.f32 v12, v12;
	v16 =	vsub.f32 v19, v21;
	v9 =	vmul.f32 v15, v15;
	v39 =	vld [tilespmem:s16+$0xFFFFFFC0]  }
0x85: {  	v14 =	vmul.f32 v14, v14;
	v6 =	vmul.f32 v6, v6;
	v15 =	vsub.f32 v17, v23;
	v17 =	vld [tilespmem:s17+$0xFFFFFF50]  }
0x86: {  	v2 =	vadd.f32 v18, v2;
	v16 =	vmul.f32 v16, v16;
	v4 =	vadd.f32 v9, v4;
	v9 =	vld [tilespmem:s16+$0xFFFFFF50]  }
0x87: {  	v18 =	vmul.f32 v22, v22;
	v5 =	vadd.f32 v14, v5;
	v14 =	vmul.f32 v20, v20;
	v22 =	vld [tilespmem:s17+$0xFFFFFF60]  }
0x88: {  	v13 =	vmul.f32 v13, v13;
	v10 =	vmul.f32 v10, v10;
	v3 =	vadd.f32 v16, v3;
	v23 =	vld [tilespmem:s16+$0xFFFFFF60]  }
0x89: {  	v15 =	vmul.f32 v15, v15;
	v2 =	vadd.f32 v14, v2;
	v4 =	vadd.f32 v6, v4;
	v6 =	vld [tilespmem:s17+$0xFFFFFF70]  }
0x8a: {  	v7 =	vmul.f32 v7, v7;
	v5 =	vadd.f32 v18, v5;
	v14 =	vmul.f32 v8, v8;
	v8 =	vld [tilespmem:s16+$0xFFFFFF70]  }
0x8b: {  	v11 =	vmul.f32 v11, v11;
	v3 =	vadd.f32 v15, v3;
	v2 =	vadd.f32 v12, v2;
	v40 =	vld [tilespmem:s17+$0xFFFFFF10]  }
0x8c: {  	v1 =	vmul.f32 v1, v1;
	v5 =	vadd.f32 v13, v5;
	v12 =	vadd.f32 v14, v4;
	v41 =	vld [tilespmem:s16+$0xFFFFFF10]  }
0x8d: {  	v0 =	vmul.f32 v0, v0;
	v3 =	vadd.f32 v7, v3;
	v4 =	vadd.f32 v10, v2;
	v10 =	vld [tilespmem:s17+$0xFFFFFF20]  }
0x8e: {  	v5 =	vadd.f32 v11, v5;
	v2 =	vadd.f32 v1, v12;
	v16 =	vld [tilespmem:s16+$0xFFFFFF20]  }
0x8f: {  	v15 =	vld [tilespmem:s17+$0xFFFFFF30];
	v0 =	vadd.f32 v0, v3;
	v12 =	vsub.f32 v25, v26  }
0x90: {  	v18 =	vld [tilespmem:s16+$0xFFFFFF30];
	v13 =	vsub.f32 v27, v28;
	v3 =	vsub.f32 v29, v30  }
0x91: {  	v19 =	vld [tilespmem:s17+$0xFFFFFF40];
	v11 =	vsub.f32 v33, v34;
	v1 =	vsub.f32 v31, v32  }
0x92: {  	v21 =	vld [tilespmem:s16+$0xFFFFFF40];
	v14 =	vsub.f32 v35, v36;
	v7 =	vsub.f32 v37, v38  }
0x93: {  	v20 =	vsub.f32 v17, v9;
	v17 =	vld [tilespmem:s17+$0xFFFFFF80];
	v9 =	vsub.f32 v24, v39  }
0x94: {  	s18 =	simm.s32 $0x25F0;
	s17 =	simm.s32 $0x0;
	v24 =	vsub.f32 v40, v41;
	v22 =	vsub.f32 v22, v23;
	v23 =	vld [tilespmem:s16+$0xFFFFFF80]  }
.LBB2_4:
0x95: {  	v25 =	vld [tilespmem:s18+$0xFFFFFFD0];
	v10 =	vsub.f32 v10, v16;
	v12 =	vmul.f32 v12, v12;
	v13 =	vmul.f32 v13, v13;
	s16 =	sadd.s32 $0x100, s16  }
0x96: {  	v15 =	vsub.f32 v15, v18;
	v11 =	vmul.f32 v11, v11;
	v14 =	vmul.f32 v14, v14;
	v26 =	vld [tilespmem:s16+$0xFFFFFFD0]  }
0x97: {  	v18 =	vmul.f32 v20, v20;
	v27 =	vld [tilespmem:s18+$0xFFFFFFE0];
	v16 =	vsub.f32 v19, v21;
	v19 =	vmul.f32 v22, v22  }
0x98: {  	v6 =	vsub.f32 v6, v8;
	v21 =	vmul.f32 v24, v24;
	v10 =	vmul.f32 v10, v10;
	v20 =	vld [tilespmem:s16+$0xFFFFFFE0]  }
0x99: {  	v8 =	vmul.f32 v15, v15;
	v22 =	vld [tilespmem:s18+$0xFFFFFFF0];
	v15 =	vmul.f32 v16, v16;
	v16 =	vsub.f32 v17, v23  }
0x9a: {  	v6 =	vmul.f32 v6, v6;
	v4 =	vadd.f32 v21, v4;
	v5 =	vadd.f32 v10, v5;
	v17 =	vld [tilespmem:s16+$0xFFFFFFF0]  }
0x9b: {  	v2 =	vadd.f32 v8, v2;
	v21 =	vld [tilespmem:s18+$0x0];
	v0 =	vadd.f32 v15, v0;
	v8 =	vmul.f32 v16, v16  }
0x9c: {  	v7 =	vmul.f32 v7, v7;
	v4 =	vadd.f32 v18, v4;
	v5 =	vadd.f32 v19, v5;
	v23 =	vld [tilespmem:s16+$0x0]  }
0x9d: {  	v2 =	vadd.f32 v6, v2;
	v6 =	vmul.f32 v9, v9;
	v24 =	vld [tilespmem:s18+$0xFFFFFF90];
	v0 =	vadd.f32 v8, v0  }
0x9e: {  	v3 =	vmul.f32 v3, v3;
	v4 =	vadd.f32 v11, v4;
	v5 =	vadd.f32 v14, v5;
	v9 =	vld [tilespmem:s16+$0xFFFFFF90]  }
0x9f: {  	v1 =	vmul.f32 v1, v1;
	v2 =	vadd.f32 v7, v2;
	v14 =	vld [tilespmem:s18+$0xFFFFFFA0];
	v0 =	vadd.f32 v6, v0  }
0xa0: {  	v4 =	vadd.f32 v12, v4;
	v5 =	vadd.f32 v13, v5;
	v7 =	vld [tilespmem:s16+$0xFFFFFFA0]  }
0xa1: {  	v2 =	vadd.f32 v3, v2;
	v28 =	vld [tilespmem:s18+$0xFFFFFFB0];
	v0 =	vadd.f32 v1, v0  }
0xa2: {  	v29 =	vld [tilespmem:s16+$0xFFFFFFB0]  }
0xa3: {  	v30 =	vld [tilespmem:s18+$0xFFFFFFC0]  }
0xa4: {  	v31 =	vld [tilespmem:s16+$0xFFFFFFC0]  }
0xa5: {  	v32 =	vld [tilespmem:s18+$0xFFFFFF50]  }
0xa6: {  	v33 =	vld [tilespmem:s16+$0xFFFFFF50]  }
0xa7: {  	v34 =	vld [tilespmem:s18+$0xFFFFFF60]  }
0xa8: {  	v35 =	vld [tilespmem:s16+$0xFFFFFF60]  }
0xa9: {  	v6 =	vld [tilespmem:s18+$0xFFFFFF70]  }
0xaa: {  	v8 =	vld [tilespmem:s16+$0xFFFFFF70]  }
0xab: {  	v36 =	vld [tilespmem:s18+$0xFFFFFF10]  }
0xac: {  	v37 =	vld [tilespmem:s16+$0xFFFFFF10]  }
0xad: {  	v10 =	vld [tilespmem:s18+$0xFFFFFF20]  }
0xae: {  	s17 =	sadd.s32 $0x2, s17;
	v16 =	vld [tilespmem:s16+$0xFFFFFF20]  }
0xaf: {  	p0 =	slt.u32 s17, $0x3E;
	v12 =	vsub.f32 v25, v26;
	v15 =	vld [tilespmem:s18+$0xFFFFFF30]  }
.Ltmp1:
0xb0: {  	v13 =	vsub.f32 v27, v20;
	v3 =	vsub.f32 v22, v17;
	v18 =	vld [tilespmem:s16+$0xFFFFFF30];
	(pc) =	sbr.rel @p0 .LBB2_4-.Ltmp1, $4  }
0xb1: {  	v1 =	vsub.f32 v21, v23;
	v11 =	vsub.f32 v24, v9;
	v19 =	vld [tilespmem:s18+$0xFFFFFF40]  }
0xb2: {  	v14 =	vsub.f32 v14, v7;
	v7 =	vsub.f32 v28, v29;
	v21 =	vld [tilespmem:s16+$0xFFFFFF40]  }
0xb3: {  	v9 =	vsub.f32 v30, v31;
	v20 =	vsub.f32 v32, v33;
	v17 =	vld [tilespmem:s18+$0xFFFFFF80]  }
0xb4: {  	v22 =	vsub.f32 v34, v35;
	v24 =	vsub.f32 v36, v37;
	s18 =	sadd.s32 $0x100, s18;
	v23 =	vld [tilespmem:s16+$0xFFFFFF80]  }
0xb5: {  	s16 =	simm.s32 $0x0;
	s17 =	simm.s32 $0x2400  }
0xb6: {  	[tilespmem:s17], [sflag:$0x2] =	stream.linear.gather [hbm4b:s10+s16], $0x2000, $0x38;
	[tilespmem:$0x10480] =	vst v63  }
0xb7: {  	s18 =	simm.s32 $0x280  }
0xb8: {  	[tilespmem:s23], [sflag:$0x6] =	stream.indirect.gather [hbm4b:s2+s20], $0x80, s18, s20, $0xb8;
	[tilespmem:$0x10480] =	vst v63  }
0xb9: {  	_ =	swait.ge [sflag:s24], $0x2000  }
0xba: {  	[sflag:s24] =	ssyncset.done $0x0  }
0xbb: {  	[sflag:s24] =	ssyncadd.s32 $0xFFFFE000  }
0xbc: {  	_ =	swait.ge [sflag:s26], $0x2000  }
0xbd: {  	[sflag:s26] =	ssyncset.done $0x0  }
0xbe: {  	s16 =	simm.s32 $0x0;
	[sflag:s26] =	ssyncadd.s32 $0xFFFFE000  }
0xbf: {  	v25 =	vld [tilespmem:s16+$0x44C0]  }
0xc0: {  	v26 =	vld [tilespmem:s16+$0xC4C0]  }
0xc1: {  	v27 =	vld [tilespmem:s16+$0x44D0]  }
0xc2: {  	v28 =	vld [tilespmem:s16+$0xC4D0]  }
0xc3: {  	v29 =	vld [tilespmem:s16+$0x44E0]  }
0xc4: {  	v30 =	vld [tilespmem:s16+$0xC4E0]  }
0xc5: {  	v31 =	vld [tilespmem:s16+$0x44F0]  }
0xc6: {  	v32 =	vld [tilespmem:s16+$0xC4F0]  }
0xc7: {  	v33 =	vld [tilespmem:s16+$0x4480]  }
0xc8: {  	v34 =	vld [tilespmem:s16+$0xC480]  }
0xc9: {  	v35 =	vld [tilespmem:s16+$0x4490]  }
0xca: {  	v36 =	vld [tilespmem:s16+$0xC490]  }
0xcb: {  	v37 =	vld [tilespmem:s16+$0x44A0]  }
0xcc: {  	v10 =	vsub.f32 v10, v16;
	v15 =	vsub.f32 v15, v18;
	v38 =	vld [tilespmem:s16+$0xC4A0]  }
0xcd: {  	v6 =	vsub.f32 v6, v8;
	v12 =	vmul.f32 v12, v12;
	v9 =	vmul.f32 v9, v9;
	v39 =	vld [tilespmem:s16+$0x44B0]  }
0xce: {  	v18 =	vmul.f32 v24, v24;
	v16 =	vsub.f32 v19, v21;
	v10 =	vmul.f32 v10, v10;
	v40 =	vld [tilespmem:s16+$0xC4B0]  }
0xcf: {  	v8 =	vmul.f32 v15, v15;
	v6 =	vmul.f32 v6, v6;
	v24 =	vld [tilespmem:s16+$0x4440]  }
0xd0: {  	v4 =	vadd.f32 v18, v4;
	v15 =	vsub.f32 v17, v23;
	v16 =	vmul.f32 v16, v16;
	v41 =	vld [tilespmem:s16+$0xC440]  }
0xd1: {  	v5 =	vadd.f32 v10, v5;
	v17 =	vmul.f32 v20, v20;
	v2 =	vadd.f32 v8, v2;
	v10 =	vld [tilespmem:s16+$0x4450]  }
0xd2: {  	v8 =	vmul.f32 v22, v22;
	v0 =	vadd.f32 v16, v0;
	v16 =	vmul.f32 v11, v11;
	v11 =	vld [tilespmem:s16+$0xC450]  }
0xd3: {  	v15 =	vmul.f32 v15, v15;
	v4 =	vadd.f32 v17, v4;
	v2 =	vadd.f32 v6, v2;
	v6 =	vld [tilespmem:s16+$0x4460]  }
0xd4: {  	v5 =	vadd.f32 v8, v5;
	v8 =	vmul.f32 v14, v14;
	v14 =	vmul.f32 v7, v7;
	v7 =	vld [tilespmem:s16+$0xC460]  }
0xd5: {  	v3 =	vmul.f32 v3, v3;
	v0 =	vadd.f32 v15, v0;
	v4 =	vadd.f32 v16, v4;
	v15 =	vld [tilespmem:s16+$0x4400]  }
0xd6: {  	v5 =	vadd.f32 v8, v5;
	v8 =	vmul.f32 v13, v13;
	v2 =	vadd.f32 v14, v2;
	v18 =	vld [tilespmem:s16+$0xC400]  }
0xd7: {  	v1 =	vmul.f32 v1, v1;
	v0 =	vadd.f32 v9, v0;
	v4 =	vadd.f32 v12, v4;
	v17 =	vld [tilespmem:s16+$0x4410]  }
0xd8: {  	v5 =	vadd.f32 v8, v5;
	v2 =	vadd.f32 v3, v2;
	v20 =	vld [tilespmem:s16+$0xC410]  }
0xd9: {  	v19 =	vld [tilespmem:s16+$0x4420];
	v0 =	vadd.f32 v1, v0;
	v12 =	vsub.f32 v25, v26  }
0xda: {  	v23 =	vld [tilespmem:s16+$0xC420];
	v13 =	vsub.f32 v27, v28;
	v3 =	vsub.f32 v29, v30  }
0xdb: {  	v21 =	vld [tilespmem:s16+$0x4430];
	v14 =	vsub.f32 v33, v34;
	v1 =	vsub.f32 v31, v32  }
0xdc: {  	v25 =	vld [tilespmem:s16+$0xC430];
	v16 =	vsub.f32 v35, v36;
	v8 =	vsub.f32 v37, v38  }
0xdd: {  	s17 =	simm.s32 $0x0;
	s18 =	simm.s32 $0x400;
	v22 =	vld [tilespmem:s16+$0x4470];
	v24 =	vsub.f32 v24, v41;
	v9 =	vsub.f32 v39, v40  }
.LBB2_6:
0xde: {  	v15 =	vsub.f32 v15, v18;
	v10 =	vsub.f32 v10, v11;
	v11 =	vld [tilespmem:s16+$0xC470];
	s16 =	sshra.s32 s18, $0x2  }
0xdf: {  	v17 =	vsub.f32 v17, v20;
	v12 =	vmul.f32 v12, v12;
	v13 =	vmul.f32 v13, v13;
	v26 =	vld [tilespmem:s16+$0x44C0]  }
0xe0: {  	v14 =	vmul.f32 v14, v14;
	v16 =	vmul.f32 v16, v16;
	v18 =	vsub.f32 v19, v23;
	v27 =	vld [tilespmem:s16+$0xC4C0]  }
0xe1: {  	v20 =	vmul.f32 v24, v24;
	v10 =	vmul.f32 v10, v10;
	v28 =	vld [tilespmem:s16+$0x44D0];
	v19 =	vsub.f32 v21, v25  }
0xe2: {  	v6 =	vsub.f32 v6, v7;
	v15 =	vmul.f32 v15, v15;
	v17 =	vmul.f32 v17, v17;
	v21 =	vld [tilespmem:s16+$0xC4D0]  }
0xe3: {  	v7 =	vmul.f32 v18, v18;
	v24 =	vld [tilespmem:s16+$0x44E0];
	v18 =	vmul.f32 v19, v19;
	v11 =	vsub.f32 v22, v11  }
0xe4: {  	v6 =	vmul.f32 v6, v6;
	v4 =	vadd.f32 v15, v4;
	v5 =	vadd.f32 v17, v5;
	v22 =	vld [tilespmem:s16+$0xC4E0]  }
0xe5: {  	v2 =	vadd.f32 v7, v2;
	v25 =	vld [tilespmem:s16+$0x44F0];
	v0 =	vadd.f32 v18, v0;
	v7 =	vmul.f32 v11, v11  }
0xe6: {  	v8 =	vmul.f32 v8, v8;
	v4 =	vadd.f32 v20, v4;
	v5 =	vadd.f32 v10, v5;
	v29 =	vld [tilespmem:s16+$0xC4F0]  }
0xe7: {  	v2 =	vadd.f32 v6, v2;
	v6 =	vmul.f32 v9, v9;
	v30 =	vld [tilespmem:s16+$0x4480];
	v0 =	vadd.f32 v7, v0  }
0xe8: {  	v3 =	vmul.f32 v3, v3;
	v4 =	vadd.f32 v14, v4;
	v5 =	vadd.f32 v16, v5;
	v9 =	vld [tilespmem:s16+$0xC480]  }
0xe9: {  	v1 =	vmul.f32 v1, v1;
	v2 =	vadd.f32 v8, v2;
	v16 =	vld [tilespmem:s16+$0x4490];
	v0 =	vadd.f32 v6, v0  }
0xea: {  	v4 =	vadd.f32 v12, v4;
	v5 =	vadd.f32 v13, v5;
	v8 =	vld [tilespmem:s16+$0xC490]  }
0xeb: {  	v2 =	vadd.f32 v3, v2;
	v31 =	vld [tilespmem:s16+$0x44A0];
	v0 =	vadd.f32 v1, v0  }
0xec: {  	v32 =	vld [tilespmem:s16+$0xC4A0]  }
0xed: {  	v33 =	vld [tilespmem:s16+$0x44B0]  }
0xee: {  	v34 =	vld [tilespmem:s16+$0xC4B0]  }
0xef: {  	v35 =	vld [tilespmem:s16+$0x4440]  }
0xf0: {  	v36 =	vld [tilespmem:s16+$0xC440]  }
0xf1: {  	v10 =	vld [tilespmem:s16+$0x4450]  }
0xf2: {  	v11 =	vld [tilespmem:s16+$0xC450]  }
0xf3: {  	v6 =	vld [tilespmem:s16+$0x4460]  }
0xf4: {  	v7 =	vld [tilespmem:s16+$0xC460]  }
0xf5: {  	v15 =	vld [tilespmem:s16+$0x4400]  }
0xf6: {  	v18 =	vld [tilespmem:s16+$0xC400]  }
0xf7: {  	s17 =	sadd.s32 $0x2, s17;
	v17 =	vld [tilespmem:s16+$0x4410]  }
0xf8: {  	p0 =	slt.u32 s17, $0x3E;
	v20 =	vld [tilespmem:s16+$0xC410]  }
.Ltmp2:
0xf9: {  	v12 =	vsub.f32 v26, v27;
	v19 =	vld [tilespmem:s16+$0x4420];
	(pc) =	sbr.rel @p0 .LBB2_6-.Ltmp2, $4  }
0xfa: {  	v13 =	vsub.f32 v28, v21;
	v3 =	vsub.f32 v24, v22;
	v23 =	vld [tilespmem:s16+$0xC420]  }
0xfb: {  	v1 =	vsub.f32 v25, v29;
	v14 =	vsub.f32 v30, v9;
	v21 =	vld [tilespmem:s16+$0x4430]  }
0xfc: {  	v16 =	vsub.f32 v16, v8;
	v8 =	vsub.f32 v31, v32;
	v25 =	vld [tilespmem:s16+$0xC430]  }
0xfd: {  	s18 =	sadd.s32 $0x400, s18;
	v9 =	vsub.f32 v33, v34;
	v24 =	vsub.f32 v35, v36;
	v22 =	vld [tilespmem:s16+$0x4470]  }
0xfe: {  	s18 =	simm.s32 $0x0;
	s17 =	simm.s32 $0x4400  }
0xff: {  	v26 =	vld [tilespmem:s16+$0xC470];
	[tilespmem:s17], [sflag:$0x3] =	stream.linear.gather [hbm4b:s11+s18], $0x2000, $0x38  }
0x100: {  	s18 =	simm.s32 $0x300  }
0x101: {  	[tilespmem:s25], [sflag:$0x7] =	stream.indirect.gather [hbm4b:s2+s20], $0x80, s18, s20, $0xb8;
	[tilespmem:$0x10480] =	vst v63  }
0x102: {  	_ =	swait.ge [sflag:s22], $0x2000  }
0x103: {  	[sflag:s22] =	ssyncset.done $0x0  }
0x104: {  	[sflag:s22] =	ssyncadd.s32 $0xFFFFE000  }
0x105: {  	_ =	swait.ge [sflag:s31], $0x2000  }
0x106: {  	[sflag:s31] =	ssyncset.done $0x0  }
0x107: {  	s16 =	simm.s32 $0x0;
	[sflag:s31] =	ssyncadd.s32 $0xFFFFE000  }
0x108: {  	v27 =	vld [tilespmem:s16+$0x64C0]  }
0x109: {  	v28 =	vld [tilespmem:s16+$0xE4C0]  }
0x10a: {  	v29 =	vld [tilespmem:s16+$0x64D0]  }
0x10b: {  	v30 =	vld [tilespmem:s16+$0xE4D0]  }
0x10c: {  	v31 =	vld [tilespmem:s16+$0x64E0]  }
0x10d: {  	v32 =	vld [tilespmem:s16+$0xE4E0]  }
0x10e: {  	v33 =	vld [tilespmem:s16+$0x64F0]  }
0x10f: {  	v34 =	vld [tilespmem:s16+$0xE4F0]  }
0x110: {  	v35 =	vld [tilespmem:s16+$0x6480]  }
0x111: {  	v36 =	vld [tilespmem:s16+$0xE480]  }
0x112: {  	v37 =	vld [tilespmem:s16+$0x6490]  }
0x113: {  	v38 =	vld [tilespmem:s16+$0xE490]  }
0x114: {  	v15 =	vsub.f32 v15, v18;
	v39 =	vld [tilespmem:s16+$0x64A0]  }
0x115: {  	v17 =	vsub.f32 v17, v20;
	v10 =	vsub.f32 v10, v11;
	v40 =	vld [tilespmem:s16+$0xE4A0]  }
0x116: {  	v6 =	vsub.f32 v6, v7;
	v14 =	vmul.f32 v14, v14;
	v18 =	vsub.f32 v19, v23;
	v41 =	vld [tilespmem:s16+$0x64B0]  }
0x117: {  	v15 =	vmul.f32 v15, v15;
	v17 =	vmul.f32 v17, v17;
	v11 =	vsub.f32 v21, v25;
	v42 =	vld [tilespmem:s16+$0xE4B0]  }
0x118: {  	v6 =	vmul.f32 v6, v6;
	v7 =	vmul.f32 v18, v18;
	v18 =	vsub.f32 v22, v26;
	v22 =	vld [tilespmem:s16+$0x6440]  }
0x119: {  	v4 =	vadd.f32 v15, v4;
	v15 =	vmul.f32 v24, v24;
	v11 =	vmul.f32 v11, v11;
	v24 =	vld [tilespmem:s16+$0xE440]  }
0x11a: {  	v5 =	vadd.f32 v17, v5;
	v2 =	vadd.f32 v7, v2;
	v7 =	vmul.f32 v10, v10;
	v10 =	vld [tilespmem:s16+$0x6450]  }
0x11b: {  	v4 =	vadd.f32 v15, v4;
	v15 =	vmul.f32 v16, v16;
	v0 =	vadd.f32 v11, v0;
	v11 =	vld [tilespmem:s16+$0xE450]  }
0x11c: {  	v17 =	vmul.f32 v18, v18;
	v5 =	vadd.f32 v7, v5;
	v2 =	vadd.f32 v6, v2;
	v6 =	vld [tilespmem:s16+$0x6460]  }
0x11d: {  	v8 =	vmul.f32 v8, v8;
	v12 =	vmul.f32 v12, v12;
	v4 =	vadd.f32 v14, v4;
	v7 =	vld [tilespmem:s16+$0xE460]  }
0x11e: {  	v9 =	vmul.f32 v9, v9;
	v0 =	vadd.f32 v17, v0;
	v5 =	vadd.f32 v15, v5;
	v15 =	vld [tilespmem:s16+$0x6400]  }
0x11f: {  	v13 =	vmul.f32 v13, v13;
	v3 =	vmul.f32 v3, v3;
	v2 =	vadd.f32 v8, v2;
	v18 =	vld [tilespmem:s16+$0xE400]  }
0x120: {  	v1 =	vmul.f32 v1, v1;
	v4 =	vadd.f32 v12, v4;
	v17 =	vld [tilespmem:s16+$0x6410];
	v0 =	vadd.f32 v9, v0  }
0x121: {  	v20 =	vld [tilespmem:s16+$0xE410];
	v5 =	vadd.f32 v13, v5;
	v2 =	vadd.f32 v3, v2  }
0x122: {  	v19 =	vld [tilespmem:s16+$0x6420];
	v0 =	vadd.f32 v1, v0;
	v12 =	vsub.f32 v27, v28  }
0x123: {  	v23 =	vld [tilespmem:s16+$0xE420];
	v13 =	vsub.f32 v29, v30;
	v3 =	vsub.f32 v31, v32  }
0x124: {  	v21 =	vld [tilespmem:s16+$0x6430];
	v14 =	vsub.f32 v35, v36;
	v1 =	vsub.f32 v33, v34  }
0x125: {  	v25 =	vld [tilespmem:s16+$0xE430];
	v16 =	vsub.f32 v37, v38;
	v8 =	vsub.f32 v39, v40  }
0x126: {  	s17 =	simm.s32 $0x0;
	s18 =	simm.s32 $0x400;
	v24 =	vsub.f32 v22, v24;
	v22 =	vld [tilespmem:s16+$0x6470];
	v9 =	vsub.f32 v41, v42  }
.LBB2_8:
0x127: {  	v15 =	vsub.f32 v15, v18;
	v10 =	vsub.f32 v10, v11;
	v11 =	vld [tilespmem:s16+$0xE470];
	s16 =	sshra.s32 s18, $0x2  }
0x128: {  	v17 =	vsub.f32 v17, v20;
	v12 =	vmul.f32 v12, v12;
	v13 =	vmul.f32 v13, v13;
	v26 =	vld [tilespmem:s16+$0x64C0]  }
0x129: {  	v14 =	vmul.f32 v14, v14;
	v16 =	vmul.f32 v16, v16;
	v18 =	vsub.f32 v19, v23;
	v27 =	vld [tilespmem:s16+$0xE4C0]  }
0x12a: {  	v20 =	vmul.f32 v24, v24;
	v10 =	vmul.f32 v10, v10;
	v28 =	vld [tilespmem:s16+$0x64D0];
	v19 =	vsub.f32 v21, v25  }
0x12b: {  	v6 =	vsub.f32 v6, v7;
	v15 =	vmul.f32 v15, v15;
	v17 =	vmul.f32 v17, v17;
	v21 =	vld [tilespmem:s16+$0xE4D0]  }
0x12c: {  	v7 =	vmul.f32 v18, v18;
	v24 =	vld [tilespmem:s16+$0x64E0];
	v18 =	vmul.f32 v19, v19;
	v11 =	vsub.f32 v22, v11  }
0x12d: {  	v6 =	vmul.f32 v6, v6;
	v4 =	vadd.f32 v15, v4;
	v5 =	vadd.f32 v17, v5;
	v22 =	vld [tilespmem:s16+$0xE4E0]  }
0x12e: {  	v2 =	vadd.f32 v7, v2;
	v25 =	vld [tilespmem:s16+$0x64F0];
	v0 =	vadd.f32 v18, v0;
	v7 =	vmul.f32 v11, v11  }
0x12f: {  	v8 =	vmul.f32 v8, v8;
	v4 =	vadd.f32 v20, v4;
	v5 =	vadd.f32 v10, v5;
	v29 =	vld [tilespmem:s16+$0xE4F0]  }
0x130: {  	v2 =	vadd.f32 v6, v2;
	v6 =	vmul.f32 v9, v9;
	v30 =	vld [tilespmem:s16+$0x6480];
	v0 =	vadd.f32 v7, v0  }
0x131: {  	v3 =	vmul.f32 v3, v3;
	v4 =	vadd.f32 v14, v4;
	v5 =	vadd.f32 v16, v5;
	v9 =	vld [tilespmem:s16+$0xE480]  }
0x132: {  	v1 =	vmul.f32 v1, v1;
	v2 =	vadd.f32 v8, v2;
	v16 =	vld [tilespmem:s16+$0x6490];
	v0 =	vadd.f32 v6, v0  }
0x133: {  	v4 =	vadd.f32 v12, v4;
	v5 =	vadd.f32 v13, v5;
	v8 =	vld [tilespmem:s16+$0xE490]  }
0x134: {  	v2 =	vadd.f32 v3, v2;
	v31 =	vld [tilespmem:s16+$0x64A0];
	v0 =	vadd.f32 v1, v0  }
0x135: {  	v32 =	vld [tilespmem:s16+$0xE4A0]  }
0x136: {  	v33 =	vld [tilespmem:s16+$0x64B0]  }
0x137: {  	v34 =	vld [tilespmem:s16+$0xE4B0]  }
0x138: {  	v35 =	vld [tilespmem:s16+$0x6440]  }
0x139: {  	v36 =	vld [tilespmem:s16+$0xE440]  }
0x13a: {  	v10 =	vld [tilespmem:s16+$0x6450]  }
0x13b: {  	v11 =	vld [tilespmem:s16+$0xE450]  }
0x13c: {  	v6 =	vld [tilespmem:s16+$0x6460]  }
0x13d: {  	v7 =	vld [tilespmem:s16+$0xE460]  }
0x13e: {  	v15 =	vld [tilespmem:s16+$0x6400]  }
0x13f: {  	v18 =	vld [tilespmem:s16+$0xE400]  }
0x140: {  	s17 =	sadd.s32 $0x2, s17;
	v17 =	vld [tilespmem:s16+$0x6410]  }
0x141: {  	p0 =	slt.u32 s17, $0x3E;
	v20 =	vld [tilespmem:s16+$0xE410]  }
.Ltmp3:
0x142: {  	v12 =	vsub.f32 v26, v27;
	v19 =	vld [tilespmem:s16+$0x6420];
	(pc) =	sbr.rel @p0 .LBB2_8-.Ltmp3, $4  }
0x143: {  	v13 =	vsub.f32 v28, v21;
	v3 =	vsub.f32 v24, v22;
	v23 =	vld [tilespmem:s16+$0xE420]  }
0x144: {  	v1 =	vsub.f32 v25, v29;
	v14 =	vsub.f32 v30, v9;
	v21 =	vld [tilespmem:s16+$0x6430]  }
0x145: {  	v16 =	vsub.f32 v16, v8;
	v8 =	vsub.f32 v31, v32;
	v25 =	vld [tilespmem:s16+$0xE430]  }
0x146: {  	s18 =	sadd.s32 $0x400, s18;
	v9 =	vsub.f32 v33, v34;
	v24 =	vsub.f32 v35, v36;
	v22 =	vld [tilespmem:s16+$0x6470]  }
0x147: {  	s17 =	simm.s32 $0x6400  }
0x148: {  	v26 =	vld [tilespmem:s16+$0xE470];
	[tilespmem:s17], [sflag:$0x4] =	stream.linear.gather [hbm4b:s12+s3], $0x2000, $0x38  }
0x149: {  	s18 =	simm.s32 $0x380  }
0x14a: {  	[tilespmem:s28], [sflag:$0x8] =	stream.indirect.gather [hbm4b:s2+s20], $0x80, s18, s20, $0xb8;
	[tilespmem:$0x10480] =	vst v63  }
0x14b: {  	_ =	swait.ge [sflag:s29], $0x2000  }
0x14c: {  	[sflag:s29] =	ssyncset.done $0x0  }
0x14d: {  	[sflag:s29] =	ssyncadd.s32 $0xFFFFE000  }
0x14e: {  	_ =	swait.ge [sflag:s30], $0x2000  }
0x14f: {  	[sflag:s30] =	ssyncset.done $0x0  }
0x150: {  	s17 =	simm.s32 $0x480;
	[sflag:s30] =	ssyncadd.s32 $0xFFFFE000  }
0x151: {  	s16 =	simm.s32 $0x8480;
	v27 =	vld [tilespmem:s17+$0x40]  }
0x152: {  	v28 =	vld [tilespmem:s16+$0x40]  }
0x153: {  	v29 =	vld [tilespmem:s17+$0x50]  }
0x154: {  	v30 =	vld [tilespmem:s16+$0x50]  }
0x155: {  	v31 =	vld [tilespmem:s17+$0x60]  }
0x156: {  	v32 =	vld [tilespmem:s16+$0x60]  }
0x157: {  	v33 =	vld [tilespmem:s17+$0x70]  }
0x158: {  	v34 =	vld [tilespmem:s16+$0x70]  }
0x159: {  	v35 =	vld [tilespmem:s17+$0x0]  }
0x15a: {  	v36 =	vld [tilespmem:s16+$0x0]  }
0x15b: {  	v37 =	vld [tilespmem:s17+$0x10]  }
0x15c: {  	v38 =	vld [tilespmem:s16+$0x10]  }
0x15d: {  	v15 =	vsub.f32 v15, v18;
	v39 =	vld [tilespmem:s17+$0x20]  }
0x15e: {  	v17 =	vsub.f32 v17, v20;
	v10 =	vsub.f32 v10, v11;
	v20 =	vld [tilespmem:s16+$0x20]  }
0x15f: {  	v6 =	vsub.f32 v6, v7;
	v8 =	vmul.f32 v8, v8;
	v18 =	vsub.f32 v19, v23;
	v23 =	vld [tilespmem:s17+$0x30]  }
0x160: {  	v15 =	vmul.f32 v15, v15;
	v17 =	vmul.f32 v17, v17;
	v11 =	vsub.f32 v21, v25;
	v25 =	vld [tilespmem:s16+$0x30]  }
0x161: {  	v3 =	vmul.f32 v3, v3;
	v7 =	vmul.f32 v18, v18;
	v18 =	vsub.f32 v22, v26;
	v22 =	vld [tilespmem:s17+$0xFFFFFFC0]  }
0x162: {  	v4 =	vadd.f32 v15, v4;
	v5 =	vadd.f32 v17, v5;
	v15 =	vmul.f32 v24, v24;
	v17 =	vld [tilespmem:s16+$0xFFFFFFC0]  }
0x163: {  	v6 =	vmul.f32 v6, v6;
	v11 =	vmul.f32 v11, v11;
	v2 =	vadd.f32 v7, v2;
	v26 =	vld [tilespmem:s17+$0xFFFFFFD0]  }
0x164: {  	v7 =	vmul.f32 v10, v10;
	v10 =	vmul.f32 v14, v14;
	v4 =	vadd.f32 v15, v4;
	v40 =	vld [tilespmem:s16+$0xFFFFFFD0]  }
0x165: {  	v0 =	vadd.f32 v11, v0;
	v11 =	vmul.f32 v18, v18;
	v2 =	vadd.f32 v6, v2;
	v6 =	vld [tilespmem:s17+$0xFFFFFFE0]  }
0x166: {  	v9 =	vmul.f32 v9, v9;
	v14 =	vmul.f32 v16, v16;
	v5 =	vadd.f32 v7, v5;
	v7 =	vld [tilespmem:s16+$0xFFFFFFE0]  }
0x167: {  	v4 =	vadd.f32 v10, v4;
	v10 =	vmul.f32 v12, v12;
	v0 =	vadd.f32 v11, v0;
	v24 =	vld [tilespmem:s17+$0xFFFFFF80]  }
0x168: {  	v5 =	vadd.f32 v14, v5;
	v11 =	vmul.f32 v13, v13;
	v2 =	vadd.f32 v8, v2;
	v41 =	vld [tilespmem:s16+$0xFFFFFF80]  }
0x169: {  	v1 =	vmul.f32 v1, v1;
	v4 =	vadd.f32 v10, v4;
	v14 =	vld [tilespmem:s17+$0xFFFFFF90];
	v0 =	vadd.f32 v9, v0  }
0x16a: {  	v16 =	vld [tilespmem:s16+$0xFFFFFF90];
	v5 =	vadd.f32 v11, v5;
	v2 =	vadd.f32 v3, v2  }
0x16b: {  	v15 =	vld [tilespmem:s17+$0xFFFFFFA0];
	v0 =	vadd.f32 v1, v0;
	v10 =	vsub.f32 v27, v28  }
0x16c: {  	v18 =	vld [tilespmem:s16+$0xFFFFFFA0];
	v11 =	vsub.f32 v29, v30;
	v3 =	vsub.f32 v31, v32  }
0x16d: {  	v19 =	vld [tilespmem:s17+$0xFFFFFFB0];
	v12 =	vsub.f32 v35, v36;
	v1 =	vsub.f32 v33, v34  }
0x16e: {  	v21 =	vld [tilespmem:s16+$0xFFFFFFB0];
	v13 =	vsub.f32 v37, v38;
	v9 =	vsub.f32 v39, v20  }
0x16f: {  	v20 =	vsub.f32 v22, v17;
	v17 =	vld [tilespmem:s17+$0xFFFFFFF0];
	v8 =	vsub.f32 v23, v25  }
0x170: {  	s18 =	simm.s32 $0x580;
	s17 =	simm.s32 $0x0;
	v24 =	vsub.f32 v24, v41;
	v22 =	vsub.f32 v26, v40;
	v23 =	vld [tilespmem:s16+$0xFFFFFFF0]  }
.LBB2_10:
0x171: {  	v25 =	vld [tilespmem:s18+$0x40];
	v14 =	vsub.f32 v14, v16;
	v10 =	vmul.f32 v10, v10;
	v11 =	vmul.f32 v11, v11;
	s16 =	sadd.s32 $0x100, s16  }
0x172: {  	v15 =	vsub.f32 v15, v18;
	v12 =	vmul.f32 v12, v12;
	v13 =	vmul.f32 v13, v13;
	v26 =	vld [tilespmem:s16+$0x40]  }
0x173: {  	v18 =	vmul.f32 v20, v20;
	v27 =	vld [tilespmem:s18+$0x50];
	v16 =	vsub.f32 v19, v21;
	v19 =	vmul.f32 v22, v22  }
0x174: {  	v6 =	vsub.f32 v6, v7;
	v21 =	vmul.f32 v24, v24;
	v14 =	vmul.f32 v14, v14;
	v20 =	vld [tilespmem:s16+$0x50]  }
0x175: {  	v7 =	vmul.f32 v15, v15;
	v22 =	vld [tilespmem:s18+$0x60];
	v15 =	vmul.f32 v16, v16;
	v16 =	vsub.f32 v17, v23  }
0x176: {  	v6 =	vmul.f32 v6, v6;
	v4 =	vadd.f32 v21, v4;
	v5 =	vadd.f32 v14, v5;
	v17 =	vld [tilespmem:s16+$0x60]  }
0x177: {  	v2 =	vadd.f32 v7, v2;
	v21 =	vld [tilespmem:s18+$0x70];
	v0 =	vadd.f32 v15, v0;
	v7 =	vmul.f32 v16, v16  }
0x178: {  	v9 =	vmul.f32 v9, v9;
	v4 =	vadd.f32 v18, v4;
	v5 =	vadd.f32 v19, v5;
	v23 =	vld [tilespmem:s16+$0x70]  }
0x179: {  	v2 =	vadd.f32 v6, v2;
	v6 =	vmul.f32 v8, v8;
	v24 =	vld [tilespmem:s18+$0x0];
	v0 =	vadd.f32 v7, v0  }
0x17a: {  	v3 =	vmul.f32 v3, v3;
	v4 =	vadd.f32 v12, v4;
	v5 =	vadd.f32 v13, v5;
	v8 =	vld [tilespmem:s16+$0x0]  }
0x17b: {  	v1 =	vmul.f32 v1, v1;
	v2 =	vadd.f32 v9, v2;
	v13 =	vld [tilespmem:s18+$0x10];
	v0 =	vadd.f32 v6, v0  }
0x17c: {  	v4 =	vadd.f32 v10, v4;
	v5 =	vadd.f32 v11, v5;
	v9 =	vld [tilespmem:s16+$0x10]  }
0x17d: {  	v2 =	vadd.f32 v3, v2;
	v28 =	vld [tilespmem:s18+$0x20];
	v0 =	vadd.f32 v1, v0  }
0x17e: {  	v29 =	vld [tilespmem:s16+$0x20]  }
0x17f: {  	v30 =	vld [tilespmem:s18+$0x30]  }
0x180: {  	v31 =	vld [tilespmem:s16+$0x30]  }
0x181: {  	v32 =	vld [tilespmem:s18+$0xFFFFFFC0]  }
0x182: {  	v33 =	vld [tilespmem:s16+$0xFFFFFFC0]  }
0x183: {  	v34 =	vld [tilespmem:s18+$0xFFFFFFD0]  }
0x184: {  	v35 =	vld [tilespmem:s16+$0xFFFFFFD0]  }
0x185: {  	v6 =	vld [tilespmem:s18+$0xFFFFFFE0]  }
0x186: {  	v7 =	vld [tilespmem:s16+$0xFFFFFFE0]  }
0x187: {  	v36 =	vld [tilespmem:s18+$0xFFFFFF80]  }
0x188: {  	v37 =	vld [tilespmem:s16+$0xFFFFFF80]  }
0x189: {  	v14 =	vld [tilespmem:s18+$0xFFFFFF90]  }
0x18a: {  	s17 =	sadd.s32 $0x2, s17;
	v16 =	vld [tilespmem:s16+$0xFFFFFF90]  }
0x18b: {  	p0 =	slt.u32 s17, $0x3E;
	v10 =	vsub.f32 v25, v26;
	v15 =	vld [tilespmem:s18+$0xFFFFFFA0]  }
.Ltmp4:
0x18c: {  	v11 =	vsub.f32 v27, v20;
	v3 =	vsub.f32 v22, v17;
	v18 =	vld [tilespmem:s16+$0xFFFFFFA0];
	(pc) =	sbr.rel @p0 .LBB2_10-.Ltmp4, $4  }
0x18d: {  	v1 =	vsub.f32 v21, v23;
	v12 =	vsub.f32 v24, v8;
	v19 =	vld [tilespmem:s18+$0xFFFFFFB0]  }
0x18e: {  	v13 =	vsub.f32 v13, v9;
	v9 =	vsub.f32 v28, v29;
	v21 =	vld [tilespmem:s16+$0xFFFFFFB0]  }
0x18f: {  	v8 =	vsub.f32 v30, v31;
	v20 =	vsub.f32 v32, v33;
	v17 =	vld [tilespmem:s18+$0xFFFFFFF0]  }
0x190: {  	v22 =	vsub.f32 v34, v35;
	v24 =	vsub.f32 v36, v37;
	s18 =	sadd.s32 $0x100, s18;
	v23 =	vld [tilespmem:s16+$0xFFFFFFF0]  }
0x191: {  	_ =	swait.ge [sflag:s0], $0x2000  }
0x192: {  	[sflag:s0] =	ssyncset.done $0x0  }
0x193: {  	[sflag:s0] =	ssyncadd.s32 $0xFFFFE000  }
0x194: {  	_ =	swait.ge [sflag:s1], $0x2000  }
0x195: {  	[sflag:s1] =	ssyncset.done $0x0  }
0x196: {  	s17 =	simm.s32 $0x24F0;
	[sflag:s1] =	ssyncadd.s32 $0xFFFFE000  }
0x197: {  	s16 =	simm.s32 $0xA4F0;
	v25 =	vld [tilespmem:s17+$0xFFFFFFD0]  }
0x198: {  	v26 =	vld [tilespmem:s16+$0xFFFFFFD0]  }
0x199: {  	v27 =	vld [tilespmem:s17+$0xFFFFFFE0]  }
0x19a: {  	v28 =	vld [tilespmem:s16+$0xFFFFFFE0]  }
0x19b: {  	v29 =	vld [tilespmem:s17+$0xFFFFFFF0]  }
0x19c: {  	v30 =	vld [tilespmem:s16+$0xFFFFFFF0]  }
0x19d: {  	v31 =	vld [tilespmem:s17+$0x0]  }
0x19e: {  	v32 =	vld [tilespmem:s16+$0x0]  }
0x19f: {  	v33 =	vld [tilespmem:s17+$0xFFFFFF90]  }
0x1a0: {  	v34 =	vld [tilespmem:s16+$0xFFFFFF90]  }
0x1a1: {  	v35 =	vld [tilespmem:s17+$0xFFFFFFA0]  }
0x1a2: {  	v36 =	vld [tilespmem:s16+$0xFFFFFFA0]  }
0x1a3: {  	v37 =	vld [tilespmem:s17+$0xFFFFFFB0]  }
0x1a4: {  	v14 =	vsub.f32 v14, v16;
	v38 =	vld [tilespmem:s16+$0xFFFFFFB0]  }
0x1a5: {  	v15 =	vsub.f32 v15, v18;
	v6 =	vsub.f32 v6, v7;
	v18 =	vmul.f32 v24, v24;
	v24 =	vld [tilespmem:s17+$0xFFFFFFC0]  }
0x1a6: {  	v12 =	vmul.f32 v12, v12;
	v16 =	vsub.f32 v19, v21;
	v14 =	vmul.f32 v14, v14;
	v39 =	vld [tilespmem:s16+$0xFFFFFFC0]  }
0x1a7: {  	v7 =	vmul.f32 v15, v15;
	v6 =	vmul.f32 v6, v6;
	v15 =	vsub.f32 v17, v23;
	v17 =	vld [tilespmem:s17+$0xFFFFFF50]  }
0x1a8: {  	v16 =	vmul.f32 v16, v16;
	v5 =	vadd.f32 v14, v5;
	v14 =	vmul.f32 v20, v20;
	v20 =	vld [tilespmem:s16+$0xFFFFFF50]  }
0x1a9: {  	v4 =	vadd.f32 v18, v4;
	v2 =	vadd.f32 v7, v2;
	v7 =	vmul.f32 v22, v22;
	v22 =	vld [tilespmem:s17+$0xFFFFFF60]  }
0x1aa: {  	v13 =	vmul.f32 v13, v13;
	v9 =	vmul.f32 v9, v9;
	v0 =	vadd.f32 v16, v0;
	v23 =	vld [tilespmem:s16+$0xFFFFFF60]  }
0x1ab: {  	v15 =	vmul.f32 v15, v15;
	v4 =	vadd.f32 v14, v4;
	v2 =	vadd.f32 v6, v2;
	v6 =	vld [tilespmem:s17+$0xFFFFFF70]  }
0x1ac: {  	v10 =	vmul.f32 v10, v10;
	v8 =	vmul.f32 v8, v8;
	v5 =	vadd.f32 v7, v5;
	v7 =	vld [tilespmem:s16+$0xFFFFFF70]  }
0x1ad: {  	v11 =	vmul.f32 v11, v11;
	v40 =	vld [tilespmem:s17+$0xFFFFFF10];
	v0 =	vadd.f32 v15, v0;
	v4 =	vadd.f32 v12, v4  }
0x1ae: {  	v3 =	vmul.f32 v3, v3;
	v41 =	vld [tilespmem:s16+$0xFFFFFF10];
	v5 =	vadd.f32 v13, v5;
	v2 =	vadd.f32 v9, v2  }
0x1af: {  	v16 =	vld [tilespmem:s16+$0xFFFFFF20];
	v0 =	vadd.f32 v8, v0;
	v4 =	vadd.f32 v10, v4  }
0x1b0: {  	v18 =	vld [tilespmem:s16+$0xFFFFFF30];
	v5 =	vadd.f32 v11, v5;
	v2 =	vadd.f32 v3, v2  }
0x1b1: {  	v19 =	vld [tilespmem:s17+$0xFFFFFF40];
	v12 =	vsub.f32 v25, v26;
	v13 =	vsub.f32 v27, v28  }
0x1b2: {  	v10 =	vld [tilespmem:s17+$0xFFFFFF20];
	v3 =	vsub.f32 v29, v30;
	v11 =	vsub.f32 v33, v34  }
0x1b3: {  	v15 =	vld [tilespmem:s17+$0xFFFFFF30];
	v14 =	vsub.f32 v35, v36;
	v9 =	vsub.f32 v37, v38  }
0x1b4: {  	v1 =	vmul.f32 v1, v1;
	v21 =	vld [tilespmem:s16+$0xFFFFFF40];
	v20 =	vsub.f32 v17, v20;
	v8 =	vsub.f32 v24, v39  }
0x1b5: {  	v17 =	vld [tilespmem:s17+$0xFFFFFF80];
	v24 =	vsub.f32 v40, v41;
	v22 =	vsub.f32 v22, v23  }
0x1b6: {  	s18 =	simm.s32 $0x25F0;
	s17 =	simm.s32 $0x0;
	v23 =	vld [tilespmem:s16+$0xFFFFFF80];
	v0 =	vadd.f32 v1, v0;
	v1 =	vsub.f32 v31, v32  }
.LBB2_12:
0x1b7: {  	v25 =	vld [tilespmem:s18+$0xFFFFFFD0];
	v10 =	vsub.f32 v10, v16;
	v12 =	vmul.f32 v12, v12;
	v13 =	vmul.f32 v13, v13;
	s16 =	sadd.s32 $0x100, s16  }
0x1b8: {  	v15 =	vsub.f32 v15, v18;
	v11 =	vmul.f32 v11, v11;
	v14 =	vmul.f32 v14, v14;
	v26 =	vld [tilespmem:s16+$0xFFFFFFD0]  }
0x1b9: {  	v18 =	vmul.f32 v20, v20;
	v27 =	vld [tilespmem:s18+$0xFFFFFFE0];
	v16 =	vsub.f32 v19, v21;
	v19 =	vmul.f32 v22, v22  }
0x1ba: {  	v6 =	vsub.f32 v6, v7;
	v21 =	vmul.f32 v24, v24;
	v10 =	vmul.f32 v10, v10;
	v20 =	vld [tilespmem:s16+$0xFFFFFFE0]  }
0x1bb: {  	v7 =	vmul.f32 v15, v15;
	v22 =	vld [tilespmem:s18+$0xFFFFFFF0];
	v15 =	vmul.f32 v16, v16;
	v16 =	vsub.f32 v17, v23  }
0x1bc: {  	v6 =	vmul.f32 v6, v6;
	v4 =	vadd.f32 v21, v4;
	v5 =	vadd.f32 v10, v5;
	v17 =	vld [tilespmem:s16+$0xFFFFFFF0]  }
0x1bd: {  	v2 =	vadd.f32 v7, v2;
	v21 =	vld [tilespmem:s18+$0x0];
	v0 =	vadd.f32 v15, v0;
	v7 =	vmul.f32 v16, v16  }
0x1be: {  	v9 =	vmul.f32 v9, v9;
	v4 =	vadd.f32 v18, v4;
	v5 =	vadd.f32 v19, v5;
	v23 =	vld [tilespmem:s16+$0x0]  }
0x1bf: {  	v2 =	vadd.f32 v6, v2;
	v6 =	vmul.f32 v8, v8;
	v24 =	vld [tilespmem:s18+$0xFFFFFF90];
	v0 =	vadd.f32 v7, v0  }
0x1c0: {  	v3 =	vmul.f32 v3, v3;
	v4 =	vadd.f32 v11, v4;
	v5 =	vadd.f32 v14, v5;
	v8 =	vld [tilespmem:s16+$0xFFFFFF90]  }
0x1c1: {  	v1 =	vmul.f32 v1, v1;
	v2 =	vadd.f32 v9, v2;
	v14 =	vld [tilespmem:s18+$0xFFFFFFA0];
	v0 =	vadd.f32 v6, v0  }
0x1c2: {  	v4 =	vadd.f32 v12, v4;
	v5 =	vadd.f32 v13, v5;
	v9 =	vld [tilespmem:s16+$0xFFFFFFA0]  }
0x1c3: {  	v2 =	vadd.f32 v3, v2;
	v28 =	vld [tilespmem:s18+$0xFFFFFFB0];
	v0 =	vadd.f32 v1, v0  }
0x1c4: {  	v29 =	vld [tilespmem:s16+$0xFFFFFFB0]  }
0x1c5: {  	v30 =	vld [tilespmem:s18+$0xFFFFFFC0]  }
0x1c6: {  	v31 =	vld [tilespmem:s16+$0xFFFFFFC0]  }
0x1c7: {  	v32 =	vld [tilespmem:s18+$0xFFFFFF50]  }
0x1c8: {  	v33 =	vld [tilespmem:s16+$0xFFFFFF50]  }
0x1c9: {  	v34 =	vld [tilespmem:s18+$0xFFFFFF60]  }
0x1ca: {  	v35 =	vld [tilespmem:s16+$0xFFFFFF60]  }
0x1cb: {  	v6 =	vld [tilespmem:s18+$0xFFFFFF70]  }
0x1cc: {  	v7 =	vld [tilespmem:s16+$0xFFFFFF70]  }
0x1cd: {  	v36 =	vld [tilespmem:s18+$0xFFFFFF10]  }
0x1ce: {  	v37 =	vld [tilespmem:s16+$0xFFFFFF10]  }
0x1cf: {  	v10 =	vld [tilespmem:s18+$0xFFFFFF20]  }
0x1d0: {  	s17 =	sadd.s32 $0x2, s17;
	v16 =	vld [tilespmem:s16+$0xFFFFFF20]  }
0x1d1: {  	p0 =	slt.u32 s17, $0x3E;
	v12 =	vsub.f32 v25, v26;
	v15 =	vld [tilespmem:s18+$0xFFFFFF30]  }
.Ltmp5:
0x1d2: {  	v13 =	vsub.f32 v27, v20;
	v3 =	vsub.f32 v22, v17;
	v18 =	vld [tilespmem:s16+$0xFFFFFF30];
	(pc) =	sbr.rel @p0 .LBB2_12-.Ltmp5, $4  }
0x1d3: {  	v1 =	vsub.f32 v21, v23;
	v11 =	vsub.f32 v24, v8;
	v19 =	vld [tilespmem:s18+$0xFFFFFF40]  }
0x1d4: {  	v14 =	vsub.f32 v14, v9;
	v9 =	vsub.f32 v28, v29;
	v21 =	vld [tilespmem:s16+$0xFFFFFF40]  }
0x1d5: {  	v8 =	vsub.f32 v30, v31;
	v20 =	vsub.f32 v32, v33;
	v17 =	vld [tilespmem:s18+$0xFFFFFF80]  }
0x1d6: {  	v22 =	vsub.f32 v34, v35;
	v24 =	vsub.f32 v36, v37;
	s18 =	sadd.s32 $0x100, s18;
	v23 =	vld [tilespmem:s16+$0xFFFFFF80]  }
0x1d7: {  	_ =	swait.ge [sflag:s24], $0x2000  }
0x1d8: {  	[sflag:s24] =	ssyncset.done $0x0  }
0x1d9: {  	[sflag:s24] =	ssyncadd.s32 $0xFFFFE000  }
0x1da: {  	_ =	swait.ge [sflag:s26], $0x2000  }
0x1db: {  	[sflag:s26] =	ssyncset.done $0x0  }
0x1dc: {  	s16 =	simm.s32 $0x0;
	[sflag:s26] =	ssyncadd.s32 $0xFFFFE000  }
0x1dd: {  	v25 =	vld [tilespmem:s16+$0x44C0]  }
0x1de: {  	v26 =	vld [tilespmem:s16+$0xC4C0]  }
0x1df: {  	v27 =	vld [tilespmem:s16+$0x44D0]  }
0x1e0: {  	v28 =	vld [tilespmem:s16+$0xC4D0]  }
0x1e1: {  	v29 =	vld [tilespmem:s16+$0x44E0]  }
0x1e2: {  	v30 =	vld [tilespmem:s16+$0xC4E0]  }
0x1e3: {  	v31 =	vld [tilespmem:s16+$0x44F0]  }
0x1e4: {  	v32 =	vld [tilespmem:s16+$0xC4F0]  }
0x1e5: {  	v33 =	vld [tilespmem:s16+$0x4480]  }
0x1e6: {  	v34 =	vld [tilespmem:s16+$0xC480]  }
0x1e7: {  	v35 =	vld [tilespmem:s16+$0x4490]  }
0x1e8: {  	v36 =	vld [tilespmem:s16+$0xC490]  }
0x1e9: {  	v37 =	vld [tilespmem:s16+$0x44A0]  }
0x1ea: {  	v10 =	vsub.f32 v10, v16;
	v15 =	vsub.f32 v15, v18;
	v38 =	vld [tilespmem:s16+$0xC4A0]  }
0x1eb: {  	v6 =	vsub.f32 v6, v7;
	v14 =	vmul.f32 v14, v14;
	v9 =	vmul.f32 v9, v9;
	v39 =	vld [tilespmem:s16+$0x44B0]  }
0x1ec: {  	v18 =	vmul.f32 v24, v24;
	v16 =	vsub.f32 v19, v21;
	v10 =	vmul.f32 v10, v10;
	v40 =	vld [tilespmem:s16+$0xC4B0]  }
0x1ed: {  	v7 =	vmul.f32 v15, v15;
	v6 =	vmul.f32 v6, v6;
	v24 =	vld [tilespmem:s16+$0x4440]  }
0x1ee: {  	v4 =	vadd.f32 v18, v4;
	v15 =	vsub.f32 v17, v23;
	v16 =	vmul.f32 v16, v16;
	v41 =	vld [tilespmem:s16+$0xC440]  }
0x1ef: {  	v5 =	vadd.f32 v10, v5;
	v17 =	vmul.f32 v20, v20;
	v2 =	vadd.f32 v7, v2;
	v10 =	vld [tilespmem:s16+$0x4450]  }
0x1f0: {  	v7 =	vmul.f32 v22, v22;
	v0 =	vadd.f32 v16, v0;
	v16 =	vmul.f32 v11, v11;
	v11 =	vld [tilespmem:s16+$0xC450]  }
0x1f1: {  	v15 =	vmul.f32 v15, v15;
	v4 =	vadd.f32 v17, v4;
	v2 =	vadd.f32 v6, v2;
	v6 =	vld [tilespmem:s16+$0x4460]  }
0x1f2: {  	v12 =	vmul.f32 v12, v12;
	v8 =	vmul.f32 v8, v8;
	v5 =	vadd.f32 v7, v5;
	v7 =	vld [tilespmem:s16+$0xC460]  }
0x1f3: {  	v13 =	vmul.f32 v13, v13;
	v18 =	vld [tilespmem:s16+$0xC400];
	v0 =	vadd.f32 v15, v0;
	v4 =	vadd.f32 v16, v4  }
0x1f4: {  	v3 =	vmul.f32 v3, v3;
	v17 =	vld [tilespmem:s16+$0x4410];
	v5 =	vadd.f32 v14, v5;
	v2 =	vadd.f32 v9, v2  }
0x1f5: {  	v20 =	vld [tilespmem:s16+$0xC410];
	v0 =	vadd.f32 v8, v0;
	v4 =	vadd.f32 v12, v4  }
0x1f6: {  	v19 =	vld [tilespmem:s16+$0x4420];
	v5 =	vadd.f32 v13, v5;
	v2 =	vadd.f32 v3, v2  }
0x1f7: {  	v15 =	vld [tilespmem:s16+$0x4400];
	v12 =	vsub.f32 v25, v26;
	v13 =	vsub.f32 v27, v28  }
0x1f8: {  	v23 =	vld [tilespmem:s16+$0xC420];
	v3 =	vsub.f32 v29, v30;
	v14 =	vsub.f32 v33, v34  }
0x1f9: {  	v1 =	vmul.f32 v1, v1;
	v21 =	vld [tilespmem:s16+$0x4430];
	v16 =	vsub.f32 v35, v36;
	v8 =	vsub.f32 v37, v38  }
0x1fa: {  	v25 =	vld [tilespmem:s16+$0xC430];
	v24 =	vsub.f32 v24, v41;
	v9 =	vsub.f32 v39, v40  }
0x1fb: {  	s17 =	simm.s32 $0x0;
	s18 =	simm.s32 $0x400;
	v22 =	vld [tilespmem:s16+$0x4470];
	v0 =	vadd.f32 v1, v0;
	v1 =	vsub.f32 v31, v32  }
.LBB2_14:
0x1fc: {  	v15 =	vsub.f32 v15, v18;
	v10 =	vsub.f32 v10, v11;
	v11 =	vld [tilespmem:s16+$0xC470];
	s16 =	sshra.s32 s18, $0x2  }
0x1fd: {  	v17 =	vsub.f32 v17, v20;
	v12 =	vmul.f32 v12, v12;
	v13 =	vmul.f32 v13, v13;
	v26 =	vld [tilespmem:s16+$0x44C0]  }
0x1fe: {  	v14 =	vmul.f32 v14, v14;
	v16 =	vmul.f32 v16, v16;
	v18 =	vsub.f32 v19, v23;
	v27 =	vld [tilespmem:s16+$0xC4C0]  }
0x1ff: {  	v20 =	vmul.f32 v24, v24;
	v10 =	vmul.f32 v10, v10;
	v28 =	vld [tilespmem:s16+$0x44D0];
	v19 =	vsub.f32 v21, v25  }
0x200: {  	v6 =	vsub.f32 v6, v7;
	v15 =	vmul.f32 v15, v15;
	v17 =	vmul.f32 v17, v17;
	v21 =	vld [tilespmem:s16+$0xC4D0]  }
0x201: {  	v7 =	vmul.f32 v18, v18;
	v24 =	vld [tilespmem:s16+$0x44E0];
	v18 =	vmul.f32 v19, v19;
	v11 =	vsub.f32 v22, v11  }
0x202: {  	v6 =	vmul.f32 v6, v6;
	v4 =	vadd.f32 v15, v4;
	v5 =	vadd.f32 v17, v5;
	v22 =	vld [tilespmem:s16+$0xC4E0]  }
0x203: {  	v2 =	vadd.f32 v7, v2;
	v25 =	vld [tilespmem:s16+$0x44F0];
	v0 =	vadd.f32 v18, v0;
	v7 =	vmul.f32 v11, v11  }
0x204: {  	v8 =	vmul.f32 v8, v8;
	v4 =	vadd.f32 v20, v4;
	v5 =	vadd.f32 v10, v5;
	v29 =	vld [tilespmem:s16+$0xC4F0]  }
0x205: {  	v2 =	vadd.f32 v6, v2;
	v6 =	vmul.f32 v9, v9;
	v30 =	vld [tilespmem:s16+$0x4480];
	v0 =	vadd.f32 v7, v0  }
0x206: {  	v3 =	vmul.f32 v3, v3;
	v4 =	vadd.f32 v14, v4;
	v5 =	vadd.f32 v16, v5;
	v9 =	vld [tilespmem:s16+$0xC480]  }
0x207: {  	v1 =	vmul.f32 v1, v1;
	v2 =	vadd.f32 v8, v2;
	v16 =	vld [tilespmem:s16+$0x4490];
	v0 =	vadd.f32 v6, v0  }
0x208: {  	v4 =	vadd.f32 v12, v4;
	v5 =	vadd.f32 v13, v5;
	v8 =	vld [tilespmem:s16+$0xC490]  }
0x209: {  	v2 =	vadd.f32 v3, v2;
	v31 =	vld [tilespmem:s16+$0x44A0];
	v0 =	vadd.f32 v1, v0  }
0x20a: {  	v32 =	vld [tilespmem:s16+$0xC4A0]  }
0x20b: {  	v33 =	vld [tilespmem:s16+$0x44B0]  }
0x20c: {  	v34 =	vld [tilespmem:s16+$0xC4B0]  }
0x20d: {  	v35 =	vld [tilespmem:s16+$0x4440]  }
0x20e: {  	v36 =	vld [tilespmem:s16+$0xC440]  }
0x20f: {  	v10 =	vld [tilespmem:s16+$0x4450]  }
0x210: {  	v11 =	vld [tilespmem:s16+$0xC450]  }
0x211: {  	v6 =	vld [tilespmem:s16+$0x4460]  }
0x212: {  	v7 =	vld [tilespmem:s16+$0xC460]  }
0x213: {  	v15 =	vld [tilespmem:s16+$0x4400]  }
0x214: {  	v18 =	vld [tilespmem:s16+$0xC400]  }
0x215: {  	s17 =	sadd.s32 $0x2, s17;
	v17 =	vld [tilespmem:s16+$0x4410]  }
0x216: {  	p0 =	slt.u32 s17, $0x3E;
	v20 =	vld [tilespmem:s16+$0xC410]  }
.Ltmp6:
0x217: {  	v12 =	vsub.f32 v26, v27;
	v19 =	vld [tilespmem:s16+$0x4420];
	(pc) =	sbr.rel @p0 .LBB2_14-.Ltmp6, $4  }
0x218: {  	v13 =	vsub.f32 v28, v21;
	v3 =	vsub.f32 v24, v22;
	v23 =	vld [tilespmem:s16+$0xC420]  }
0x219: {  	v1 =	vsub.f32 v25, v29;
	v14 =	vsub.f32 v30, v9;
	v21 =	vld [tilespmem:s16+$0x4430]  }
0x21a: {  	v16 =	vsub.f32 v16, v8;
	v8 =	vsub.f32 v31, v32;
	v25 =	vld [tilespmem:s16+$0xC430]  }
0x21b: {  	s18 =	sadd.s32 $0x400, s18;
	v9 =	vsub.f32 v33, v34;
	v24 =	vsub.f32 v35, v36;
	v22 =	vld [tilespmem:s16+$0x4470]  }
0x21c: {  	v26 =	vld [tilespmem:s16+$0xC470];
	_ =	swait.ge [sflag:s22], $0x2000  }
0x21d: {  	[sflag:s22] =	ssyncset.done $0x0  }
0x21e: {  	[sflag:s22] =	ssyncadd.s32 $0xFFFFE000  }
0x21f: {  	_ =	swait.ge [sflag:s31], $0x2000  }
0x220: {  	[sflag:s31] =	ssyncset.done $0x0  }
0x221: {  	s16 =	simm.s32 $0x0;
	[sflag:s31] =	ssyncadd.s32 $0xFFFFE000  }
0x222: {  	v27 =	vld [tilespmem:s16+$0x64C0]  }
0x223: {  	v28 =	vld [tilespmem:s16+$0xE4C0]  }
0x224: {  	v29 =	vld [tilespmem:s16+$0x64D0]  }
0x225: {  	v30 =	vld [tilespmem:s16+$0xE4D0]  }
0x226: {  	v31 =	vld [tilespmem:s16+$0x64E0]  }
0x227: {  	v32 =	vld [tilespmem:s16+$0xE4E0]  }
0x228: {  	v33 =	vld [tilespmem:s16+$0x64F0]  }
0x229: {  	v34 =	vld [tilespmem:s16+$0xE4F0]  }
0x22a: {  	v35 =	vld [tilespmem:s16+$0x6480]  }
0x22b: {  	v36 =	vld [tilespmem:s16+$0xE480]  }
0x22c: {  	v37 =	vld [tilespmem:s16+$0x6490]  }
0x22d: {  	v38 =	vld [tilespmem:s16+$0xE490]  }
0x22e: {  	v15 =	vsub.f32 v15, v18;
	v39 =	vld [tilespmem:s16+$0x64A0]  }
0x22f: {  	v17 =	vsub.f32 v17, v20;
	v6 =	vsub.f32 v6, v7;
	v40 =	vld [tilespmem:s16+$0xE4A0]  }
0x230: {  	v14 =	vmul.f32 v14, v14;
	v18 =	vsub.f32 v19, v23;
	v15 =	vmul.f32 v15, v15;
	v41 =	vld [tilespmem:s16+$0x64B0]  }
0x231: {  	v10 =	vsub.f32 v10, v11;
	v17 =	vmul.f32 v17, v17;
	v6 =	vmul.f32 v6, v6;
	v42 =	vld [tilespmem:s16+$0xE4B0]  }
0x232: {  	v11 =	vsub.f32 v21, v25;
	v7 =	vmul.f32 v18, v18;
	v4 =	vadd.f32 v15, v4;
	v25 =	vld [tilespmem:s16+$0x6440]  }
0x233: {  	v5 =	vadd.f32 v17, v5;
	v15 =	vmul.f32 v24, v24;
	v18 =	vsub.f32 v22, v26;
	v26 =	vld [tilespmem:s16+$0xE440]  }
0x234: {  	v11 =	vmul.f32 v11, v11;
	v2 =	vadd.f32 v7, v2;
	v7 =	vmul.f32 v10, v10;
	v10 =	vld [tilespmem:s16+$0x6450]  }
0x235: {  	v4 =	vadd.f32 v15, v4;
	v15 =	vmul.f32 v16, v16;
	v16 =	vmul.f32 v13, v13;
	v13 =	vld [tilespmem:s16+$0x6410]  }
0x236: {  	v8 =	vmul.f32 v8, v8;
	v19 =	vld [tilespmem:s16+$0xE420];
	v0 =	vadd.f32 v11, v0;
	v17 =	vmul.f32 v18, v18  }
0x237: {  	v9 =	vmul.f32 v9, v9;
	v23 =	vld [tilespmem:s16+$0xE430];
	v5 =	vadd.f32 v7, v5;
	v2 =	vadd.f32 v6, v2  }
0x238: {  	v11 =	vld [tilespmem:s16+$0xE450];
	v4 =	vadd.f32 v14, v4;
	v14 =	vmul.f32 v12, v12;
	v0 =	vadd.f32 v17, v0  }
0x239: {  	v6 =	vld [tilespmem:s16+$0x6460];
	v5 =	vadd.f32 v15, v5;
	v17 =	vmul.f32 v3, v3;
	v2 =	vadd.f32 v8, v2  }
0x23a: {  	v7 =	vld [tilespmem:s16+$0xE460];
	v8 =	vadd.f32 v9, v0;
	v9 =	vmul.f32 v1, v1;
	v1 =	vadd.f32 v14, v4  }
0x23b: {  	v12 =	vld [tilespmem:s16+$0x6400];
	v3 =	vadd.f32 v16, v5;
	v0 =	vadd.f32 v17, v2  }
0x23c: {  	v15 =	vld [tilespmem:s16+$0xE400];
	v20 =	vsub.f32 v27, v28;
	v21 =	vsub.f32 v29, v30  }
0x23d: {  	v17 =	vld [tilespmem:s16+$0xE410];
	v5 =	vsub.f32 v31, v32;
	v22 =	vsub.f32 v35, v36  }
0x23e: {  	v14 =	vld [tilespmem:s16+$0x6420];
	v4 =	vsub.f32 v33, v34;
	v24 =	vsub.f32 v37, v38  }
0x23f: {  	v18 =	vld [tilespmem:s16+$0x6430];
	v25 =	vsub.f32 v25, v26;
	v2 =	vadd.f32 v9, v8  }
0x240: {  	s17 =	simm.s32 $0x0;
	s18 =	simm.s32 $0x400;
	v16 =	vld [tilespmem:s16+$0x6470];
	v8 =	vsub.f32 v39, v40;
	v9 =	vsub.f32 v41, v42  }
.LBB2_16:
0x241: {  	v12 =	vsub.f32 v12, v15;
	v10 =	vsub.f32 v10, v11;
	v11 =	vld [tilespmem:s16+$0xE470];
	s16 =	sshra.s32 s18, $0x2  }
0x242: {  	v13 =	vsub.f32 v13, v17;
	v15 =	vmul.f32 v20, v20;
	v17 =	vmul.f32 v21, v21;
	v26 =	vld [tilespmem:s16+$0x64C0]  }
0x243: {  	v21 =	vmul.f32 v24, v24;
	v14 =	vsub.f32 v14, v19;
	v19 =	vmul.f32 v22, v22;
	v20 =	vld [tilespmem:s16+$0xE4C0]  }
0x244: {  	v10 =	vmul.f32 v10, v10;
	v22 =	vld [tilespmem:s16+$0x64D0];
	v18 =	vsub.f32 v18, v23;
	v23 =	vmul.f32 v25, v25  }
0x245: {  	v6 =	vsub.f32 v6, v7;
	v12 =	vmul.f32 v12, v12;
	v13 =	vmul.f32 v13, v13;
	v24 =	vld [tilespmem:s16+$0xE4D0]  }
0x246: {  	v7 =	vmul.f32 v14, v14;
	v25 =	vld [tilespmem:s16+$0x64E0];
	v14 =	vmul.f32 v18, v18;
	v11 =	vsub.f32 v16, v11  }
0x247: {  	v6 =	vmul.f32 v6, v6;
	v1 =	vadd.f32 v12, v1;
	v3 =	vadd.f32 v13, v3;
	v16 =	vld [tilespmem:s16+$0xE4E0]  }
0x248: {  	v0 =	vadd.f32 v7, v0;
	v27 =	vld [tilespmem:s16+$0x64F0];
	v2 =	vadd.f32 v14, v2;
	v7 =	vmul.f32 v11, v11  }
0x249: {  	v8 =	vmul.f32 v8, v8;
	v1 =	vadd.f32 v23, v1;
	v3 =	vadd.f32 v10, v3;
	v28 =	vld [tilespmem:s16+$0xE4F0]  }
0x24a: {  	v0 =	vadd.f32 v6, v0;
	v6 =	vmul.f32 v9, v9;
	v23 =	vld [tilespmem:s16+$0x6480];
	v2 =	vadd.f32 v7, v2  }
0x24b: {  	v5 =	vmul.f32 v5, v5;
	v1 =	vadd.f32 v19, v1;
	v3 =	vadd.f32 v21, v3;
	v9 =	vld [tilespmem:s16+$0xE480]  }
0x24c: {  	v4 =	vmul.f32 v4, v4;
	v0 =	vadd.f32 v8, v0;
	v29 =	vld [tilespmem:s16+$0x6490];
	v2 =	vadd.f32 v6, v2  }
0x24d: {  	v1 =	vadd.f32 v15, v1;
	v3 =	vadd.f32 v17, v3;
	v8 =	vld [tilespmem:s16+$0xE490]  }
0x24e: {  	v0 =	vadd.f32 v5, v0;
	v30 =	vld [tilespmem:s16+$0x64A0];
	v2 =	vadd.f32 v4, v2  }
0x24f: {  	v31 =	vld [tilespmem:s16+$0xE4A0]  }
0x250: {  	v32 =	vld [tilespmem:s16+$0x64B0]  }
0x251: {  	v33 =	vld [tilespmem:s16+$0xE4B0]  }
0x252: {  	v34 =	vld [tilespmem:s16+$0x6440]  }
0x253: {  	v35 =	vld [tilespmem:s16+$0xE440]  }
0x254: {  	v10 =	vld [tilespmem:s16+$0x6450]  }
0x255: {  	v11 =	vld [tilespmem:s16+$0xE450]  }
0x256: {  	v6 =	vld [tilespmem:s16+$0x6460]  }
0x257: {  	v7 =	vld [tilespmem:s16+$0xE460]  }
0x258: {  	v12 =	vld [tilespmem:s16+$0x6400]  }
0x259: {  	v15 =	vld [tilespmem:s16+$0xE400]  }
0x25a: {  	s17 =	sadd.s32 $0x2, s17;
	v13 =	vld [tilespmem:s16+$0x6410]  }
0x25b: {  	p0 =	slt.u32 s17, $0x3E;
	v17 =	vld [tilespmem:s16+$0xE410]  }
.Ltmp7:
0x25c: {  	v20 =	vsub.f32 v26, v20;
	v14 =	vld [tilespmem:s16+$0x6420];
	(pc) =	sbr.rel @p0 .LBB2_16-.Ltmp7, $4  }
0x25d: {  	v21 =	vsub.f32 v22, v24;
	v5 =	vsub.f32 v25, v16;
	v19 =	vld [tilespmem:s16+$0xE420]  }
0x25e: {  	v4 =	vsub.f32 v27, v28;
	v22 =	vsub.f32 v23, v9;
	v18 =	vld [tilespmem:s16+$0x6430]  }
0x25f: {  	v24 =	vsub.f32 v29, v8;
	v8 =	vsub.f32 v30, v31;
	v23 =	vld [tilespmem:s16+$0xE430]  }
0x260: {  	s18 =	sadd.s32 $0x400, s18;
	v9 =	vsub.f32 v32, v33;
	v25 =	vsub.f32 v34, v35;
	v16 =	vld [tilespmem:s16+$0x6470]  }
0x261: {  	v12 =	vsub.f32 v12, v15;
	v10 =	vsub.f32 v10, v11;
	v54 =	vld [tilespmem:s16+$0xE470]  }
0x262: {  	v13 =	vsub.f32 v13, v17;
	v55 =	vmul.f32 v20, v20;
	v56 =	vmul.f32 v21, v21  }
0x263: {  	v57 =	vmul.f32 v22, v22;
	v58 =	vmul.f32 v24, v24;
	v14 =	vsub.f32 v14, v19  }
0x264: {  	v59 =	vmul.f32 v25, v25;
	v10 =	vmul.f32 v10, v10;
	v18 =	vsub.f32 v18, v23  }
0x265: {  	v6 =	vsub.f32 v6, v7;
	v12 =	vmul.f32 v12, v12;
	v13 =	vmul.f32 v13, v13  }
0x266: {  	v60 =	vmul.f32 v14, v14;
	v61 =	vmul.f32 v18, v18;
	v11 =	vsub.f32 v16, v54  }
0x267: {  	v6 =	vmul.f32 v6, v6;
	v1 =	vadd.f32 v12, v1;
	v3 =	vadd.f32 v13, v3  }
0x268: {  	v0 =	vadd.f32 v60, v0;
	v2 =	vadd.f32 v61, v2;
	v62 =	vmul.f32 v11, v11  }
0x269: {  	v8 =	vmul.f32 v8, v8;
	v1 =	vadd.f32 v59, v1;
	v3 =	vadd.f32 v10, v3  }
0x26a: {  	v63 =	vmul.f32 v9, v9;
	v0 =	vadd.f32 v6, v0;
	v2 =	vadd.f32 v62, v2  }
0x26b: {  	v5 =	vmul.f32 v5, v5;
	v1 =	vadd.f32 v57, v1;
	v3 =	vadd.f32 v58, v3  }
0x26c: {  	v4 =	vmul.f32 v4, v4;
	v0 =	vadd.f32 v8, v0;
	v2 =	vadd.f32 v63, v2  }
0x26d: {  	v1 =	vadd.f32 v55, v1;
	v3 =	vadd.f32 v56, v3  }
0x26e: {  	v0 =	vadd.f32 v5, v0;
	v2 =	vadd.f32 v4, v2;
	_ =	sdelay $0x1  }
0x26f: {  	v1 =	vadd.f32 v3, v1;
	v0 =	vadd.f32 v2, v0;
	_ =	sdelay $0x1  }
0x270: {  	s15 =	sadd.s32 $0x1, s15;
	v0 =	vadd.f32 v0, v1  }
0x271: {  	p0 =	sne.s32 s15, s14  }
.Ltmp8:
0x272: {  	s18 =	simm.s32 $0x10400;
	[tilespmem:$0x10400] =	vst v0;
	(pc) =	sbr.rel @p0 .LBB2_1-.Ltmp8, $4  }
0x273: {  	[hbm4b:s13+s3] =	stream.linear.scatter [tilespmem:s18], [sflag:$0x9], $0x80, $0x38;
	[tilespmem:$0x10480] =	vst v63  }
0x274: {  	_ =	swait.ge [sflag:s19], $0x80  }
0x275: {  	[sflag:s19] =	ssyncset.done $0x0  }
0x276: {  	[sflag:s19] =	ssyncadd.s32 $0xFFFFFF80  }
0x277: {  	_ =	sfence.sel $0x180000  }
0x278: {  	[bflag:$0x0] =	sbarrier.arrive $0xFFFF  }
0x279: {  	_ =	strace $0x90000047  }
0x27a: {  	s0 =	stileid.u32;
	[bflag:$0x2] =	sbarrier.arrive $0xFFFF  }
0x27b: {  	p0 =	sne.s32 s0, $0x0;
	s0 =	rddreg [dreg:$0x3]  }
0x27c: {  	s0 =	sadd.s32 @!p0 $0x100000, s0  }
0x27d: {  	[sflag:s0] =	ssyncadd.tile.s32 @!p0 $0x1;
	_ =	shalt  }
.Lfunc_end2:
_tile_overlayer_lowered:
.L_overlay_start_2:
0x27e: {  	(tag) =	ssettag $0x2  }
0x27f: {  	s0 =	rddreg [dreg:$0x0];
	s2 =	stileid.u32  }
0x280: {  	s1 =	rddreg [dreg:$0x1];
	p0 =	sne.s32 s2, $0x0  }
0x281: {  	s3 =	rddreg [dreg:$0x2];
	[bflag:$0x3] =	sbarrier.arrive $0xFFFF;
	s2 =	simm.s32 @!p0 $0x1C09  }
0x282: {  	[timem:s3], [sflag:s2] =	dma.local @!p0 [hbm:s0], s1  }
0x283: {  	s0 =	simm.s32 @!p0 $0x9  }
0x284: {  	_ =	swait.ge @!p0 [sflag:s0], s1  }
0x285: {  	s1 =	ssub.s32 @!p0 $0x0, s1;
	[sflag:s0] =	ssyncset.done @!p0 $0x0  }
0x286: {  	[sflag:s0] =	ssyncadd.s32 @!p0 s1  }
0x287: {  	[bflag:$0x3] =	sbarrier.arrive $0xFFFF  }
0x288: {  	_ =	shalt  }

</sc_bundles>
